<compile_context>
chip_gen: v7x
topology: tpu7x:2x2x1
jax: 0.10.2.dev20260603
libtpu: 0.0.44.dev20260713+nightly
codegen_flags: <defaults>
</compile_context>

<pallas_src>
import functools

import jax
import jax.numpy as jnp
from jax import lax
from jax.experimental import pallas as pl
from jax.experimental.pallas import tpu as pltpu
from jax.experimental.pallas import tpu_sc as plsc

BATCH = 16384
EMBED_DIM = 32
LANES = 16
RING = 8
GROUP = 16 // RING

_info = plsc.get_sparse_core_info()
_NC, _NS = _info.num_cores, _info.num_subcores
NUM_WORKERS = _NC * _NS
BPW = BATCH // NUM_WORKERS
CHUNKS = BPW // RING


def _extract_lane(vec, lane_sel, lane_iota):
    msk = lane_iota == jnp.broadcast_to(lane_sel, (LANES,))
    return jnp.sum(jnp.where(msk, vec, 0))


def _sc_kernel(users_hbm, items_hbm, ut_hbm, it_hbm, out_hbm,
               uidx_v, iidx_v, ubuf_v, ibuf_v, scores_v,
               usem, isem):
    wid = lax.axis_index("s") * _NC + lax.axis_index("c")
    base = wid * BPW
    lane = lax.iota(jnp.int32, LANES)
    d_lo = lane
    d_hi = lane + 16

    pltpu.sync_copy(users_hbm.at[pl.ds(base, BPW)], uidx_v)
    pltpu.sync_copy(items_hbm.at[pl.ds(base, BPW)], iidx_v)

    def entry_scalars(j16_off, j_lane):
        uvec = uidx_v[pl.ds(j16_off, LANES)]
        ivec = iidx_v[pl.ds(j16_off, LANES)]
        u = _extract_lane(uvec, j_lane, lane)
        i = _extract_lane(ivec, j_lane, lane)
        return u, i

    def fire(k, g):
        off16 = pl.multiple_of((g // GROUP) * LANES, LANES)
        u, i = entry_scalars(off16, RING * (g % GROUP) + k)
        uct = pl.multiple_of((u >> 7) * 128, 128)
        ict = pl.multiple_of((i >> 7) * 128, 128)
        pltpu.async_copy(ut_hbm.at[:, pl.ds(uct, 128)], ubuf_v.at[k], usem[k])
        pltpu.async_copy(it_hbm.at[:, pl.ds(ict, 128)], ibuf_v.at[k], isem[k])

    for k in range(RING):
        fire(k, jnp.int32(0))

    def chunk(g, carry):
        off16 = pl.multiple_of((g // GROUP) * LANES, LANES)
        acc = jnp.zeros((LANES,), jnp.float32)
        for k in range(RING):
            j_lane = RING * (g % GROUP) + k
            u, i = entry_scalars(off16, j_lane)
            lu = jnp.broadcast_to(u & 127, (LANES,))
            li = jnp.broadcast_to(i & 127, (LANES,))
            kk = jnp.broadcast_to(jnp.int32(k), (LANES,))
            pltpu.make_async_copy(
                ut_hbm.at[:, pl.ds(0, 128)], ubuf_v.at[k], usem[k]).wait()
            pltpu.make_async_copy(
                it_hbm.at[:, pl.ds(0, 128)], ibuf_v.at[k], isem[k]).wait()
            u0 = plsc.load_gather(ubuf_v, [kk, d_lo, lu])
            u1 = plsc.load_gather(ubuf_v, [kk, d_hi, lu])
            i0 = plsc.load_gather(ibuf_v, [kk, d_lo, li])
            i1 = plsc.load_gather(ibuf_v, [kk, d_hi, li])
            s = jnp.sum(u0 * i0 + u1 * i1)
            msk = lane == jnp.broadcast_to(j_lane, (LANES,))
            acc = acc + jnp.where(msk, jnp.broadcast_to(s, (LANES,)), 0.0)
            gn = jnp.minimum(g + 1, CHUNKS - 1)
            fire(k, gn)
        scores_v[pl.ds(off16, LANES)] = scores_v[pl.ds(off16, LANES)] + acc
        return carry

    def zero(b, carry):
        off = pl.multiple_of(b * LANES, LANES)
        scores_v[pl.ds(off, LANES)] = jnp.zeros((LANES,), jnp.float32)
        return carry

    lax.fori_loop(0, BPW // LANES, zero, 0)
    lax.fori_loop(0, CHUNKS, chunk, 0)

    for k in range(RING):
        pltpu.make_async_copy(
            ut_hbm.at[:, pl.ds(0, 128)], ubuf_v.at[k], usem[k]).wait()
        pltpu.make_async_copy(
            it_hbm.at[:, pl.ds(0, 128)], ibuf_v.at[k], isem[k]).wait()

    pltpu.sync_copy(scores_v, out_hbm.at[pl.ds(base, BPW)])


@jax.jit
def _cml_scores(users, items, ut_t, it_t):
    call = functools.partial(
        pl.kernel,
        mesh=plsc.VectorSubcoreMesh(core_axis_name="c", subcore_axis_name="s"),
        out_type=jax.ShapeDtypeStruct((BATCH,), jnp.float32),
        scratch_types=[
            pltpu.VMEM((BPW,), jnp.int32),
            pltpu.VMEM((BPW,), jnp.int32),
            pltpu.VMEM((RING, EMBED_DIM, 128), jnp.float32),
            pltpu.VMEM((RING, EMBED_DIM, 128), jnp.float32),
            pltpu.VMEM((BPW,), jnp.float32),
            [pltpu.SemaphoreType.DMA] * RING,
            [pltpu.SemaphoreType.DMA] * RING,
        ],
        compiler_params=pltpu.CompilerParams(
            needs_layout_passes=False, use_tc_tiling_on_sc=True),
    )(_sc_kernel)
    return call(users, items, ut_t, it_t)


def kernel(users, items, user_table, item_table):
    users = users.astype(jnp.int32)
    items = items.astype(jnp.int32)
    return _cml_scores(users, items, user_table.T, item_table.T)

# --- scband reference (transcript-rebuilt; emitter-appended) ---
"""Pipeline reference for scband-cml-71854802862180 (READ-ONLY COPY).

The authoritative reference and input builder live on the scoring server;
editing this copy changes nothing except your own understanding.
"""

import jax, jax.numpy as jnp
import numpy as np

N_USERS = 1000000
N_ITEMS = 1000000
EMBED_DIM = 32
BATCH = 16384

def setup_inputs(seed: int = 0) -> dict:
    key = jax.random.key(seed)
    k1, k2, k3, k4 = jax.random.split(key, 4)
    users = jax.random.randint(k1, (BATCH,), 0, N_USERS, dtype=jnp.int64) if jax.config.jax_enable_x64 else jax.random.randint(k1, (BATCH,), 0, N_USERS).astype(jnp.int32)
    items = jax.random.randint(k2, (BATCH,), 0, N_ITEMS).astype(users.dtype)
    user_table = jax.random.normal(k3, (N_USERS, EMBED_DIM), dtype=jnp.float32) * 0.02
    item_table = jax.random.normal(k4, (N_ITEMS, EMBED_DIM), dtype=jnp.float32) * 0.02
    return {"users": users, "items": items, "user_table": user_table, "item_table": item_table}

def reference(users, items, user_table, item_table):
    # CML.forward: users/items cast to long, embedding lookups, elementwise product, sum over embed dim.
    # NOTE: original code then calls self.f(scores) where self.f is never defined (bug in source);
    # the faithful runnable computation ends at the score tensor, which we return.
    users = users.astype(jnp.int32)
    items = items.astype(jnp.int32)
    users_emb = jnp.take(user_table, users, axis=0)
    items_emb = jnp.take(item_table, items, axis=0)
    scores = jnp.sum(users_emb * items_emb, axis=1)
    return scores

if __name__ == "__main__":
    import jax
    _d = setup_inputs()
    print(jax.jit(kernel)(*tuple(_d.values())))

</pallas_src>

<mosaic_0001>
#map = affine_map<(d0, d1) -> (0)>
#map1 = affine_map<(d0, d1) -> (0, 0)>
module attributes {stable_mosaic.version = 14 : i64} {
  func.func @_sc_kernel(%arg0: i32, %arg1: i32, %arg2: memref<16384xi32, #tpu.memory_space<hbm>>, %arg3: memref<16384xi32, #tpu.memory_space<hbm>>, %arg4: memref<32x1000000xf32, #tpu.memory_space<hbm>>, %arg5: memref<32x1000000xf32, #tpu.memory_space<hbm>>, %arg6: memref<16384xf32, #tpu.memory_space<hbm>>, %arg7: memref<512xi32, #tpu.memory_space<vmem>>, %arg8: memref<512xi32, #tpu.memory_space<vmem>>, %arg9: memref<8x32x128xf32, #tpu.memory_space<vmem>>, %arg10: memref<8x32x128xf32, #tpu.memory_space<vmem>>, %arg11: memref<512xf32, #tpu.memory_space<vmem>>, %arg12: memref<!tpu.dma_semaphore, #tpu.memory_space<semaphore_mem>>, %arg13: memref<!tpu.dma_semaphore, #tpu.memory_space<semaphore_mem>>, %arg14: memref<!tpu.dma_semaphore, #tpu.memory_space<semaphore_mem>>, %arg15: memref<!tpu.dma_semaphore, #tpu.memory_space<semaphore_mem>>, %arg16: memref<!tpu.dma_semaphore, #tpu.memory_space<semaphore_mem>>, %arg17: memref<!tpu.dma_semaphore, #tpu.memory_space<semaphore_mem>>, %arg18: memref<!tpu.dma_semaphore, #tpu.memory_space<semaphore_mem>>, %arg19: memref<!tpu.dma_semaphore, #tpu.memory_space<semaphore_mem>>, %arg20: memref<!tpu.dma_semaphore, #tpu.memory_space<semaphore_mem>>, %arg21: memref<!tpu.dma_semaphore, #tpu.memory_space<semaphore_mem>>, %arg22: memref<!tpu.dma_semaphore, #tpu.memory_space<semaphore_mem>>, %arg23: memref<!tpu.dma_semaphore, #tpu.memory_space<semaphore_mem>>, %arg24: memref<!tpu.dma_semaphore, #tpu.memory_space<semaphore_mem>>, %arg25: memref<!tpu.dma_semaphore, #tpu.memory_space<semaphore_mem>>, %arg26: memref<!tpu.dma_semaphore, #tpu.memory_space<semaphore_mem>>, %arg27: memref<!tpu.dma_semaphore, #tpu.memory_space<semaphore_mem>>) attributes {dimension_semantics = [#tpu.dimension_semantics<core_parallel>, #tpu.dimension_semantics<subcore_parallel>], iteration_bounds = array<i64: 2, 16>, scalar_prefetch = 0 : i64, scratch_operands = 21 : i64, tpu.core_type = #tpu.core_type<sc_vector_subcore>, window_params = [{transform_indices = #map}, {transform_indices = #map}, {transform_indices = #map1}, {transform_indices = #map1}, {transform_indices = #map}]} {
    %mul3A = arith.constant 2 : i32
    %mul3A_0 = arith.muli %arg1, %mul3A : i32
    %add3A = arith.addi %mul3A_0, %arg0 : i32
    %mul3A_1 = arith.constant 512 : i32
    %mul3A_2 = arith.muli %add3A, %mul3A_1 : i32
    %iota3A = tpu.iota {dimensions = array<i32: 0>} : vector<16xi32>
    %add3A_3 = arith.constant 16 : i32
    %add3A_4 = vector.broadcast %add3A_3 : i32 to vector<16xi32>
    %add3A_5 = arith.addi %iota3A, %add3A_4 : vector<16xi32>
    "tpu.region"() ({
      %run_scoped3A = tpu.sem_alloc : memref<!tpu.dma_semaphore, #tpu.memory_space<semaphore_mem>>
      %dma_start3A_1096 = tpu.memref_slice %arg2[%mul3A_2] : memref<16384xi32, #tpu.memory_space<hbm>> -> memref<512xi32, #tpu.memory_space<hbm>>
      %dma_start3A_1097 = tpu.memref_slice %arg2[%mul3A_2] : memref<16384xi32, #tpu.memory_space<hbm>> -> memref<512xi32, #tpu.memory_space<hbm>>
      tpu.enqueue_dma source(%dma_start3A_1097 : memref<512xi32, #tpu.memory_space<hbm>>) target(%arg7 : memref<512xi32, #tpu.memory_space<vmem>>) target_semaphore(%run_scoped3A : memref<!tpu.dma_semaphore, #tpu.memory_space<semaphore_mem>>)
      %dma_wait3A_1098 = tpu.memref_slice %arg2[%mul3A_2] : memref<16384xi32, #tpu.memory_space<hbm>> -> memref<512xi32, #tpu.memory_space<hbm>>
      %dma_wait3A_1099 = tpu.memref_slice %arg2[%mul3A_2] : memref<16384xi32, #tpu.memory_space<hbm>> -> memref<512xi32, #tpu.memory_space<hbm>>
      tpu.wait_dma2 semaphore(%run_scoped3A : memref<!tpu.dma_semaphore, #tpu.memory_space<semaphore_mem>>) src(%dma_wait3A_1099 : memref<512xi32, #tpu.memory_space<hbm>>) dst(%arg7 : memref<512xi32, #tpu.memory_space<vmem>>)
      tpu.yield
    }) : () -> ()
    "tpu.region"() ({
      %run_scoped3A = tpu.sem_alloc : memref<!tpu.dma_semaphore, #tpu.memory_space<semaphore_mem>>
      %dma_start3A_1096 = tpu.memref_slice %arg3[%mul3A_2] : memref<16384xi32, #tpu.memory_space<hbm>> -> memref<512xi32, #tpu.memory_space<hbm>>
      %dma_start3A_1097 = tpu.memref_slice %arg3[%mul3A_2] : memref<16384xi32, #tpu.memory_space<hbm>> -> memref<512xi32, #tpu.memory_space<hbm>>
      tpu.enqueue_dma source(%dma_start3A_1097 : memref<512xi32, #tpu.memory_space<hbm>>) target(%arg8 : memref<512xi32, #tpu.memory_space<vmem>>) target_semaphore(%run_scoped3A : memref<!tpu.dma_semaphore, #tpu.memory_space<semaphore_mem>>)
      %dma_wait3A_1098 = tpu.memref_slice %arg3[%mul3A_2] : memref<16384xi32, #tpu.memory_space<hbm>> -> memref<512xi32, #tpu.memory_space<hbm>>
      %dma_wait3A_1099 = tpu.memref_slice %arg3[%mul3A_2] : memref<16384xi32, #tpu.memory_space<hbm>> -> memref<512xi32, #tpu.memory_space<hbm>>
      tpu.wait_dma2 semaphore(%run_scoped3A : memref<!tpu.dma_semaphore, #tpu.memory_space<semaphore_mem>>) src(%dma_wait3A_1099 : memref<512xi32, #tpu.memory_space<hbm>>) dst(%arg8 : memref<512xi32, #tpu.memory_space<vmem>>)
      tpu.yield
    }) : () -> ()
    %jit3A = arith.constant 0 : i32
    %jit3A_6 = arith.constant 2 : i32
    %div3A = arith.divsi %jit3A, %jit3A_6 : i32
    %sign3A = arith.constant 0 : i32
    %sign3A_7 = arith.cmpi sgt, %jit3A, %sign3A : i32
    %sign3A_8 = arith.extui %sign3A_7 : i1 to i32
    %sign3A_9 = arith.constant 0 : i32
    %sign3A_10 = arith.cmpi slt, %jit3A, %sign3A_9 : i32
    %sign3A_11 = arith.extui %sign3A_10 : i1 to i32
    %sign3A_12 = arith.subi %sign3A_8, %sign3A_11 : i32
    %sign3A_13 = arith.constant 0 : i32
    %sign3A_14 = arith.cmpi sgt, %jit3A_6, %sign3A_13 : i32
    %sign3A_15 = arith.extui %sign3A_14 : i1 to i32
    %sign3A_16 = arith.constant 0 : i32
    %sign3A_17 = arith.cmpi slt, %jit3A_6, %sign3A_16 : i32
    %sign3A_18 = arith.extui %sign3A_17 : i1 to i32
    %sign3A_19 = arith.subi %sign3A_15, %sign3A_18 : i32
    %ne3A = arith.cmpi ne, %sign3A_12, %sign3A_19 : i32
    %rem3A = arith.remsi %jit3A, %jit3A_6 : i32
    %ne3A_20 = arith.constant 0 : i32
    %ne3A_21 = arith.cmpi ne, %rem3A, %ne3A_20 : i32
    %and3A = arith.andi %ne3A, %ne3A_21 : i1
    %sub3A = arith.constant 1 : i32
    %sub3A_22 = arith.subi %div3A, %sub3A : i32
    %select_n3A = arith.select %and3A, %sub3A_22, %div3A : i32
    %mul3A_23 = arith.constant 16 : i32
    %mul3A_24 = arith.muli %select_n3A, %mul3A_23 : i32
    %multiple_of3A = tpu.assume_multiple %mul3A_24, 16 : i32
    %jit3A_25 = arith.constant 0 : i32
    %jit3A_26 = arith.constant 2 : i32
    %eq3A = arith.constant 0 : i32
    %eq3A_27 = arith.cmpi eq, %jit3A_26, %eq3A : i32
    %jit3A_28 = arith.constant 1 : i32
    %select_n3A_29 = arith.select %eq3A_27, %jit3A_28, %jit3A_26 : i32
    %rem3A_30 = arith.remsi %jit3A_25, %select_n3A_29 : i32
    %ne3A_31 = arith.constant 0 : i32
    %ne3A_32 = arith.cmpi ne, %rem3A_30, %ne3A_31 : i32
    %lt3A = arith.constant 0 : i32
    %lt3A_33 = arith.cmpi slt, %rem3A_30, %lt3A : i32
    %lt3A_34 = arith.constant 0 : i32
    %lt3A_35 = arith.cmpi slt, %select_n3A_29, %lt3A_34 : i32
    %ne3A_36 = arith.xori %lt3A_33, %lt3A_35 : i1
    %and3A_37 = arith.andi %ne3A_36, %ne3A_32 : i1
    %add3A_38 = arith.addi %rem3A_30, %select_n3A_29 : i32
    %select_n3A_39 = arith.select %and3A_37, %add3A_38, %rem3A_30 : i32
    %mul3A_40 = arith.constant 8 : i32
    %mul3A_41 = arith.muli %mul3A_40, %select_n3A_39 : i32
    %add3A_42 = arith.constant 0 : i32
    %add3A_43 = arith.addi %mul3A_41, %add3A_42 : i32
    %get3A = arith.index_cast %multiple_of3A : i32 to index
    %get3A_44 = tpu.vector_load %arg7[%get3A] {strides = array<i32>} : memref<512xi32, #tpu.memory_space<vmem>>, vector<16xi32>,
    %get3A_45 = arith.index_cast %multiple_of3A : i32 to index
    %get3A_46 = tpu.vector_load %arg8[%get3A_45] {strides = array<i32>} : memref<512xi32, #tpu.memory_space<vmem>>, vector<16xi32>,
    %broadcast_in_dim3A = vector.broadcast %add3A_43 : i32 to vector<16xi32>
    %eq3A_47 = arith.cmpi eq, %iota3A, %broadcast_in_dim3A : vector<16xi32>
    %jit3A_48 = arith.constant 0 : i32
    %broadcast_in_dim3A_49 = vector.broadcast %jit3A_48 : i32 to vector<16xi32>
    %select_n3A_50 = arith.select %eq3A_47, %get3A_44, %broadcast_in_dim3A_49 : vector<16xi1>, vector<16xi32>
    %reduce_sum3A = arith.constant true
    %reduce_sum3A_51 = vector.broadcast %reduce_sum3A : i1 to vector<16xi1>
    %reduce_sum3A_52 = tpu.scan <sum>, %select_n3A_50 masked %reduce_sum3A_51 : vector<16xi32>, vector<16xi1> -> vector<16xi32>
    %reduce_sum3A_53 = vector.extract %reduce_sum3A_52[15] : i32 from vector<16xi32>
    %broadcast_in_dim3A_54 = vector.broadcast %add3A_43 : i32 to vector<16xi32>
    %eq3A_55 = arith.cmpi eq, %iota3A, %broadcast_in_dim3A_54 : vector<16xi32>
    %jit3A_56 = arith.constant 0 : i32
    %broadcast_in_dim3A_57 = vector.broadcast %jit3A_56 : i32 to vector<16xi32>
    %select_n3A_58 = arith.select %eq3A_55, %get3A_46, %broadcast_in_dim3A_57 : vector<16xi1>, vector<16xi32>
    %reduce_sum3A_59 = arith.constant true
    %reduce_sum3A_60 = vector.broadcast %reduce_sum3A_59 : i1 to vector<16xi1>
    %reduce_sum3A_61 = tpu.scan <sum>, %select_n3A_58 masked %reduce_sum3A_60 : vector<16xi32>, vector<16xi1> -> vector<16xi32>
    %reduce_sum3A_62 = vector.extract %reduce_sum3A_61[15] : i32 from vector<16xi32>
    %shift_right_arithmetic3A = arith.constant 7 : i32
    %shift_right_arithmetic3A_63 = arith.shrsi %reduce_sum3A_53, %shift_right_arithmetic3A : i32
    %mul3A_64 = arith.constant 128 : i32
    %mul3A_65 = arith.muli %shift_right_arithmetic3A_63, %mul3A_64 : i32
    %multiple_of3A_66 = tpu.assume_multiple %mul3A_65, 128 : i32
    %shift_right_arithmetic3A_67 = arith.constant 7 : i32
    %shift_right_arithmetic3A_68 = arith.shrsi %reduce_sum3A_62, %shift_right_arithmetic3A_67 : i32
    %mul3A_69 = arith.constant 128 : i32
    %mul3A_70 = arith.muli %shift_right_arithmetic3A_68, %mul3A_69 : i32
    %multiple_of3A_71 = tpu.assume_multiple %mul3A_70, 128 : i32
    %dma_start3A = arith.constant 0 : i32
    %dma_start3A_72 = arith.constant 0 : i32
    %dma_start3A_73 = arith.constant 0 : i32
    %dma_start3A_74 = tpu.memref_slice %arg9[%dma_start3A, %dma_start3A_72, %dma_start3A_73] : memref<8x32x128xf32, #tpu.memory_space<vmem>> -> memref<1x32x128xf32, #tpu.memory_space<vmem>>
    %dma_start3A_75 = tpu.memref_squeeze %dma_start3A_74 : memref<1x32x128xf32, #tpu.memory_space<vmem>> -> memref<32x128xf32, #tpu.memory_space<vmem>>
    %dma_start3A_76 = arith.constant 0 : i32
    %dma_start3A_77 = tpu.memref_slice %arg4[%dma_start3A_76, %multiple_of3A_66] : memref<32x1000000xf32, #tpu.memory_space<hbm>> -> memref<32x128xf32, #tpu.memory_space<hbm>>
    %dma_start3A_78 = arith.constant 0 : i32
    %dma_start3A_79 = arith.constant 0 : i32
    %dma_start3A_80 = tpu.memref_slice %arg9[%dma_start3A, %dma_start3A_78, %dma_start3A_79] : memref<8x32x128xf32, #tpu.memory_space<vmem>> -> memref<1x32x128xf32, #tpu.memory_space<vmem>>
    %dma_start3A_81 = tpu.memref_squeeze %dma_start3A_80 : memref<1x32x128xf32, #tpu.memory_space<vmem>> -> memref<32x128xf32, #tpu.memory_space<vmem>>
    %dma_start3A_82 = arith.constant 0 : i32
    %dma_start3A_83 = tpu.memref_slice %arg4[%dma_start3A_82, %multiple_of3A_66] : memref<32x1000000xf32, #tpu.memory_space<hbm>> -> memref<32x128xf32, #tpu.memory_space<hbm>>
    tpu.enqueue_dma source(%dma_start3A_83 : memref<32x128xf32, #tpu.memory_space<hbm>>) target(%dma_start3A_81 : memref<32x128xf32, #tpu.memory_space<vmem>>) target_semaphore(%arg12 : memref<!tpu.dma_semaphore, #tpu.memory_space<semaphore_mem>>)
    %dma_start3A_84 = arith.constant 0 : i32
    %dma_start3A_85 = arith.constant 0 : i32
    %dma_start3A_86 = arith.constant 0 : i32
    %dma_start3A_87 = tpu.memref_slice %arg10[%dma_start3A_84, %dma_start3A_85, %dma_start3A_86] : memref<8x32x128xf32, #tpu.memory_space<vmem>> -> memref<1x32x128xf32, #tpu.memory_space<vmem>>
    %dma_start3A_88 = tpu.memref_squeeze %dma_start3A_87 : memref<1x32x128xf32, #tpu.memory_space<vmem>> -> memref<32x128xf32, #tpu.memory_space<vmem>>
    %dma_start3A_89 = arith.constant 0 : i32
    %dma_start3A_90 = tpu.memref_slice %arg5[%dma_start3A_89, %multiple_of3A_71] : memref<32x1000000xf32, #tpu.memory_space<hbm>> -> memref<32x128xf32, #tpu.memory_space<hbm>>
    %dma_start3A_91 = arith.constant 0 : i32
    %dma_start3A_92 = arith.constant 0 : i32
    %dma_start3A_93 = tpu.memref_slice %arg10[%dma_start3A_84, %dma_start3A_91, %dma_start3A_92] : memref<8x32x128xf32, #tpu.memory_space<vmem>> -> memref<1x32x128xf32, #tpu.memory_space<vmem>>
    %dma_start3A_94 = tpu.memref_squeeze %dma_start3A_93 : memref<1x32x128xf32, #tpu.memory_space<vmem>> -> memref<32x128xf32, #tpu.memory_space<vmem>>
    %dma_start3A_95 = arith.constant 0 : i32
    %dma_start3A_96 = tpu.memref_slice %arg5[%dma_start3A_95, %multiple_of3A_71] : memref<32x1000000xf32, #tpu.memory_space<hbm>> -> memref<32x128xf32, #tpu.memory_space<hbm>>
    tpu.enqueue_dma source(%dma_start3A_96 : memref<32x128xf32, #tpu.memory_space<hbm>>) target(%dma_start3A_94 : memref<32x128xf32, #tpu.memory_space<vmem>>) target_semaphore(%arg20 : memref<!tpu.dma_semaphore, #tpu.memory_space<semaphore_mem>>)
    %jit3A_97 = arith.constant 0 : i32
    %jit3A_98 = arith.constant 2 : i32
    %div3A_99 = arith.divsi %jit3A_97, %jit3A_98 : i32
    %sign3A_100 = arith.constant 0 : i32
    %sign3A_101 = arith.cmpi sgt, %jit3A_97, %sign3A_100 : i32
    %sign3A_102 = arith.extui %sign3A_101 : i1 to i32
    %sign3A_103 = arith.constant 0 : i32
    %sign3A_104 = arith.cmpi slt, %jit3A_97, %sign3A_103 : i32
    %sign3A_105 = arith.extui %sign3A_104 : i1 to i32
    %sign3A_106 = arith.subi %sign3A_102, %sign3A_105 : i32
    %sign3A_107 = arith.constant 0 : i32
    %sign3A_108 = arith.cmpi sgt, %jit3A_98, %sign3A_107 : i32
    %sign3A_109 = arith.extui %sign3A_108 : i1 to i32
    %sign3A_110 = arith.constant 0 : i32
    %sign3A_111 = arith.cmpi slt, %jit3A_98, %sign3A_110 : i32
    %sign3A_112 = arith.extui %sign3A_111 : i1 to i32
    %sign3A_113 = arith.subi %sign3A_109, %sign3A_112 : i32
    %ne3A_114 = arith.cmpi ne, %sign3A_106, %sign3A_113 : i32
    %rem3A_115 = arith.remsi %jit3A_97, %jit3A_98 : i32
    %ne3A_116 = arith.constant 0 : i32
    %ne3A_117 = arith.cmpi ne, %rem3A_115, %ne3A_116 : i32
    %and3A_118 = arith.andi %ne3A_114, %ne3A_117 : i1
    %sub3A_119 = arith.constant 1 : i32
    %sub3A_120 = arith.subi %div3A_99, %sub3A_119 : i32
    %select_n3A_121 = arith.select %and3A_118, %sub3A_120, %div3A_99 : i32
    %mul3A_122 = arith.constant 16 : i32
    %mul3A_123 = arith.muli %select_n3A_121, %mul3A_122 : i32
    %multiple_of3A_124 = tpu.assume_multiple %mul3A_123, 16 : i32
    %jit3A_125 = arith.constant 0 : i32
    %jit3A_126 = arith.constant 2 : i32
    %eq3A_127 = arith.constant 0 : i32
    %eq3A_128 = arith.cmpi eq, %jit3A_126, %eq3A_127 : i32
    %jit3A_129 = arith.constant 1 : i32
    %select_n3A_130 = arith.select %eq3A_128, %jit3A_129, %jit3A_126 : i32
    %rem3A_131 = arith.remsi %jit3A_125, %select_n3A_130 : i32
    %ne3A_132 = arith.constant 0 : i32
    %ne3A_133 = arith.cmpi ne, %rem3A_131, %ne3A_132 : i32
    %lt3A_134 = arith.constant 0 : i32
    %lt3A_135 = arith.cmpi slt, %rem3A_131, %lt3A_134 : i32
    %lt3A_136 = arith.constant 0 : i32
    %lt3A_137 = arith.cmpi slt, %select_n3A_130, %lt3A_136 : i32
    %ne3A_138 = arith.xori %lt3A_135, %lt3A_137 : i1
    %and3A_139 = arith.andi %ne3A_138, %ne3A_133 : i1
    %add3A_140 = arith.addi %rem3A_131, %select_n3A_130 : i32
    %select_n3A_141 = arith.select %and3A_139, %add3A_140, %rem3A_131 : i32
    %mul3A_142 = arith.constant 8 : i32
    %mul3A_143 = arith.muli %mul3A_142, %select_n3A_141 : i32
    %add3A_144 = arith.constant 1 : i32
    %add3A_145 = arith.addi %mul3A_143, %add3A_144 : i32
    %get3A_146 = arith.index_cast %multiple_of3A_124 : i32 to index
    %get3A_147 = tpu.vector_load %arg7[%get3A_146] {strides = array<i32>} : memref<512xi32, #tpu.memory_space<vmem>>, vector<16xi32>,
    %get3A_148 = arith.index_cast %multiple_of3A_124 : i32 to index
    %get3A_149 = tpu.vector_load %arg8[%get3A_148] {strides = array<i32>} : memref<512xi32, #tpu.memory_space<vmem>>, vector<16xi32>,
    %broadcast_in_dim3A_150 = vector.broadcast %add3A_145 : i32 to vector<16xi32>
    %eq3A_151 = arith.cmpi eq, %iota3A, %broadcast_in_dim3A_150 : vector<16xi32>
    %jit3A_152 = arith.constant 0 : i32
    %broadcast_in_dim3A_153 = vector.broadcast %jit3A_152 : i32 to vector<16xi32>
    %select_n3A_154 = arith.select %eq3A_151, %get3A_147, %broadcast_in_dim3A_153 : vector<16xi1>, vector<16xi32>
    %reduce_sum3A_155 = arith.constant true
    %reduce_sum3A_156 = vector.broadcast %reduce_sum3A_155 : i1 to vector<16xi1>
    %reduce_sum3A_157 = tpu.scan <sum>, %select_n3A_154 masked %reduce_sum3A_156 : vector<16xi32>, vector<16xi1> -> vector<16xi32>
    %reduce_sum3A_158 = vector.extract %reduce_sum3A_157[15] : i32 from vector<16xi32>
    %broadcast_in_dim3A_159 = vector.broadcast %add3A_145 : i32 to vector<16xi32>
    %eq3A_160 = arith.cmpi eq, %iota3A, %broadcast_in_dim3A_159 : vector<16xi32>
    %jit3A_161 = arith.constant 0 : i32
    %broadcast_in_dim3A_162 = vector.broadcast %jit3A_161 : i32 to vector<16xi32>
    %select_n3A_163 = arith.select %eq3A_160, %get3A_149, %broadcast_in_dim3A_162 : vector<16xi1>, vector<16xi32>
    %reduce_sum3A_164 = arith.constant true
    %reduce_sum3A_165 = vector.broadcast %reduce_sum3A_164 : i1 to vector<16xi1>
    %reduce_sum3A_166 = tpu.scan <sum>, %select_n3A_163 masked %reduce_sum3A_165 : vector<16xi32>, vector<16xi1> -> vector<16xi32>
    %reduce_sum3A_167 = vector.extract %reduce_sum3A_166[15] : i32 from vector<16xi32>
    %shift_right_arithmetic3A_168 = arith.constant 7 : i32
    %shift_right_arithmetic3A_169 = arith.shrsi %reduce_sum3A_158, %shift_right_arithmetic3A_168 : i32
    %mul3A_170 = arith.constant 128 : i32
    %mul3A_171 = arith.muli %shift_right_arithmetic3A_169, %mul3A_170 : i32
    %multiple_of3A_172 = tpu.assume_multiple %mul3A_171, 128 : i32
    %shift_right_arithmetic3A_173 = arith.constant 7 : i32
    %shift_right_arithmetic3A_174 = arith.shrsi %reduce_sum3A_167, %shift_right_arithmetic3A_173 : i32
    %mul3A_175 = arith.constant 128 : i32
    %mul3A_176 = arith.muli %shift_right_arithmetic3A_174, %mul3A_175 : i32
    %multiple_of3A_177 = tpu.assume_multiple %mul3A_176, 128 : i32
    %dma_start3A_178 = arith.constant 1 : i32
    %dma_start3A_179 = arith.constant 0 : i32
    %dma_start3A_180 = arith.constant 0 : i32
    %dma_start3A_181 = tpu.memref_slice %arg9[%dma_start3A_178, %dma_start3A_179, %dma_start3A_180] : memref<8x32x128xf32, #tpu.memory_space<vmem>> -> memref<1x32x128xf32, #tpu.memory_space<vmem>>
    %dma_start3A_182 = tpu.memref_squeeze %dma_start3A_181 : memref<1x32x128xf32, #tpu.memory_space<vmem>> -> memref<32x128xf32, #tpu.memory_space<vmem>>
    %dma_start3A_183 = arith.constant 0 : i32
    %dma_start3A_184 = tpu.memref_slice %arg4[%dma_start3A_183, %multiple_of3A_172] : memref<32x1000000xf32, #tpu.memory_space<hbm>> -> memref<32x128xf32, #tpu.memory_space<hbm>>
    %dma_start3A_185 = arith.constant 0 : i32
    %dma_start3A_186 = arith.constant 0 : i32
    %dma_start3A_187 = tpu.memref_slice %arg9[%dma_start3A_178, %dma_start3A_185, %dma_start3A_186] : memref<8x32x128xf32, #tpu.memory_space<vmem>> -> memref<1x32x128xf32, #tpu.memory_space<vmem>>
    %dma_start3A_188 = tpu.memref_squeeze %dma_start3A_187 : memref<1x32x128xf32, #tpu.memory_space<vmem>> -> memref<32x128xf32, #tpu.memory_space<vmem>>
    %dma_start3A_189 = arith.constant 0 : i32
    %dma_start3A_190 = tpu.memref_slice %arg4[%dma_start3A_189, %multiple_of3A_172] : memref<32x1000000xf32, #tpu.memory_space<hbm>> -> memref<32x128xf32, #tpu.memory_space<hbm>>
    tpu.enqueue_dma source(%dma_start3A_190 : memref<32x128xf32, #tpu.memory_space<hbm>>) target(%dma_start3A_188 : memref<32x128xf32, #tpu.memory_space<vmem>>) target_semaphore(%arg13 : memref<!tpu.dma_semaphore, #tpu.memory_space<semaphore_mem>>)
    %dma_start3A_191 = arith.constant 1 : i32
    %dma_start3A_192 = arith.constant 0 : i32
    %dma_start3A_193 = arith.constant 0 : i32
    %dma_start3A_194 = tpu.memref_slice %arg10[%dma_start3A_191, %dma_start3A_192, %dma_start3A_193] : memref<8x32x128xf32, #tpu.memory_space<vmem>> -> memref<1x32x128xf32, #tpu.memory_space<vmem>>
    %dma_start3A_195 = tpu.memref_squeeze %dma_start3A_194 : memref<1x32x128xf32, #tpu.memory_space<vmem>> -> memref<32x128xf32, #tpu.memory_space<vmem>>
    %dma_start3A_196 = arith.constant 0 : i32
    %dma_start3A_197 = tpu.memref_slice %arg5[%dma_start3A_196, %multiple_of3A_177] : memref<32x1000000xf32, #tpu.memory_space<hbm>> -> memref<32x128xf32, #tpu.memory_space<hbm>>
    %dma_start3A_198 = arith.constant 0 : i32
    %dma_start3A_199 = arith.constant 0 : i32
    %dma_start3A_200 = tpu.memref_slice %arg10[%dma_start3A_191, %dma_start3A_198, %dma_start3A_199] : memref<8x32x128xf32, #tpu.memory_space<vmem>> -> memref<1x32x128xf32, #tpu.memory_space<vmem>>
    %dma_start3A_201 = tpu.memref_squeeze %dma_start3A_200 : memref<1x32x128xf32, #tpu.memory_space<vmem>> -> memref<32x128xf32, #tpu.memory_space<vmem>>
    %dma_start3A_202 = arith.constant 0 : i32
    %dma_start3A_203 = tpu.memref_slice %arg5[%dma_start3A_202, %multiple_of3A_177] : memref<32x1000000xf32, #tpu.memory_space<hbm>> -> memref<32x128xf32, #tpu.memory_space<hbm>>
    tpu.enqueue_dma source(%dma_start3A_203 : memref<32x128xf32, #tpu.memory_space<hbm>>) target(%dma_start3A_201 : memref<32x128xf32, #tpu.memory_space<vmem>>) target_semaphore(%arg21 : memref<!tpu.dma_semaphore, #tpu.memory_space<semaphore_mem>>)
    %jit3A_204 = arith.constant 0 : i32
    %jit3A_205 = arith.constant 2 : i32
    %div3A_206 = arith.divsi %jit3A_204, %jit3A_205 : i32
    %sign3A_207 = arith.constant 0 : i32
    %sign3A_208 = arith.cmpi sgt, %jit3A_204, %sign3A_207 : i32
    %sign3A_209 = arith.extui %sign3A_208 : i1 to i32
    %sign3A_210 = arith.constant 0 : i32
    %sign3A_211 = arith.cmpi slt, %jit3A_204, %sign3A_210 : i32
    %sign3A_212 = arith.extui %sign3A_211 : i1 to i32
    %sign3A_213 = arith.subi %sign3A_209, %sign3A_212 : i32
    %sign3A_214 = arith.constant 0 : i32
    %sign3A_215 = arith.cmpi sgt, %jit3A_205, %sign3A_214 : i32
    %sign3A_216 = arith.extui %sign3A_215 : i1 to i32
    %sign3A_217 = arith.constant 0 : i32
    %sign3A_218 = arith.cmpi slt, %jit3A_205, %sign3A_217 : i32
    %sign3A_219 = arith.extui %sign3A_218 : i1 to i32
    %sign3A_220 = arith.subi %sign3A_216, %sign3A_219 : i32
    %ne3A_221 = arith.cmpi ne, %sign3A_213, %sign3A_220 : i32
    %rem3A_222 = arith.remsi %jit3A_204, %jit3A_205 : i32
    %ne3A_223 = arith.constant 0 : i32
    %ne3A_224 = arith.cmpi ne, %rem3A_222, %ne3A_223 : i32
    %and3A_225 = arith.andi %ne3A_221, %ne3A_224 : i1
    %sub3A_226 = arith.constant 1 : i32
    %sub3A_227 = arith.subi %div3A_206, %sub3A_226 : i32
    %select_n3A_228 = arith.select %and3A_225, %sub3A_227, %div3A_206 : i32
    %mul3A_229 = arith.constant 16 : i32
    %mul3A_230 = arith.muli %select_n3A_228, %mul3A_229 : i32
    %multiple_of3A_231 = tpu.assume_multiple %mul3A_230, 16 : i32
    %jit3A_232 = arith.constant 0 : i32
    %jit3A_233 = arith.constant 2 : i32
    %eq3A_234 = arith.constant 0 : i32
    %eq3A_235 = arith.cmpi eq, %jit3A_233, %eq3A_234 : i32
    %jit3A_236 = arith.constant 1 : i32
    %select_n3A_237 = arith.select %eq3A_235, %jit3A_236, %jit3A_233 : i32
    %rem3A_238 = arith.remsi %jit3A_232, %select_n3A_237 : i32
    %ne3A_239 = arith.constant 0 : i32
    %ne3A_240 = arith.cmpi ne, %rem3A_238, %ne3A_239 : i32
    %lt3A_241 = arith.constant 0 : i32
    %lt3A_242 = arith.cmpi slt, %rem3A_238, %lt3A_241 : i32
    %lt3A_243 = arith.constant 0 : i32
    %lt3A_244 = arith.cmpi slt, %select_n3A_237, %lt3A_243 : i32
    %ne3A_245 = arith.xori %lt3A_242, %lt3A_244 : i1
    %and3A_246 = arith.andi %ne3A_245, %ne3A_240 : i1
    %add3A_247 = arith.addi %rem3A_238, %select_n3A_237 : i32
    %select_n3A_248 = arith.select %and3A_246, %add3A_247, %rem3A_238 : i32
    %mul3A_249 = arith.constant 8 : i32
    %mul3A_250 = arith.muli %mul3A_249, %select_n3A_248 : i32
    %add3A_251 = arith.constant 2 : i32
    %add3A_252 = arith.addi %mul3A_250, %add3A_251 : i32
    %get3A_253 = arith.index_cast %multiple_of3A_231 : i32 to index
    %get3A_254 = tpu.vector_load %arg7[%get3A_253] {strides = array<i32>} : memref<512xi32, #tpu.memory_space<vmem>>, vector<16xi32>,
    %get3A_255 = arith.index_cast %multiple_of3A_231 : i32 to index
    %get3A_256 = tpu.vector_load %arg8[%get3A_255] {strides = array<i32>} : memref<512xi32, #tpu.memory_space<vmem>>, vector<16xi32>,
    %broadcast_in_dim3A_257 = vector.broadcast %add3A_252 : i32 to vector<16xi32>
    %eq3A_258 = arith.cmpi eq, %iota3A, %broadcast_in_dim3A_257 : vector<16xi32>
    %jit3A_259 = arith.constant 0 : i32
    %broadcast_in_dim3A_260 = vector.broadcast %jit3A_259 : i32 to vector<16xi32>
    %select_n3A_261 = arith.select %eq3A_258, %get3A_254, %broadcast_in_dim3A_260 : vector<16xi1>, vector<16xi32>
    %reduce_sum3A_262 = arith.constant true
    %reduce_sum3A_263 = vector.broadcast %reduce_sum3A_262 : i1 to vector<16xi1>
    %reduce_sum3A_264 = tpu.scan <sum>, %select_n3A_261 masked %reduce_sum3A_263 : vector<16xi32>, vector<16xi1> -> vector<16xi32>
    %reduce_sum3A_265 = vector.extract %reduce_sum3A_264[15] : i32 from vector<16xi32>
    %broadcast_in_dim3A_266 = vector.broadcast %add3A_252 : i32 to vector<16xi32>
    %eq3A_267 = arith.cmpi eq, %iota3A, %broadcast_in_dim3A_266 : vector<16xi32>
    %jit3A_268 = arith.constant 0 : i32
    %broadcast_in_dim3A_269 = vector.broadcast %jit3A_268 : i32 to vector<16xi32>
    %select_n3A_270 = arith.select %eq3A_267, %get3A_256, %broadcast_in_dim3A_269 : vector<16xi1>, vector<16xi32>
    %reduce_sum3A_271 = arith.constant true
    %reduce_sum3A_272 = vector.broadcast %reduce_sum3A_271 : i1 to vector<16xi1>
    %reduce_sum3A_273 = tpu.scan <sum>, %select_n3A_270 masked %reduce_sum3A_272 : vector<16xi32>, vector<16xi1> -> vector<16xi32>
    %reduce_sum3A_274 = vector.extract %reduce_sum3A_273[15] : i32 from vector<16xi32>
    %shift_right_arithmetic3A_275 = arith.constant 7 : i32
    %shift_right_arithmetic3A_276 = arith.shrsi %reduce_sum3A_265, %shift_right_arithmetic3A_275 : i32
    %mul3A_277 = arith.constant 128 : i32
    %mul3A_278 = arith.muli %shift_right_arithmetic3A_276, %mul3A_277 : i32
    %multiple_of3A_279 = tpu.assume_multiple %mul3A_278, 128 : i32
    %shift_right_arithmetic3A_280 = arith.constant 7 : i32
    %shift_right_arithmetic3A_281 = arith.shrsi %reduce_sum3A_274, %shift_right_arithmetic3A_280 : i32
    %mul3A_282 = arith.constant 128 : i32
    %mul3A_283 = arith.muli %shift_right_arithmetic3A_281, %mul3A_282 : i32
    %multiple_of3A_284 = tpu.assume_multiple %mul3A_283, 128 : i32
    %dma_start3A_285 = arith.constant 2 : i32
    %dma_start3A_286 = arith.constant 0 : i32
    %dma_start3A_287 = arith.constant 0 : i32
    %dma_start3A_288 = tpu.memref_slice %arg9[%dma_start3A_285, %dma_start3A_286, %dma_start3A_287] : memref<8x32x128xf32, #tpu.memory_space<vmem>> -> memref<1x32x128xf32, #tpu.memory_space<vmem>>
    %dma_start3A_289 = tpu.memref_squeeze %dma_start3A_288 : memref<1x32x128xf32, #tpu.memory_space<vmem>> -> memref<32x128xf32, #tpu.memory_space<vmem>>
    %dma_start3A_290 = arith.constant 0 : i32
    %dma_start3A_291 = tpu.memref_slice %arg4[%dma_start3A_290, %multiple_of3A_279] : memref<32x1000000xf32, #tpu.memory_space<hbm>> -> memref<32x128xf32, #tpu.memory_space<hbm>>
    %dma_start3A_292 = arith.constant 0 : i32
    %dma_start3A_293 = arith.constant 0 : i32
    %dma_start3A_294 = tpu.memref_slice %arg9[%dma_start3A_285, %dma_start3A_292, %dma_start3A_293] : memref<8x32x128xf32, #tpu.memory_space<vmem>> -> memref<1x32x128xf32, #tpu.memory_space<vmem>>
    %dma_start3A_295 = tpu.memref_squeeze %dma_start3A_294 : memref<1x32x128xf32, #tpu.memory_space<vmem>> -> memref<32x128xf32, #tpu.memory_space<vmem>>
    %dma_start3A_296 = arith.constant 0 : i32
    %dma_start3A_297 = tpu.memref_slice %arg4[%dma_start3A_296, %multiple_of3A_279] : memref<32x1000000xf32, #tpu.memory_space<hbm>> -> memref<32x128xf32, #tpu.memory_space<hbm>>
    tpu.enqueue_dma source(%dma_start3A_297 : memref<32x128xf32, #tpu.memory_space<hbm>>) target(%dma_start3A_295 : memref<32x128xf32, #tpu.memory_space<vmem>>) target_semaphore(%arg14 : memref<!tpu.dma_semaphore, #tpu.memory_space<semaphore_mem>>)
    %dma_start3A_298 = arith.constant 2 : i32
    %dma_start3A_299 = arith.constant 0 : i32
    %dma_start3A_300 = arith.constant 0 : i32
    %dma_start3A_301 = tpu.memref_slice %arg10[%dma_start3A_298, %dma_start3A_299, %dma_start3A_300] : memref<8x32x128xf32, #tpu.memory_space<vmem>> -> memref<1x32x128xf32, #tpu.memory_space<vmem>>
    %dma_start3A_302 = tpu.memref_squeeze %dma_start3A_301 : memref<1x32x128xf32, #tpu.memory_space<vmem>> -> memref<32x128xf32, #tpu.memory_space<vmem>>
    %dma_start3A_303 = arith.constant 0 : i32
    %dma_start3A_304 = tpu.memref_slice %arg5[%dma_start3A_303, %multiple_of3A_284] : memref<32x1000000xf32, #tpu.memory_space<hbm>> -> memref<32x128xf32, #tpu.memory_space<hbm>>
    %dma_start3A_305 = arith.constant 0 : i32
    %dma_start3A_306 = arith.constant 0 : i32
    %dma_start3A_307 = tpu.memref_slice %arg10[%dma_start3A_298, %dma_start3A_305, %dma_start3A_306] : memref<8x32x128xf32, #tpu.memory_space<vmem>> -> memref<1x32x128xf32, #tpu.memory_space<vmem>>
    %dma_start3A_308 = tpu.memref_squeeze %dma_start3A_307 : memref<1x32x128xf32, #tpu.memory_space<vmem>> -> memref<32x128xf32, #tpu.memory_space<vmem>>
    %dma_start3A_309 = arith.constant 0 : i32
    %dma_start3A_310 = tpu.memref_slice %arg5[%dma_start3A_309, %multiple_of3A_284] : memref<32x1000000xf32, #tpu.memory_space<hbm>> -> memref<32x128xf32, #tpu.memory_space<hbm>>
    tpu.enqueue_dma source(%dma_start3A_310 : memref<32x128xf32, #tpu.memory_space<hbm>>) target(%dma_start3A_308 : memref<32x128xf32, #tpu.memory_space<vmem>>) target_semaphore(%arg22 : memref<!tpu.dma_semaphore, #tpu.memory_space<semaphore_mem>>)
    %jit3A_311 = arith.constant 0 : i32
    %jit3A_312 = arith.constant 2 : i32
    %div3A_313 = arith.divsi %jit3A_311, %jit3A_312 : i32
    %sign3A_314 = arith.constant 0 : i32
    %sign3A_315 = arith.cmpi sgt, %jit3A_311, %sign3A_314 : i32
    %sign3A_316 = arith.extui %sign3A_315 : i1 to i32
    %sign3A_317 = arith.constant 0 : i32
    %sign3A_318 = arith.cmpi slt, %jit3A_311, %sign3A_317 : i32
    %sign3A_319 = arith.extui %sign3A_318 : i1 to i32
    %sign3A_320 = arith.subi %sign3A_316, %sign3A_319 : i32
    %sign3A_321 = arith.constant 0 : i32
    %sign3A_322 = arith.cmpi sgt, %jit3A_312, %sign3A_321 : i32
    %sign3A_323 = arith.extui %sign3A_322 : i1 to i32
    %sign3A_324 = arith.constant 0 : i32
    %sign3A_325 = arith.cmpi slt, %jit3A_312, %sign3A_324 : i32
    %sign3A_326 = arith.extui %sign3A_325 : i1 to i32
    %sign3A_327 = arith.subi %sign3A_323, %sign3A_326 : i32
    %ne3A_328 = arith.cmpi ne, %sign3A_320, %sign3A_327 : i32
    %rem3A_329 = arith.remsi %jit3A_311, %jit3A_312 : i32
    %ne3A_330 = arith.constant 0 : i32
    %ne3A_331 = arith.cmpi ne, %rem3A_329, %ne3A_330 : i32
    %and3A_332 = arith.andi %ne3A_328, %ne3A_331 : i1
    %sub3A_333 = arith.constant 1 : i32
    %sub3A_334 = arith.subi %div3A_313, %sub3A_333 : i32
    %select_n3A_335 = arith.select %and3A_332, %sub3A_334, %div3A_313 : i32
    %mul3A_336 = arith.constant 16 : i32
    %mul3A_337 = arith.muli %select_n3A_335, %mul3A_336 : i32
    %multiple_of3A_338 = tpu.assume_multiple %mul3A_337, 16 : i32
    %jit3A_339 = arith.constant 0 : i32
    %jit3A_340 = arith.constant 2 : i32
    %eq3A_341 = arith.constant 0 : i32
    %eq3A_342 = arith.cmpi eq, %jit3A_340, %eq3A_341 : i32
    %jit3A_343 = arith.constant 1 : i32
    %select_n3A_344 = arith.select %eq3A_342, %jit3A_343, %jit3A_340 : i32
    %rem3A_345 = arith.remsi %jit3A_339, %select_n3A_344 : i32
    %ne3A_346 = arith.constant 0 : i32
    %ne3A_347 = arith.cmpi ne, %rem3A_345, %ne3A_346 : i32
    %lt3A_348 = arith.constant 0 : i32
    %lt3A_349 = arith.cmpi slt, %rem3A_345, %lt3A_348 : i32
    %lt3A_350 = arith.constant 0 : i32
    %lt3A_351 = arith.cmpi slt, %select_n3A_344, %lt3A_350 : i32
    %ne3A_352 = arith.xori %lt3A_349, %lt3A_351 : i1
    %and3A_353 = arith.andi %ne3A_352, %ne3A_347 : i1
    %add3A_354 = arith.addi %rem3A_345, %select_n3A_344 : i32
    %select_n3A_355 = arith.select %and3A_353, %add3A_354, %rem3A_345 : i32
    %mul3A_356 = arith.constant 8 : i32
    %mul3A_357 = arith.muli %mul3A_356, %select_n3A_355 : i32
    %add3A_358 = arith.constant 3 : i32
    %add3A_359 = arith.addi %mul3A_357, %add3A_358 : i32
    %get3A_360 = arith.index_cast %multiple_of3A_338 : i32 to index
    %get3A_361 = tpu.vector_load %arg7[%get3A_360] {strides = array<i32>} : memref<512xi32, #tpu.memory_space<vmem>>, vector<16xi32>,
    %get3A_362 = arith.index_cast %multiple_of3A_338 : i32 to index
    %get3A_363 = tpu.vector_load %arg8[%get3A_362] {strides = array<i32>} : memref<512xi32, #tpu.memory_space<vmem>>, vector<16xi32>,
    %broadcast_in_dim3A_364 = vector.broadcast %add3A_359 : i32 to vector<16xi32>
    %eq3A_365 = arith.cmpi eq, %iota3A, %broadcast_in_dim3A_364 : vector<16xi32>
    %jit3A_366 = arith.constant 0 : i32
    %broadcast_in_dim3A_367 = vector.broadcast %jit3A_366 : i32 to vector<16xi32>
    %select_n3A_368 = arith.select %eq3A_365, %get3A_361, %broadcast_in_dim3A_367 : vector<16xi1>, vector<16xi32>
    %reduce_sum3A_369 = arith.constant true
    %reduce_sum3A_370 = vector.broadcast %reduce_sum3A_369 : i1 to vector<16xi1>
    %reduce_sum3A_371 = tpu.scan <sum>, %select_n3A_368 masked %reduce_sum3A_370 : vector<16xi32>, vector<16xi1> -> vector<16xi32>
    %reduce_sum3A_372 = vector.extract %reduce_sum3A_371[15] : i32 from vector<16xi32>
    %broadcast_in_dim3A_373 = vector.broadcast %add3A_359 : i32 to vector<16xi32>
    %eq3A_374 = arith.cmpi eq, %iota3A, %broadcast_in_dim3A_373 : vector<16xi32>
    %jit3A_375 = arith.constant 0 : i32
    %broadcast_in_dim3A_376 = vector.broadcast %jit3A_375 : i32 to vector<16xi32>
    %select_n3A_377 = arith.select %eq3A_374, %get3A_363, %broadcast_in_dim3A_376 : vector<16xi1>, vector<16xi32>
    %reduce_sum3A_378 = arith.constant true
    %reduce_sum3A_379 = vector.broadcast %reduce_sum3A_378 : i1 to vector<16xi1>
    %reduce_sum3A_380 = tpu.scan <sum>, %select_n3A_377 masked %reduce_sum3A_379 : vector<16xi32>, vector<16xi1> -> vector<16xi32>
    %reduce_sum3A_381 = vector.extract %reduce_sum3A_380[15] : i32 from vector<16xi32>
    %shift_right_arithmetic3A_382 = arith.constant 7 : i32
    %shift_right_arithmetic3A_383 = arith.shrsi %reduce_sum3A_372, %shift_right_arithmetic3A_382 : i32
    %mul3A_384 = arith.constant 128 : i32
    %mul3A_385 = arith.muli %shift_right_arithmetic3A_383, %mul3A_384 : i32
    %multiple_of3A_386 = tpu.assume_multiple %mul3A_385, 128 : i32
    %shift_right_arithmetic3A_387 = arith.constant 7 : i32
    %shift_right_arithmetic3A_388 = arith.shrsi %reduce_sum3A_381, %shift_right_arithmetic3A_387 : i32
    %mul3A_389 = arith.constant 128 : i32
    %mul3A_390 = arith.muli %shift_right_arithmetic3A_388, %mul3A_389 : i32
    %multiple_of3A_391 = tpu.assume_multiple %mul3A_390, 128 : i32
    %dma_start3A_392 = arith.constant 3 : i32
    %dma_start3A_393 = arith.constant 0 : i32
    %dma_start3A_394 = arith.constant 0 : i32
    %dma_start3A_395 = tpu.memref_slice %arg9[%dma_start3A_392, %dma_start3A_393, %dma_start3A_394] : memref<8x32x128xf32, #tpu.memory_space<vmem>> -> memref<1x32x128xf32, #tpu.memory_space<vmem>>
    %dma_start3A_396 = tpu.memref_squeeze %dma_start3A_395 : memref<1x32x128xf32, #tpu.memory_space<vmem>> -> memref<32x128xf32, #tpu.memory_space<vmem>>
    %dma_start3A_397 = arith.constant 0 : i32
    %dma_start3A_398 = tpu.memref_slice %arg4[%dma_start3A_397, %multiple_of3A_386] : memref<32x1000000xf32, #tpu.memory_space<hbm>> -> memref<32x128xf32, #tpu.memory_space<hbm>>
    %dma_start3A_399 = arith.constant 0 : i32
    %dma_start3A_400 = arith.constant 0 : i32
    %dma_start3A_401 = tpu.memref_slice %arg9[%dma_start3A_392, %dma_start3A_399, %dma_start3A_400] : memref<8x32x128xf32, #tpu.memory_space<vmem>> -> memref<1x32x128xf32, #tpu.memory_space<vmem>>
    %dma_start3A_402 = tpu.memref_squeeze %dma_start3A_401 : memref<1x32x128xf32, #tpu.memory_space<vmem>> -> memref<32x128xf32, #tpu.memory_space<vmem>>
    %dma_start3A_403 = arith.constant 0 : i32
    %dma_start3A_404 = tpu.memref_slice %arg4[%dma_start3A_403, %multiple_of3A_386] : memref<32x1000000xf32, #tpu.memory_space<hbm>> -> memref<32x128xf32, #tpu.memory_space<hbm>>
    tpu.enqueue_dma source(%dma_start3A_404 : memref<32x128xf32, #tpu.memory_space<hbm>>) target(%dma_start3A_402 : memref<32x128xf32, #tpu.memory_space<vmem>>) target_semaphore(%arg15 : memref<!tpu.dma_semaphore, #tpu.memory_space<semaphore_mem>>)
    %dma_start3A_405 = arith.constant 3 : i32
    %dma_start3A_406 = arith.constant 0 : i32
    %dma_start3A_407 = arith.constant 0 : i32
    %dma_start3A_408 = tpu.memref_slice %arg10[%dma_start3A_405, %dma_start3A_406, %dma_start3A_407] : memref<8x32x128xf32, #tpu.memory_space<vmem>> -> memref<1x32x128xf32, #tpu.memory_space<vmem>>
    %dma_start3A_409 = tpu.memref_squeeze %dma_start3A_408 : memref<1x32x128xf32, #tpu.memory_space<vmem>> -> memref<32x128xf32, #tpu.memory_space<vmem>>
    %dma_start3A_410 = arith.constant 0 : i32
    %dma_start3A_411 = tpu.memref_slice %arg5[%dma_start3A_410, %multiple_of3A_391] : memref<32x1000000xf32, #tpu.memory_space<hbm>> -> memref<32x128xf32, #tpu.memory_space<hbm>>
    %dma_start3A_412 = arith.constant 0 : i32
    %dma_start3A_413 = arith.constant 0 : i32
    %dma_start3A_414 = tpu.memref_slice %arg10[%dma_start3A_405, %dma_start3A_412, %dma_start3A_413] : memref<8x32x128xf32, #tpu.memory_space<vmem>> -> memref<1x32x128xf32, #tpu.memory_space<vmem>>
    %dma_start3A_415 = tpu.memref_squeeze %dma_start3A_414 : memref<1x32x128xf32, #tpu.memory_space<vmem>> -> memref<32x128xf32, #tpu.memory_space<vmem>>
    %dma_start3A_416 = arith.constant 0 : i32
    %dma_start3A_417 = tpu.memref_slice %arg5[%dma_start3A_416, %multiple_of3A_391] : memref<32x1000000xf32, #tpu.memory_space<hbm>> -> memref<32x128xf32, #tpu.memory_space<hbm>>
    tpu.enqueue_dma source(%dma_start3A_417 : memref<32x128xf32, #tpu.memory_space<hbm>>) target(%dma_start3A_415 : memref<32x128xf32, #tpu.memory_space<vmem>>) target_semaphore(%arg23 : memref<!tpu.dma_semaphore, #tpu.memory_space<semaphore_mem>>)
    %jit3A_418 = arith.constant 0 : i32
    %jit3A_419 = arith.constant 2 : i32
    %div3A_420 = arith.divsi %jit3A_418, %jit3A_419 : i32
    %sign3A_421 = arith.constant 0 : i32
    %sign3A_422 = arith.cmpi sgt, %jit3A_418, %sign3A_421 : i32
    %sign3A_423 = arith.extui %sign3A_422 : i1 to i32
    %sign3A_424 = arith.constant 0 : i32
    %sign3A_425 = arith.cmpi slt, %jit3A_418, %sign3A_424 : i32
    %sign3A_426 = arith.extui %sign3A_425 : i1 to i32
    %sign3A_427 = arith.subi %sign3A_423, %sign3A_426 : i32
    %sign3A_428 = arith.constant 0 : i32
    %sign3A_429 = arith.cmpi sgt, %jit3A_419, %sign3A_428 : i32
    %sign3A_430 = arith.extui %sign3A_429 : i1 to i32
    %sign3A_431 = arith.constant 0 : i32
    %sign3A_432 = arith.cmpi slt, %jit3A_419, %sign3A_431 : i32
    %sign3A_433 = arith.extui %sign3A_432 : i1 to i32
    %sign3A_434 = arith.subi %sign3A_430, %sign3A_433 : i32
    %ne3A_435 = arith.cmpi ne, %sign3A_427, %sign3A_434 : i32
    %rem3A_436 = arith.remsi %jit3A_418, %jit3A_419 : i32
    %ne3A_437 = arith.constant 0 : i32
    %ne3A_438 = arith.cmpi ne, %rem3A_436, %ne3A_437 : i32
    %and3A_439 = arith.andi %ne3A_435, %ne3A_438 : i1
    %sub3A_440 = arith.constant 1 : i32
    %sub3A_441 = arith.subi %div3A_420, %sub3A_440 : i32
    %select_n3A_442 = arith.select %and3A_439, %sub3A_441, %div3A_420 : i32
    %mul3A_443 = arith.constant 16 : i32
    %mul3A_444 = arith.muli %select_n3A_442, %mul3A_443 : i32
    %multiple_of3A_445 = tpu.assume_multiple %mul3A_444, 16 : i32
    %jit3A_446 = arith.constant 0 : i32
    %jit3A_447 = arith.constant 2 : i32
    %eq3A_448 = arith.constant 0 : i32
    %eq3A_449 = arith.cmpi eq, %jit3A_447, %eq3A_448 : i32
    %jit3A_450 = arith.constant 1 : i32
    %select_n3A_451 = arith.select %eq3A_449, %jit3A_450, %jit3A_447 : i32
    %rem3A_452 = arith.remsi %jit3A_446, %select_n3A_451 : i32
    %ne3A_453 = arith.constant 0 : i32
    %ne3A_454 = arith.cmpi ne, %rem3A_452, %ne3A_453 : i32
    %lt3A_455 = arith.constant 0 : i32
    %lt3A_456 = arith.cmpi slt, %rem3A_452, %lt3A_455 : i32
    %lt3A_457 = arith.constant 0 : i32
    %lt3A_458 = arith.cmpi slt, %select_n3A_451, %lt3A_457 : i32
    %ne3A_459 = arith.xori %lt3A_456, %lt3A_458 : i1
    %and3A_460 = arith.andi %ne3A_459, %ne3A_454 : i1
    %add3A_461 = arith.addi %rem3A_452, %select_n3A_451 : i32
    %select_n3A_462 = arith.select %and3A_460, %add3A_461, %rem3A_452 : i32
    %mul3A_463 = arith.constant 8 : i32
    %mul3A_464 = arith.muli %mul3A_463, %select_n3A_462 : i32
    %add3A_465 = arith.constant 4 : i32
    %add3A_466 = arith.addi %mul3A_464, %add3A_465 : i32
    %get3A_467 = arith.index_cast %multiple_of3A_445 : i32 to index
    %get3A_468 = tpu.vector_load %arg7[%get3A_467] {strides = array<i32>} : memref<512xi32, #tpu.memory_space<vmem>>, vector<16xi32>,
    %get3A_469 = arith.index_cast %multiple_of3A_445 : i32 to index
    %get3A_470 = tpu.vector_load %arg8[%get3A_469] {strides = array<i32>} : memref<512xi32, #tpu.memory_space<vmem>>, vector<16xi32>,
    %broadcast_in_dim3A_471 = vector.broadcast %add3A_466 : i32 to vector<16xi32>
    %eq3A_472 = arith.cmpi eq, %iota3A, %broadcast_in_dim3A_471 : vector<16xi32>
    %jit3A_473 = arith.constant 0 : i32
    %broadcast_in_dim3A_474 = vector.broadcast %jit3A_473 : i32 to vector<16xi32>
    %select_n3A_475 = arith.select %eq3A_472, %get3A_468, %broadcast_in_dim3A_474 : vector<16xi1>, vector<16xi32>
    %reduce_sum3A_476 = arith.constant true
    %reduce_sum3A_477 = vector.broadcast %reduce_sum3A_476 : i1 to vector<16xi1>
    %reduce_sum3A_478 = tpu.scan <sum>, %select_n3A_475 masked %reduce_sum3A_477 : vector<16xi32>, vector<16xi1> -> vector<16xi32>
    %reduce_sum3A_479 = vector.extract %reduce_sum3A_478[15] : i32 from vector<16xi32>
    %broadcast_in_dim3A_480 = vector.broadcast %add3A_466 : i32 to vector<16xi32>
    %eq3A_481 = arith.cmpi eq, %iota3A, %broadcast_in_dim3A_480 : vector<16xi32>
    %jit3A_482 = arith.constant 0 : i32
    %broadcast_in_dim3A_483 = vector.broadcast %jit3A_482 : i32 to vector<16xi32>
    %select_n3A_484 = arith.select %eq3A_481, %get3A_470, %broadcast_in_dim3A_483 : vector<16xi1>, vector<16xi32>
    %reduce_sum3A_485 = arith.constant true
    %reduce_sum3A_486 = vector.broadcast %reduce_sum3A_485 : i1 to vector<16xi1>
    %reduce_sum3A_487 = tpu.scan <sum>, %select_n3A_484 masked %reduce_sum3A_486 : vector<16xi32>, vector<16xi1> -> vector<16xi32>
    %reduce_sum3A_488 = vector.extract %reduce_sum3A_487[15] : i32 from vector<16xi32>
    %shift_right_arithmetic3A_489 = arith.constant 7 : i32
    %shift_right_arithmetic3A_490 = arith.shrsi %reduce_sum3A_479, %shift_right_arithmetic3A_489 : i32
    %mul3A_491 = arith.constant 128 : i32
    %mul3A_492 = arith.muli %shift_right_arithmetic3A_490, %mul3A_491 : i32
    %multiple_of3A_493 = tpu.assume_multiple %mul3A_492, 128 : i32
    %shift_right_arithmetic3A_494 = arith.constant 7 : i32
    %shift_right_arithmetic3A_495 = arith.shrsi %reduce_sum3A_488, %shift_right_arithmetic3A_494 : i32
    %mul3A_496 = arith.constant 128 : i32
    %mul3A_497 = arith.muli %shift_right_arithmetic3A_495, %mul3A_496 : i32
    %multiple_of3A_498 = tpu.assume_multiple %mul3A_497, 128 : i32
    %dma_start3A_499 = arith.constant 4 : i32
    %dma_start3A_500 = arith.constant 0 : i32
    %dma_start3A_501 = arith.constant 0 : i32
    %dma_start3A_502 = tpu.memref_slice %arg9[%dma_start3A_499, %dma_start3A_500, %dma_start3A_501] : memref<8x32x128xf32, #tpu.memory_space<vmem>> -> memref<1x32x128xf32, #tpu.memory_space<vmem>>
    %dma_start3A_503 = tpu.memref_squeeze %dma_start3A_502 : memref<1x32x128xf32, #tpu.memory_space<vmem>> -> memref<32x128xf32, #tpu.memory_space<vmem>>
    %dma_start3A_504 = arith.constant 0 : i32
    %dma_start3A_505 = tpu.memref_slice %arg4[%dma_start3A_504, %multiple_of3A_493] : memref<32x1000000xf32, #tpu.memory_space<hbm>> -> memref<32x128xf32, #tpu.memory_space<hbm>>
    %dma_start3A_506 = arith.constant 0 : i32
    %dma_start3A_507 = arith.constant 0 : i32
    %dma_start3A_508 = tpu.memref_slice %arg9[%dma_start3A_499, %dma_start3A_506, %dma_start3A_507] : memref<8x32x128xf32, #tpu.memory_space<vmem>> -> memref<1x32x128xf32, #tpu.memory_space<vmem>>
    %dma_start3A_509 = tpu.memref_squeeze %dma_start3A_508 : memref<1x32x128xf32, #tpu.memory_space<vmem>> -> memref<32x128xf32, #tpu.memory_space<vmem>>
    %dma_start3A_510 = arith.constant 0 : i32
    %dma_start3A_511 = tpu.memref_slice %arg4[%dma_start3A_510, %multiple_of3A_493] : memref<32x1000000xf32, #tpu.memory_space<hbm>> -> memref<32x128xf32, #tpu.memory_space<hbm>>
    tpu.enqueue_dma source(%dma_start3A_511 : memref<32x128xf32, #tpu.memory_space<hbm>>) target(%dma_start3A_509 : memref<32x128xf32, #tpu.memory_space<vmem>>) target_semaphore(%arg16 : memref<!tpu.dma_semaphore, #tpu.memory_space<semaphore_mem>>)
    %dma_start3A_512 = arith.constant 4 : i32
    %dma_start3A_513 = arith.constant 0 : i32
    %dma_start3A_514 = arith.constant 0 : i32
    %dma_start3A_515 = tpu.memref_slice %arg10[%dma_start3A_512, %dma_start3A_513, %dma_start3A_514] : memref<8x32x128xf32, #tpu.memory_space<vmem>> -> memref<1x32x128xf32, #tpu.memory_space<vmem>>
    %dma_start3A_516 = tpu.memref_squeeze %dma_start3A_515 : memref<1x32x128xf32, #tpu.memory_space<vmem>> -> memref<32x128xf32, #tpu.memory_space<vmem>>
    %dma_start3A_517 = arith.constant 0 : i32
    %dma_start3A_518 = tpu.memref_slice %arg5[%dma_start3A_517, %multiple_of3A_498] : memref<32x1000000xf32, #tpu.memory_space<hbm>> -> memref<32x128xf32, #tpu.memory_space<hbm>>
    %dma_start3A_519 = arith.constant 0 : i32
    %dma_start3A_520 = arith.constant 0 : i32
    %dma_start3A_521 = tpu.memref_slice %arg10[%dma_start3A_512, %dma_start3A_519, %dma_start3A_520] : memref<8x32x128xf32, #tpu.memory_space<vmem>> -> memref<1x32x128xf32, #tpu.memory_space<vmem>>
    %dma_start3A_522 = tpu.memref_squeeze %dma_start3A_521 : memref<1x32x128xf32, #tpu.memory_space<vmem>> -> memref<32x128xf32, #tpu.memory_space<vmem>>
    %dma_start3A_523 = arith.constant 0 : i32
    %dma_start3A_524 = tpu.memref_slice %arg5[%dma_start3A_523, %multiple_of3A_498] : memref<32x1000000xf32, #tpu.memory_space<hbm>> -> memref<32x128xf32, #tpu.memory_space<hbm>>
    tpu.enqueue_dma source(%dma_start3A_524 : memref<32x128xf32, #tpu.memory_space<hbm>>) target(%dma_start3A_522 : memref<32x128xf32, #tpu.memory_space<vmem>>) target_semaphore(%arg24 : memref<!tpu.dma_semaphore, #tpu.memory_space<semaphore_mem>>)
    %jit3A_525 = arith.constant 0 : i32
    %jit3A_526 = arith.constant 2 : i32
    %div3A_527 = arith.divsi %jit3A_525, %jit3A_526 : i32
    %sign3A_528 = arith.constant 0 : i32
    %sign3A_529 = arith.cmpi sgt, %jit3A_525, %sign3A_528 : i32
    %sign3A_530 = arith.extui %sign3A_529 : i1 to i32
    %sign3A_531 = arith.constant 0 : i32
    %sign3A_532 = arith.cmpi slt, %jit3A_525, %sign3A_531 : i32
    %sign3A_533 = arith.extui %sign3A_532 : i1 to i32
    %sign3A_534 = arith.subi %sign3A_530, %sign3A_533 : i32
    %sign3A_535 = arith.constant 0 : i32
    %sign3A_536 = arith.cmpi sgt, %jit3A_526, %sign3A_535 : i32
    %sign3A_537 = arith.extui %sign3A_536 : i1 to i32
    %sign3A_538 = arith.constant 0 : i32
    %sign3A_539 = arith.cmpi slt, %jit3A_526, %sign3A_538 : i32
    %sign3A_540 = arith.extui %sign3A_539 : i1 to i32
    %sign3A_541 = arith.subi %sign3A_537, %sign3A_540 : i32
    %ne3A_542 = arith.cmpi ne, %sign3A_534, %sign3A_541 : i32
    %rem3A_543 = arith.remsi %jit3A_525, %jit3A_526 : i32
    %ne3A_544 = arith.constant 0 : i32
    %ne3A_545 = arith.cmpi ne, %rem3A_543, %ne3A_544 : i32
    %and3A_546 = arith.andi %ne3A_542, %ne3A_545 : i1
    %sub3A_547 = arith.constant 1 : i32
    %sub3A_548 = arith.subi %div3A_527, %sub3A_547 : i32
    %select_n3A_549 = arith.select %and3A_546, %sub3A_548, %div3A_527 : i32
    %mul3A_550 = arith.constant 16 : i32
    %mul3A_551 = arith.muli %select_n3A_549, %mul3A_550 : i32
    %multiple_of3A_552 = tpu.assume_multiple %mul3A_551, 16 : i32
    %jit3A_553 = arith.constant 0 : i32
    %jit3A_554 = arith.constant 2 : i32
    %eq3A_555 = arith.constant 0 : i32
    %eq3A_556 = arith.cmpi eq, %jit3A_554, %eq3A_555 : i32
    %jit3A_557 = arith.constant 1 : i32
    %select_n3A_558 = arith.select %eq3A_556, %jit3A_557, %jit3A_554 : i32
    %rem3A_559 = arith.remsi %jit3A_553, %select_n3A_558 : i32
    %ne3A_560 = arith.constant 0 : i32
    %ne3A_561 = arith.cmpi ne, %rem3A_559, %ne3A_560 : i32
    %lt3A_562 = arith.constant 0 : i32
    %lt3A_563 = arith.cmpi slt, %rem3A_559, %lt3A_562 : i32
    %lt3A_564 = arith.constant 0 : i32
    %lt3A_565 = arith.cmpi slt, %select_n3A_558, %lt3A_564 : i32
    %ne3A_566 = arith.xori %lt3A_563, %lt3A_565 : i1
    %and3A_567 = arith.andi %ne3A_566, %ne3A_561 : i1
    %add3A_568 = arith.addi %rem3A_559, %select_n3A_558 : i32
    %select_n3A_569 = arith.select %and3A_567, %add3A_568, %rem3A_559 : i32
    %mul3A_570 = arith.constant 8 : i32
    %mul3A_571 = arith.muli %mul3A_570, %select_n3A_569 : i32
    %add3A_572 = arith.constant 5 : i32
    %add3A_573 = arith.addi %mul3A_571, %add3A_572 : i32
    %get3A_574 = arith.index_cast %multiple_of3A_552 : i32 to index
    %get3A_575 = tpu.vector_load %arg7[%get3A_574] {strides = array<i32>} : memref<512xi32, #tpu.memory_space<vmem>>, vector<16xi32>,
    %get3A_576 = arith.index_cast %multiple_of3A_552 : i32 to index
    %get3A_577 = tpu.vector_load %arg8[%get3A_576] {strides = array<i32>} : memref<512xi32, #tpu.memory_space<vmem>>, vector<16xi32>,
    %broadcast_in_dim3A_578 = vector.broadcast %add3A_573 : i32 to vector<16xi32>
    %eq3A_579 = arith.cmpi eq, %iota3A, %broadcast_in_dim3A_578 : vector<16xi32>
    %jit3A_580 = arith.constant 0 : i32
    %broadcast_in_dim3A_581 = vector.broadcast %jit3A_580 : i32 to vector<16xi32>
    %select_n3A_582 = arith.select %eq3A_579, %get3A_575, %broadcast_in_dim3A_581 : vector<16xi1>, vector<16xi32>
    %reduce_sum3A_583 = arith.constant true
    %reduce_sum3A_584 = vector.broadcast %reduce_sum3A_583 : i1 to vector<16xi1>
    %reduce_sum3A_585 = tpu.scan <sum>, %select_n3A_582 masked %reduce_sum3A_584 : vector<16xi32>, vector<16xi1> -> vector<16xi32>
    %reduce_sum3A_586 = vector.extract %reduce_sum3A_585[15] : i32 from vector<16xi32>
    %broadcast_in_dim3A_587 = vector.broadcast %add3A_573 : i32 to vector<16xi32>
    %eq3A_588 = arith.cmpi eq, %iota3A, %broadcast_in_dim3A_587 : vector<16xi32>
    %jit3A_589 = arith.constant 0 : i32
    %broadcast_in_dim3A_590 = vector.broadcast %jit3A_589 : i32 to vector<16xi32>
    %select_n3A_591 = arith.select %eq3A_588, %get3A_577, %broadcast_in_dim3A_590 : vector<16xi1>, vector<16xi32>
    %reduce_sum3A_592 = arith.constant true
    %reduce_sum3A_593 = vector.broadcast %reduce_sum3A_592 : i1 to vector<16xi1>
    %reduce_sum3A_594 = tpu.scan <sum>, %select_n3A_591 masked %reduce_sum3A_593 : vector<16xi32>, vector<16xi1> -> vector<16xi32>
    %reduce_sum3A_595 = vector.extract %reduce_sum3A_594[15] : i32 from vector<16xi32>
    %shift_right_arithmetic3A_596 = arith.constant 7 : i32
    %shift_right_arithmetic3A_597 = arith.shrsi %reduce_sum3A_586, %shift_right_arithmetic3A_596 : i32
    %mul3A_598 = arith.constant 128 : i32
    %mul3A_599 = arith.muli %shift_right_arithmetic3A_597, %mul3A_598 : i32
    %multiple_of3A_600 = tpu.assume_multiple %mul3A_599, 128 : i32
    %shift_right_arithmetic3A_601 = arith.constant 7 : i32
    %shift_right_arithmetic3A_602 = arith.shrsi %reduce_sum3A_595, %shift_right_arithmetic3A_601 : i32
    %mul3A_603 = arith.constant 128 : i32
    %mul3A_604 = arith.muli %shift_right_arithmetic3A_602, %mul3A_603 : i32
    %multiple_of3A_605 = tpu.assume_multiple %mul3A_604, 128 : i32
    %dma_start3A_606 = arith.constant 5 : i32
    %dma_start3A_607 = arith.constant 0 : i32
    %dma_start3A_608 = arith.constant 0 : i32
    %dma_start3A_609 = tpu.memref_slice %arg9[%dma_start3A_606, %dma_start3A_607, %dma_start3A_608] : memref<8x32x128xf32, #tpu.memory_space<vmem>> -> memref<1x32x128xf32, #tpu.memory_space<vmem>>
    %dma_start3A_610 = tpu.memref_squeeze %dma_start3A_609 : memref<1x32x128xf32, #tpu.memory_space<vmem>> -> memref<32x128xf32, #tpu.memory_space<vmem>>
    %dma_start3A_611 = arith.constant 0 : i32
    %dma_start3A_612 = tpu.memref_slice %arg4[%dma_start3A_611, %multiple_of3A_600] : memref<32x1000000xf32, #tpu.memory_space<hbm>> -> memref<32x128xf32, #tpu.memory_space<hbm>>
    %dma_start3A_613 = arith.constant 0 : i32
    %dma_start3A_614 = arith.constant 0 : i32
    %dma_start3A_615 = tpu.memref_slice %arg9[%dma_start3A_606, %dma_start3A_613, %dma_start3A_614] : memref<8x32x128xf32, #tpu.memory_space<vmem>> -> memref<1x32x128xf32, #tpu.memory_space<vmem>>
    %dma_start3A_616 = tpu.memref_squeeze %dma_start3A_615 : memref<1x32x128xf32, #tpu.memory_space<vmem>> -> memref<32x128xf32, #tpu.memory_space<vmem>>
    %dma_start3A_617 = arith.constant 0 : i32
    %dma_start3A_618 = tpu.memref_slice %arg4[%dma_start3A_617, %multiple_of3A_600] : memref<32x1000000xf32, #tpu.memory_space<hbm>> -> memref<32x128xf32, #tpu.memory_space<hbm>>
    tpu.enqueue_dma source(%dma_start3A_618 : memref<32x128xf32, #tpu.memory_space<hbm>>) target(%dma_start3A_616 : memref<32x128xf32, #tpu.memory_space<vmem>>) target_semaphore(%arg17 : memref<!tpu.dma_semaphore, #tpu.memory_space<semaphore_mem>>)
    %dma_start3A_619 = arith.constant 5 : i32
    %dma_start3A_620 = arith.constant 0 : i32
    %dma_start3A_621 = arith.constant 0 : i32
    %dma_start3A_622 = tpu.memref_slice %arg10[%dma_start3A_619, %dma_start3A_620, %dma_start3A_621] : memref<8x32x128xf32, #tpu.memory_space<vmem>> -> memref<1x32x128xf32, #tpu.memory_space<vmem>>
    %dma_start3A_623 = tpu.memref_squeeze %dma_start3A_622 : memref<1x32x128xf32, #tpu.memory_space<vmem>> -> memref<32x128xf32, #tpu.memory_space<vmem>>
    %dma_start3A_624 = arith.constant 0 : i32
    %dma_start3A_625 = tpu.memref_slice %arg5[%dma_start3A_624, %multiple_of3A_605] : memref<32x1000000xf32, #tpu.memory_space<hbm>> -> memref<32x128xf32, #tpu.memory_space<hbm>>
    %dma_start3A_626 = arith.constant 0 : i32
    %dma_start3A_627 = arith.constant 0 : i32
    %dma_start3A_628 = tpu.memref_slice %arg10[%dma_start3A_619, %dma_start3A_626, %dma_start3A_627] : memref<8x32x128xf32, #tpu.memory_space<vmem>> -> memref<1x32x128xf32, #tpu.memory_space<vmem>>
    %dma_start3A_629 = tpu.memref_squeeze %dma_start3A_628 : memref<1x32x128xf32, #tpu.memory_space<vmem>> -> memref<32x128xf32, #tpu.memory_space<vmem>>
    %dma_start3A_630 = arith.constant 0 : i32
    %dma_start3A_631 = tpu.memref_slice %arg5[%dma_start3A_630, %multiple_of3A_605] : memref<32x1000000xf32, #tpu.memory_space<hbm>> -> memref<32x128xf32, #tpu.memory_space<hbm>>
    tpu.enqueue_dma source(%dma_start3A_631 : memref<32x128xf32, #tpu.memory_space<hbm>>) target(%dma_start3A_629 : memref<32x128xf32, #tpu.memory_space<vmem>>) target_semaphore(%arg25 : memref<!tpu.dma_semaphore, #tpu.memory_space<semaphore_mem>>)
    %jit3A_632 = arith.constant 0 : i32
    %jit3A_633 = arith.constant 2 : i32
    %div3A_634 = arith.divsi %jit3A_632, %jit3A_633 : i32
    %sign3A_635 = arith.constant 0 : i32
    %sign3A_636 = arith.cmpi sgt, %jit3A_632, %sign3A_635 : i32
    %sign3A_637 = arith.extui %sign3A_636 : i1 to i32
    %sign3A_638 = arith.constant 0 : i32
    %sign3A_639 = arith.cmpi slt, %jit3A_632, %sign3A_638 : i32
    %sign3A_640 = arith.extui %sign3A_639 : i1 to i32
    %sign3A_641 = arith.subi %sign3A_637, %sign3A_640 : i32
    %sign3A_642 = arith.constant 0 : i32
    %sign3A_643 = arith.cmpi sgt, %jit3A_633, %sign3A_642 : i32
    %sign3A_644 = arith.extui %sign3A_643 : i1 to i32
    %sign3A_645 = arith.constant 0 : i32
    %sign3A_646 = arith.cmpi slt, %jit3A_633, %sign3A_645 : i32
    %sign3A_647 = arith.extui %sign3A_646 : i1 to i32
    %sign3A_648 = arith.subi %sign3A_644, %sign3A_647 : i32
    %ne3A_649 = arith.cmpi ne, %sign3A_641, %sign3A_648 : i32
    %rem3A_650 = arith.remsi %jit3A_632, %jit3A_633 : i32
    %ne3A_651 = arith.constant 0 : i32
    %ne3A_652 = arith.cmpi ne, %rem3A_650, %ne3A_651 : i32
    %and3A_653 = arith.andi %ne3A_649, %ne3A_652 : i1
    %sub3A_654 = arith.constant 1 : i32
    %sub3A_655 = arith.subi %div3A_634, %sub3A_654 : i32
    %select_n3A_656 = arith.select %and3A_653, %sub3A_655, %div3A_634 : i32
    %mul3A_657 = arith.constant 16 : i32
    %mul3A_658 = arith.muli %select_n3A_656, %mul3A_657 : i32
    %multiple_of3A_659 = tpu.assume_multiple %mul3A_658, 16 : i32
    %jit3A_660 = arith.constant 0 : i32
    %jit3A_661 = arith.constant 2 : i32
    %eq3A_662 = arith.constant 0 : i32
    %eq3A_663 = arith.cmpi eq, %jit3A_661, %eq3A_662 : i32
    %jit3A_664 = arith.constant 1 : i32
    %select_n3A_665 = arith.select %eq3A_663, %jit3A_664, %jit3A_661 : i32
    %rem3A_666 = arith.remsi %jit3A_660, %select_n3A_665 : i32
    %ne3A_667 = arith.constant 0 : i32
    %ne3A_668 = arith.cmpi ne, %rem3A_666, %ne3A_667 : i32
    %lt3A_669 = arith.constant 0 : i32
    %lt3A_670 = arith.cmpi slt, %rem3A_666, %lt3A_669 : i32
    %lt3A_671 = arith.constant 0 : i32
    %lt3A_672 = arith.cmpi slt, %select_n3A_665, %lt3A_671 : i32
    %ne3A_673 = arith.xori %lt3A_670, %lt3A_672 : i1
    %and3A_674 = arith.andi %ne3A_673, %ne3A_668 : i1
    %add3A_675 = arith.addi %rem3A_666, %select_n3A_665 : i32
    %select_n3A_676 = arith.select %and3A_674, %add3A_675, %rem3A_666 : i32
    %mul3A_677 = arith.constant 8 : i32
    %mul3A_678 = arith.muli %mul3A_677, %select_n3A_676 : i32
    %add3A_679 = arith.constant 6 : i32
    %add3A_680 = arith.addi %mul3A_678, %add3A_679 : i32
    %get3A_681 = arith.index_cast %multiple_of3A_659 : i32 to index
    %get3A_682 = tpu.vector_load %arg7[%get3A_681] {strides = array<i32>} : memref<512xi32, #tpu.memory_space<vmem>>, vector<16xi32>,
    %get3A_683 = arith.index_cast %multiple_of3A_659 : i32 to index
    %get3A_684 = tpu.vector_load %arg8[%get3A_683] {strides = array<i32>} : memref<512xi32, #tpu.memory_space<vmem>>, vector<16xi32>,
    %broadcast_in_dim3A_685 = vector.broadcast %add3A_680 : i32 to vector<16xi32>
    %eq3A_686 = arith.cmpi eq, %iota3A, %broadcast_in_dim3A_685 : vector<16xi32>
    %jit3A_687 = arith.constant 0 : i32
    %broadcast_in_dim3A_688 = vector.broadcast %jit3A_687 : i32 to vector<16xi32>
    %select_n3A_689 = arith.select %eq3A_686, %get3A_682, %broadcast_in_dim3A_688 : vector<16xi1>, vector<16xi32>
    %reduce_sum3A_690 = arith.constant true
    %reduce_sum3A_691 = vector.broadcast %reduce_sum3A_690 : i1 to vector<16xi1>
    %reduce_sum3A_692 = tpu.scan <sum>, %select_n3A_689 masked %reduce_sum3A_691 : vector<16xi32>, vector<16xi1> -> vector<16xi32>
    %reduce_sum3A_693 = vector.extract %reduce_sum3A_692[15] : i32 from vector<16xi32>
    %broadcast_in_dim3A_694 = vector.broadcast %add3A_680 : i32 to vector<16xi32>
    %eq3A_695 = arith.cmpi eq, %iota3A, %broadcast_in_dim3A_694 : vector<16xi32>
    %jit3A_696 = arith.constant 0 : i32
    %broadcast_in_dim3A_697 = vector.broadcast %jit3A_696 : i32 to vector<16xi32>
    %select_n3A_698 = arith.select %eq3A_695, %get3A_684, %broadcast_in_dim3A_697 : vector<16xi1>, vector<16xi32>
    %reduce_sum3A_699 = arith.constant true
    %reduce_sum3A_700 = vector.broadcast %reduce_sum3A_699 : i1 to vector<16xi1>
    %reduce_sum3A_701 = tpu.scan <sum>, %select_n3A_698 masked %reduce_sum3A_700 : vector<16xi32>, vector<16xi1> -> vector<16xi32>
    %reduce_sum3A_702 = vector.extract %reduce_sum3A_701[15] : i32 from vector<16xi32>
    %shift_right_arithmetic3A_703 = arith.constant 7 : i32
    %shift_right_arithmetic3A_704 = arith.shrsi %reduce_sum3A_693, %shift_right_arithmetic3A_703 : i32
    %mul3A_705 = arith.constant 128 : i32
    %mul3A_706 = arith.muli %shift_right_arithmetic3A_704, %mul3A_705 : i32
    %multiple_of3A_707 = tpu.assume_multiple %mul3A_706, 128 : i32
    %shift_right_arithmetic3A_708 = arith.constant 7 : i32
    %shift_right_arithmetic3A_709 = arith.shrsi %reduce_sum3A_702, %shift_right_arithmetic3A_708 : i32
    %mul3A_710 = arith.constant 128 : i32
    %mul3A_711 = arith.muli %shift_right_arithmetic3A_709, %mul3A_710 : i32
    %multiple_of3A_712 = tpu.assume_multiple %mul3A_711, 128 : i32
    %dma_start3A_713 = arith.constant 6 : i32
    %dma_start3A_714 = arith.constant 0 : i32
    %dma_start3A_715 = arith.constant 0 : i32
    %dma_start3A_716 = tpu.memref_slice %arg9[%dma_start3A_713, %dma_start3A_714, %dma_start3A_715] : memref<8x32x128xf32, #tpu.memory_space<vmem>> -> memref<1x32x128xf32, #tpu.memory_space<vmem>>
    %dma_start3A_717 = tpu.memref_squeeze %dma_start3A_716 : memref<1x32x128xf32, #tpu.memory_space<vmem>> -> memref<32x128xf32, #tpu.memory_space<vmem>>
    %dma_start3A_718 = arith.constant 0 : i32
    %dma_start3A_719 = tpu.memref_slice %arg4[%dma_start3A_718, %multiple_of3A_707] : memref<32x1000000xf32, #tpu.memory_space<hbm>> -> memref<32x128xf32, #tpu.memory_space<hbm>>
    %dma_start3A_720 = arith.constant 0 : i32
    %dma_start3A_721 = arith.constant 0 : i32
    %dma_start3A_722 = tpu.memref_slice %arg9[%dma_start3A_713, %dma_start3A_720, %dma_start3A_721] : memref<8x32x128xf32, #tpu.memory_space<vmem>> -> memref<1x32x128xf32, #tpu.memory_space<vmem>>
    %dma_start3A_723 = tpu.memref_squeeze %dma_start3A_722 : memref<1x32x128xf32, #tpu.memory_space<vmem>> -> memref<32x128xf32, #tpu.memory_space<vmem>>
    %dma_start3A_724 = arith.constant 0 : i32
    %dma_start3A_725 = tpu.memref_slice %arg4[%dma_start3A_724, %multiple_of3A_707] : memref<32x1000000xf32, #tpu.memory_space<hbm>> -> memref<32x128xf32, #tpu.memory_space<hbm>>
    tpu.enqueue_dma source(%dma_start3A_725 : memref<32x128xf32, #tpu.memory_space<hbm>>) target(%dma_start3A_723 : memref<32x128xf32, #tpu.memory_space<vmem>>) target_semaphore(%arg18 : memref<!tpu.dma_semaphore, #tpu.memory_space<semaphore_mem>>)
    %dma_start3A_726 = arith.constant 6 : i32
    %dma_start3A_727 = arith.constant 0 : i32
    %dma_start3A_728 = arith.constant 0 : i32
    %dma_start3A_729 = tpu.memref_slice %arg10[%dma_start3A_726, %dma_start3A_727, %dma_start3A_728] : memref<8x32x128xf32, #tpu.memory_space<vmem>> -> memref<1x32x128xf32, #tpu.memory_space<vmem>>
    %dma_start3A_730 = tpu.memref_squeeze %dma_start3A_729 : memref<1x32x128xf32, #tpu.memory_space<vmem>> -> memref<32x128xf32, #tpu.memory_space<vmem>>
    %dma_start3A_731 = arith.constant 0 : i32
    %dma_start3A_732 = tpu.memref_slice %arg5[%dma_start3A_731, %multiple_of3A_712] : memref<32x1000000xf32, #tpu.memory_space<hbm>> -> memref<32x128xf32, #tpu.memory_space<hbm>>
    %dma_start3A_733 = arith.constant 0 : i32
    %dma_start3A_734 = arith.constant 0 : i32
    %dma_start3A_735 = tpu.memref_slice %arg10[%dma_start3A_726, %dma_start3A_733, %dma_start3A_734] : memref<8x32x128xf32, #tpu.memory_space<vmem>> -> memref<1x32x128xf32, #tpu.memory_space<vmem>>
    %dma_start3A_736 = tpu.memref_squeeze %dma_start3A_735 : memref<1x32x128xf32, #tpu.memory_space<vmem>> -> memref<32x128xf32, #tpu.memory_space<vmem>>
    %dma_start3A_737 = arith.constant 0 : i32
    %dma_start3A_738 = tpu.memref_slice %arg5[%dma_start3A_737, %multiple_of3A_712] : memref<32x1000000xf32, #tpu.memory_space<hbm>> -> memref<32x128xf32, #tpu.memory_space<hbm>>
    tpu.enqueue_dma source(%dma_start3A_738 : memref<32x128xf32, #tpu.memory_space<hbm>>) target(%dma_start3A_736 : memref<32x128xf32, #tpu.memory_space<vmem>>) target_semaphore(%arg26 : memref<!tpu.dma_semaphore, #tpu.memory_space<semaphore_mem>>)
    %jit3A_739 = arith.constant 0 : i32
    %jit3A_740 = arith.constant 2 : i32
    %div3A_741 = arith.divsi %jit3A_739, %jit3A_740 : i32
    %sign3A_742 = arith.constant 0 : i32
    %sign3A_743 = arith.cmpi sgt, %jit3A_739, %sign3A_742 : i32
    %sign3A_744 = arith.extui %sign3A_743 : i1 to i32
    %sign3A_745 = arith.constant 0 : i32
    %sign3A_746 = arith.cmpi slt, %jit3A_739, %sign3A_745 : i32
    %sign3A_747 = arith.extui %sign3A_746 : i1 to i32
    %sign3A_748 = arith.subi %sign3A_744, %sign3A_747 : i32
    %sign3A_749 = arith.constant 0 : i32
    %sign3A_750 = arith.cmpi sgt, %jit3A_740, %sign3A_749 : i32
    %sign3A_751 = arith.extui %sign3A_750 : i1 to i32
    %sign3A_752 = arith.constant 0 : i32
    %sign3A_753 = arith.cmpi slt, %jit3A_740, %sign3A_752 : i32
    %sign3A_754 = arith.extui %sign3A_753 : i1 to i32
    %sign3A_755 = arith.subi %sign3A_751, %sign3A_754 : i32
    %ne3A_756 = arith.cmpi ne, %sign3A_748, %sign3A_755 : i32
    %rem3A_757 = arith.remsi %jit3A_739, %jit3A_740 : i32
    %ne3A_758 = arith.constant 0 : i32
    %ne3A_759 = arith.cmpi ne, %rem3A_757, %ne3A_758 : i32
    %and3A_760 = arith.andi %ne3A_756, %ne3A_759 : i1
    %sub3A_761 = arith.constant 1 : i32
    %sub3A_762 = arith.subi %div3A_741, %sub3A_761 : i32
    %select_n3A_763 = arith.select %and3A_760, %sub3A_762, %div3A_741 : i32
    %mul3A_764 = arith.constant 16 : i32
    %mul3A_765 = arith.muli %select_n3A_763, %mul3A_764 : i32
    %multiple_of3A_766 = tpu.assume_multiple %mul3A_765, 16 : i32
    %jit3A_767 = arith.constant 0 : i32
    %jit3A_768 = arith.constant 2 : i32
    %eq3A_769 = arith.constant 0 : i32
    %eq3A_770 = arith.cmpi eq, %jit3A_768, %eq3A_769 : i32
    %jit3A_771 = arith.constant 1 : i32
    %select_n3A_772 = arith.select %eq3A_770, %jit3A_771, %jit3A_768 : i32
    %rem3A_773 = arith.remsi %jit3A_767, %select_n3A_772 : i32
    %ne3A_774 = arith.constant 0 : i32
    %ne3A_775 = arith.cmpi ne, %rem3A_773, %ne3A_774 : i32
    %lt3A_776 = arith.constant 0 : i32
    %lt3A_777 = arith.cmpi slt, %rem3A_773, %lt3A_776 : i32
    %lt3A_778 = arith.constant 0 : i32
    %lt3A_779 = arith.cmpi slt, %select_n3A_772, %lt3A_778 : i32
    %ne3A_780 = arith.xori %lt3A_777, %lt3A_779 : i1
    %and3A_781 = arith.andi %ne3A_780, %ne3A_775 : i1
    %add3A_782 = arith.addi %rem3A_773, %select_n3A_772 : i32
    %select_n3A_783 = arith.select %and3A_781, %add3A_782, %rem3A_773 : i32
    %mul3A_784 = arith.constant 8 : i32
    %mul3A_785 = arith.muli %mul3A_784, %select_n3A_783 : i32
    %add3A_786 = arith.constant 7 : i32
    %add3A_787 = arith.addi %mul3A_785, %add3A_786 : i32
    %get3A_788 = arith.index_cast %multiple_of3A_766 : i32 to index
    %get3A_789 = tpu.vector_load %arg7[%get3A_788] {strides = array<i32>} : memref<512xi32, #tpu.memory_space<vmem>>, vector<16xi32>,
    %get3A_790 = arith.index_cast %multiple_of3A_766 : i32 to index
    %get3A_791 = tpu.vector_load %arg8[%get3A_790] {strides = array<i32>} : memref<512xi32, #tpu.memory_space<vmem>>, vector<16xi32>,
    %broadcast_in_dim3A_792 = vector.broadcast %add3A_787 : i32 to vector<16xi32>
    %eq3A_793 = arith.cmpi eq, %iota3A, %broadcast_in_dim3A_792 : vector<16xi32>
    %jit3A_794 = arith.constant 0 : i32
    %broadcast_in_dim3A_795 = vector.broadcast %jit3A_794 : i32 to vector<16xi32>
    %select_n3A_796 = arith.select %eq3A_793, %get3A_789, %broadcast_in_dim3A_795 : vector<16xi1>, vector<16xi32>
    %reduce_sum3A_797 = arith.constant true
    %reduce_sum3A_798 = vector.broadcast %reduce_sum3A_797 : i1 to vector<16xi1>
    %reduce_sum3A_799 = tpu.scan <sum>, %select_n3A_796 masked %reduce_sum3A_798 : vector<16xi32>, vector<16xi1> -> vector<16xi32>
    %reduce_sum3A_800 = vector.extract %reduce_sum3A_799[15] : i32 from vector<16xi32>
    %broadcast_in_dim3A_801 = vector.broadcast %add3A_787 : i32 to vector<16xi32>
    %eq3A_802 = arith.cmpi eq, %iota3A, %broadcast_in_dim3A_801 : vector<16xi32>
    %jit3A_803 = arith.constant 0 : i32
    %broadcast_in_dim3A_804 = vector.broadcast %jit3A_803 : i32 to vector<16xi32>
    %select_n3A_805 = arith.select %eq3A_802, %get3A_791, %broadcast_in_dim3A_804 : vector<16xi1>, vector<16xi32>
    %reduce_sum3A_806 = arith.constant true
    %reduce_sum3A_807 = vector.broadcast %reduce_sum3A_806 : i1 to vector<16xi1>
    %reduce_sum3A_808 = tpu.scan <sum>, %select_n3A_805 masked %reduce_sum3A_807 : vector<16xi32>, vector<16xi1> -> vector<16xi32>
    %reduce_sum3A_809 = vector.extract %reduce_sum3A_808[15] : i32 from vector<16xi32>
    %shift_right_arithmetic3A_810 = arith.constant 7 : i32
    %shift_right_arithmetic3A_811 = arith.shrsi %reduce_sum3A_800, %shift_right_arithmetic3A_810 : i32
    %mul3A_812 = arith.constant 128 : i32
    %mul3A_813 = arith.muli %shift_right_arithmetic3A_811, %mul3A_812 : i32
    %multiple_of3A_814 = tpu.assume_multiple %mul3A_813, 128 : i32
    %shift_right_arithmetic3A_815 = arith.constant 7 : i32
    %shift_right_arithmetic3A_816 = arith.shrsi %reduce_sum3A_809, %shift_right_arithmetic3A_815 : i32
    %mul3A_817 = arith.constant 128 : i32
    %mul3A_818 = arith.muli %shift_right_arithmetic3A_816, %mul3A_817 : i32
    %multiple_of3A_819 = tpu.assume_multiple %mul3A_818, 128 : i32
    %dma_start3A_820 = arith.constant 7 : i32
    %dma_start3A_821 = arith.constant 0 : i32
    %dma_start3A_822 = arith.constant 0 : i32
    %dma_start3A_823 = tpu.memref_slice %arg9[%dma_start3A_820, %dma_start3A_821, %dma_start3A_822] : memref<8x32x128xf32, #tpu.memory_space<vmem>> -> memref<1x32x128xf32, #tpu.memory_space<vmem>>
    %dma_start3A_824 = tpu.memref_squeeze %dma_start3A_823 : memref<1x32x128xf32, #tpu.memory_space<vmem>> -> memref<32x128xf32, #tpu.memory_space<vmem>>
    %dma_start3A_825 = arith.constant 0 : i32
    %dma_start3A_826 = tpu.memref_slice %arg4[%dma_start3A_825, %multiple_of3A_814] : memref<32x1000000xf32, #tpu.memory_space<hbm>> -> memref<32x128xf32, #tpu.memory_space<hbm>>
    %dma_start3A_827 = arith.constant 0 : i32
    %dma_start3A_828 = arith.constant 0 : i32
    %dma_start3A_829 = tpu.memref_slice %arg9[%dma_start3A_820, %dma_start3A_827, %dma_start3A_828] : memref<8x32x128xf32, #tpu.memory_space<vmem>> -> memref<1x32x128xf32, #tpu.memory_space<vmem>>
    %dma_start3A_830 = tpu.memref_squeeze %dma_start3A_829 : memref<1x32x128xf32, #tpu.memory_space<vmem>> -> memref<32x128xf32, #tpu.memory_space<vmem>>
    %dma_start3A_831 = arith.constant 0 : i32
    %dma_start3A_832 = tpu.memref_slice %arg4[%dma_start3A_831, %multiple_of3A_814] : memref<32x1000000xf32, #tpu.memory_space<hbm>> -> memref<32x128xf32, #tpu.memory_space<hbm>>
    tpu.enqueue_dma source(%dma_start3A_832 : memref<32x128xf32, #tpu.memory_space<hbm>>) target(%dma_start3A_830 : memref<32x128xf32, #tpu.memory_space<vmem>>) target_semaphore(%arg19 : memref<!tpu.dma_semaphore, #tpu.memory_space<semaphore_mem>>)
    %dma_start3A_833 = arith.constant 7 : i32
    %dma_start3A_834 = arith.constant 0 : i32
    %dma_start3A_835 = arith.constant 0 : i32
    %dma_start3A_836 = tpu.memref_slice %arg10[%dma_start3A_833, %dma_start3A_834, %dma_start3A_835] : memref<8x32x128xf32, #tpu.memory_space<vmem>> -> memref<1x32x128xf32, #tpu.memory_space<vmem>>
    %dma_start3A_837 = tpu.memref_squeeze %dma_start3A_836 : memref<1x32x128xf32, #tpu.memory_space<vmem>> -> memref<32x128xf32, #tpu.memory_space<vmem>>
    %dma_start3A_838 = arith.constant 0 : i32
    %dma_start3A_839 = tpu.memref_slice %arg5[%dma_start3A_838, %multiple_of3A_819] : memref<32x1000000xf32, #tpu.memory_space<hbm>> -> memref<32x128xf32, #tpu.memory_space<hbm>>
    %dma_start3A_840 = arith.constant 0 : i32
    %dma_start3A_841 = arith.constant 0 : i32
    %dma_start3A_842 = tpu.memref_slice %arg10[%dma_start3A_833, %dma_start3A_840, %dma_start3A_841] : memref<8x32x128xf32, #tpu.memory_space<vmem>> -> memref<1x32x128xf32, #tpu.memory_space<vmem>>
    %dma_start3A_843 = tpu.memref_squeeze %dma_start3A_842 : memref<1x32x128xf32, #tpu.memory_space<vmem>> -> memref<32x128xf32, #tpu.memory_space<vmem>>
    %dma_start3A_844 = arith.constant 0 : i32
    %dma_start3A_845 = tpu.memref_slice %arg5[%dma_start3A_844, %multiple_of3A_819] : memref<32x1000000xf32, #tpu.memory_space<hbm>> -> memref<32x128xf32, #tpu.memory_space<hbm>>
    tpu.enqueue_dma source(%dma_start3A_845 : memref<32x128xf32, #tpu.memory_space<hbm>>) target(%dma_start3A_843 : memref<32x128xf32, #tpu.memory_space<vmem>>) target_semaphore(%arg27 : memref<!tpu.dma_semaphore, #tpu.memory_space<semaphore_mem>>)
    %scan3A = arith.constant 0 : i32
    %scan3A_846 = arith.constant 0 : i32
    %scan3A_847 = arith.constant 32 : i32
    %scan3A_848 = arith.addi %scan3A_846, %scan3A_847 : i32
    %scan3A_849 = arith.constant 1 : i32
    scf.for %scan3A_1096 = %scan3A_846 to %scan3A_848 step %scan3A_849  : i32 {
      %mul3A_1097 = arith.constant 16 : i32
      %mul3A_1098 = arith.muli %scan3A_1096, %mul3A_1097 : i32
      %multiple_of3A_1099 = tpu.assume_multiple %mul3A_1098, 16 : i32
      %broadcast_in_dim3A_1100 = arith.constant 0.000000e+00 : f32
      %broadcast_in_dim3A_1101 = vector.broadcast %broadcast_in_dim3A_1100 : f32 to vector<16xf32>
      %swap3A = arith.index_cast %multiple_of3A_1099 : i32 to index
      %swap3A_1102 = tpu.vector_load %arg11[%swap3A] {strides = array<i32>} : memref<512xf32, #tpu.memory_space<vmem>>, vector<16xf32>,
      tpu.vector_store %arg11[%swap3A], %broadcast_in_dim3A_1101 {strides = array<i32>} : memref<512xf32, #tpu.memory_space<vmem>>, vector<16xf32>,
    }
    %scan3A_850 = arith.constant 32 : i32
    %scan3A_851 = arith.constant 0 : i32
    %scan3A_852 = arith.constant 0 : i32
    %scan3A_853 = arith.constant 64 : i32
    %scan3A_854 = arith.addi %scan3A_852, %scan3A_853 : i32
    %scan3A_855 = arith.constant 1 : i32
    scf.for %scan3A_1096 = %scan3A_852 to %scan3A_854 step %scan3A_855  : i32 {
      %jit3A_1097 = arith.constant 2 : i32
      %div3A_1098 = arith.divsi %scan3A_1096, %jit3A_1097 : i32
      %sign3A_1099 = arith.constant 0 : i32
      %sign3A_1100 = arith.cmpi sgt, %scan3A_1096, %sign3A_1099 : i32
      %sign3A_1101 = arith.extui %sign3A_1100 : i1 to i32
      %sign3A_1102 = arith.constant 0 : i32
      %sign3A_1103 = arith.cmpi slt, %scan3A_1096, %sign3A_1102 : i32
      %sign3A_1104 = arith.extui %sign3A_1103 : i1 to i32
      %sign3A_1105 = arith.subi %sign3A_1101, %sign3A_1104 : i32
      %sign3A_1106 = arith.constant 0 : i32
      %sign3A_1107 = arith.cmpi sgt, %jit3A_1097, %sign3A_1106 : i32
      %sign3A_1108 = arith.extui %sign3A_1107 : i1 to i32
      %sign3A_1109 = arith.constant 0 : i32
      %sign3A_1110 = arith.cmpi slt, %jit3A_1097, %sign3A_1109 : i32
      %sign3A_1111 = arith.extui %sign3A_1110 : i1 to i32
      %sign3A_1112 = arith.subi %sign3A_1108, %sign3A_1111 : i32
      %ne3A_1113 = arith.cmpi ne, %sign3A_1105, %sign3A_1112 : i32
      %rem3A_1114 = arith.remsi %scan3A_1096, %jit3A_1097 : i32
      %ne3A_1115 = arith.constant 0 : i32
      %ne3A_1116 = arith.cmpi ne, %rem3A_1114, %ne3A_1115 : i32
      %and3A_1117 = arith.andi %ne3A_1113, %ne3A_1116 : i1
      %sub3A_1118 = arith.constant 1 : i32
      %sub3A_1119 = arith.subi %div3A_1098, %sub3A_1118 : i32
      %select_n3A_1120 = arith.select %and3A_1117, %sub3A_1119, %div3A_1098 : i32
      %mul3A_1121 = arith.constant 16 : i32
      %mul3A_1122 = arith.muli %select_n3A_1120, %mul3A_1121 : i32
      %multiple_of3A_1123 = tpu.assume_multiple %mul3A_1122, 16 : i32
      %broadcast_in_dim3A_1124 = arith.constant 0.000000e+00 : f32
      %broadcast_in_dim3A_1125 = vector.broadcast %broadcast_in_dim3A_1124 : f32 to vector<16xf32>
      %jit3A_1126 = arith.constant 2 : i32
      %eq3A_1127 = arith.constant 0 : i32
      %eq3A_1128 = arith.cmpi eq, %jit3A_1126, %eq3A_1127 : i32
      %jit3A_1129 = arith.constant 1 : i32
      %select_n3A_1130 = arith.select %eq3A_1128, %jit3A_1129, %jit3A_1126 : i32
      %rem3A_1131 = arith.remsi %scan3A_1096, %select_n3A_1130 : i32
      %ne3A_1132 = arith.constant 0 : i32
      %ne3A_1133 = arith.cmpi ne, %rem3A_1131, %ne3A_1132 : i32
      %lt3A_1134 = arith.constant 0 : i32
      %lt3A_1135 = arith.cmpi slt, %rem3A_1131, %lt3A_1134 : i32
      %lt3A_1136 = arith.constant 0 : i32
      %lt3A_1137 = arith.cmpi slt, %select_n3A_1130, %lt3A_1136 : i32
      %ne3A_1138 = arith.xori %lt3A_1135, %lt3A_1137 : i1
      %and3A_1139 = arith.andi %ne3A_1138, %ne3A_1133 : i1
      %add3A_1140 = arith.addi %rem3A_1131, %select_n3A_1130 : i32
      %select_n3A_1141 = arith.select %and3A_1139, %add3A_1140, %rem3A_1131 : i32
      %mul3A_1142 = arith.constant 8 : i32
      %mul3A_1143 = arith.muli %mul3A_1142, %select_n3A_1141 : i32
      %add3A_1144 = arith.constant 0 : i32
      %add3A_1145 = arith.addi %mul3A_1143, %add3A_1144 : i32
      %get3A_1146 = arith.index_cast %multiple_of3A_1123 : i32 to index
      %get3A_1147 = tpu.vector_load %arg7[%get3A_1146] {strides = array<i32>} : memref<512xi32, #tpu.memory_space<vmem>>, vector<16xi32>,
      %get3A_1148 = arith.index_cast %multiple_of3A_1123 : i32 to index
      %get3A_1149 = tpu.vector_load %arg8[%get3A_1148] {strides = array<i32>} : memref<512xi32, #tpu.memory_space<vmem>>, vector<16xi32>,
      %broadcast_in_dim3A_1150 = vector.broadcast %add3A_1145 : i32 to vector<16xi32>
      %eq3A_1151 = arith.cmpi eq, %iota3A, %broadcast_in_dim3A_1150 : vector<16xi32>
      %jit3A_1152 = arith.constant 0 : i32
      %broadcast_in_dim3A_1153 = vector.broadcast %jit3A_1152 : i32 to vector<16xi32>
      %select_n3A_1154 = arith.select %eq3A_1151, %get3A_1147, %broadcast_in_dim3A_1153 : vector<16xi1>, vector<16xi32>
      %reduce_sum3A_1155 = arith.constant true
      %reduce_sum3A_1156 = vector.broadcast %reduce_sum3A_1155 : i1 to vector<16xi1>
      %reduce_sum3A_1157 = tpu.scan <sum>, %select_n3A_1154 masked %reduce_sum3A_1156 : vector<16xi32>, vector<16xi1> -> vector<16xi32>
      %reduce_sum3A_1158 = vector.extract %reduce_sum3A_1157[15] : i32 from vector<16xi32>
      %broadcast_in_dim3A_1159 = vector.broadcast %add3A_1145 : i32 to vector<16xi32>
      %eq3A_1160 = arith.cmpi eq, %iota3A, %broadcast_in_dim3A_1159 : vector<16xi32>
      %jit3A_1161 = arith.constant 0 : i32
      %broadcast_in_dim3A_1162 = vector.broadcast %jit3A_1161 : i32 to vector<16xi32>
      %select_n3A_1163 = arith.select %eq3A_1160, %get3A_1149, %broadcast_in_dim3A_1162 : vector<16xi1>, vector<16xi32>
      %reduce_sum3A_1164 = arith.constant true
      %reduce_sum3A_1165 = vector.broadcast %reduce_sum3A_1164 : i1 to vector<16xi1>
      %reduce_sum3A_1166 = tpu.scan <sum>, %select_n3A_1163 masked %reduce_sum3A_1165 : vector<16xi32>, vector<16xi1> -> vector<16xi32>
      %reduce_sum3A_1167 = vector.extract %reduce_sum3A_1166[15] : i32 from vector<16xi32>
      %and3A_1168 = arith.constant 127 : i32
      %and3A_1169 = arith.andi %reduce_sum3A_1158, %and3A_1168 : i32
      %broadcast_in_dim3A_1170 = vector.broadcast %and3A_1169 : i32 to vector<16xi32>
      %and3A_1171 = arith.constant 127 : i32
      %and3A_1172 = arith.andi %reduce_sum3A_1167, %and3A_1171 : i32
      %broadcast_in_dim3A_1173 = vector.broadcast %and3A_1172 : i32 to vector<16xi32>
      %broadcast_in_dim3A_1174 = arith.constant 0 : i32
      %broadcast_in_dim3A_1175 = vector.broadcast %broadcast_in_dim3A_1174 : i32 to vector<16xi32>
      %dma_wait3A_1176 = arith.constant 0 : i32
      %dma_wait3A_1177 = arith.constant 0 : i32
      %dma_wait3A_1178 = arith.constant 0 : i32
      %dma_wait3A_1179 = tpu.memref_slice %arg9[%dma_wait3A_1176, %dma_wait3A_1177, %dma_wait3A_1178] : memref<8x32x128xf32, #tpu.memory_space<vmem>> -> memref<1x32x128xf32, #tpu.memory_space<vmem>>
      %dma_wait3A_1180 = tpu.memref_squeeze %dma_wait3A_1179 : memref<1x32x128xf32, #tpu.memory_space<vmem>> -> memref<32x128xf32, #tpu.memory_space<vmem>>
      %dma_wait3A_1181 = arith.constant 0 : i32
      %dma_wait3A_1182 = arith.constant 0 : i32
      %dma_wait3A_1183 = tpu.memref_slice %arg4[%dma_wait3A_1181, %dma_wait3A_1182] : memref<32x1000000xf32, #tpu.memory_space<hbm>> -> memref<32x128xf32, #tpu.memory_space<hbm>>
      %dma_wait3A_1184 = arith.constant 0 : i32
      %dma_wait3A_1185 = arith.constant 0 : i32
      %dma_wait3A_1186 = tpu.memref_slice %arg9[%dma_wait3A_1176, %dma_wait3A_1184, %dma_wait3A_1185] : memref<8x32x128xf32, #tpu.memory_space<vmem>> -> memref<1x32x128xf32, #tpu.memory_space<vmem>>
      %dma_wait3A_1187 = tpu.memref_squeeze %dma_wait3A_1186 : memref<1x32x128xf32, #tpu.memory_space<vmem>> -> memref<32x128xf32, #tpu.memory_space<vmem>>
      %dma_wait3A_1188 = arith.constant 0 : i32
      %dma_wait3A_1189 = arith.constant 0 : i32
      %dma_wait3A_1190 = tpu.memref_slice %arg4[%dma_wait3A_1188, %dma_wait3A_1189] : memref<32x1000000xf32, #tpu.memory_space<hbm>> -> memref<32x128xf32, #tpu.memory_space<hbm>>
      tpu.wait_dma2 semaphore(%arg12 : memref<!tpu.dma_semaphore, #tpu.memory_space<semaphore_mem>>) src(%dma_wait3A_1190 : memref<32x128xf32, #tpu.memory_space<hbm>>) dst(%dma_wait3A_1187 : memref<32x128xf32, #tpu.memory_space<vmem>>)
      %dma_wait3A_1191 = arith.constant 0 : i32
      %dma_wait3A_1192 = arith.constant 0 : i32
      %dma_wait3A_1193 = arith.constant 0 : i32
      %dma_wait3A_1194 = tpu.memref_slice %arg10[%dma_wait3A_1191, %dma_wait3A_1192, %dma_wait3A_1193] : memref<8x32x128xf32, #tpu.memory_space<vmem>> -> memref<1x32x128xf32, #tpu.memory_space<vmem>>
      %dma_wait3A_1195 = tpu.memref_squeeze %dma_wait3A_1194 : memref<1x32x128xf32, #tpu.memory_space<vmem>> -> memref<32x128xf32, #tpu.memory_space<vmem>>
      %dma_wait3A_1196 = arith.constant 0 : i32
      %dma_wait3A_1197 = arith.constant 0 : i32
      %dma_wait3A_1198 = tpu.memref_slice %arg5[%dma_wait3A_1196, %dma_wait3A_1197] : memref<32x1000000xf32, #tpu.memory_space<hbm>> -> memref<32x128xf32, #tpu.memory_space<hbm>>
      %dma_wait3A_1199 = arith.constant 0 : i32
      %dma_wait3A_1200 = arith.constant 0 : i32
      %dma_wait3A_1201 = tpu.memref_slice %arg10[%dma_wait3A_1191, %dma_wait3A_1199, %dma_wait3A_1200] : memref<8x32x128xf32, #tpu.memory_space<vmem>> -> memref<1x32x128xf32, #tpu.memory_space<vmem>>
      %dma_wait3A_1202 = tpu.memref_squeeze %dma_wait3A_1201 : memref<1x32x128xf32, #tpu.memory_space<vmem>> -> memref<32x128xf32, #tpu.memory_space<vmem>>
      %dma_wait3A_1203 = arith.constant 0 : i32
      %dma_wait3A_1204 = arith.constant 0 : i32
      %dma_wait3A_1205 = tpu.memref_slice %arg5[%dma_wait3A_1203, %dma_wait3A_1204] : memref<32x1000000xf32, #tpu.memory_space<hbm>> -> memref<32x128xf32, #tpu.memory_space<hbm>>
      tpu.wait_dma2 semaphore(%arg20 : memref<!tpu.dma_semaphore, #tpu.memory_space<semaphore_mem>>) src(%dma_wait3A_1205 : memref<32x128xf32, #tpu.memory_space<hbm>>) dst(%dma_wait3A_1202 : memref<32x128xf32, #tpu.memory_space<vmem>>)
      %gather3A = tpu.vector_load_idx %arg9[%broadcast_in_dim3A_1175, %iota3A, %broadcast_in_dim3A_1170] : memref<8x32x128xf32, #tpu.memory_space<vmem>>[vector<16xi32>, vector<16xi32>, vector<16xi32>], vector<16xf32>,
      %gather3A_1206 = tpu.vector_load_idx %arg9[%broadcast_in_dim3A_1175, %add3A_5, %broadcast_in_dim3A_1170] : memref<8x32x128xf32, #tpu.memory_space<vmem>>[vector<16xi32>, vector<16xi32>, vector<16xi32>], vector<16xf32>,
      %gather3A_1207 = tpu.vector_load_idx %arg10[%broadcast_in_dim3A_1175, %iota3A, %broadcast_in_dim3A_1173] : memref<8x32x128xf32, #tpu.memory_space<vmem>>[vector<16xi32>, vector<16xi32>, vector<16xi32>], vector<16xf32>,
      %gather3A_1208 = tpu.vector_load_idx %arg10[%broadcast_in_dim3A_1175, %add3A_5, %broadcast_in_dim3A_1173] : memref<8x32x128xf32, #tpu.memory_space<vmem>>[vector<16xi32>, vector<16xi32>, vector<16xi32>], vector<16xf32>,
      %mul3A_1209 = arith.mulf %gather3A, %gather3A_1207 : vector<16xf32>
      %mul3A_1210 = arith.mulf %gather3A_1206, %gather3A_1208 : vector<16xf32>
      %add3A_1211 = arith.addf %mul3A_1209, %mul3A_1210 : vector<16xf32>
      %reduce_sum3A_1212 = arith.constant true
      %reduce_sum3A_1213 = vector.broadcast %reduce_sum3A_1212 : i1 to vector<16xi1>
      %reduce_sum3A_1214 = tpu.scan <sum>, %add3A_1211 masked %reduce_sum3A_1213 : vector<16xf32>, vector<16xi1> -> vector<16xf32>
      %reduce_sum3A_1215 = vector.extract %reduce_sum3A_1214[15] : f32 from vector<16xf32>
      %broadcast_in_dim3A_1216 = vector.broadcast %add3A_1145 : i32 to vector<16xi32>
      %eq3A_1217 = arith.cmpi eq, %iota3A, %broadcast_in_dim3A_1216 : vector<16xi32>
      %broadcast_in_dim3A_1218 = vector.broadcast %reduce_sum3A_1215 : f32 to vector<16xf32>
      %jit3A_1219 = arith.constant 0.000000e+00 : f32
      %broadcast_in_dim3A_1220 = vector.broadcast %jit3A_1219 : f32 to vector<16xf32>
      %select_n3A_1221 = arith.select %eq3A_1217, %broadcast_in_dim3A_1218, %broadcast_in_dim3A_1220 : vector<16xi1>, vector<16xf32>
      %add3A_1222 = arith.addf %broadcast_in_dim3A_1125, %select_n3A_1221 : vector<16xf32>
      %add3A_1223 = arith.constant 1 : i32
      %add3A_1224 = arith.addi %scan3A_1096, %add3A_1223 : i32
      %min3A = arith.constant 63 : i32
      %min3A_1225 = arith.minsi %add3A_1224, %min3A : i32
      %jit3A_1226 = arith.constant 2 : i32
      %div3A_1227 = arith.divsi %min3A_1225, %jit3A_1226 : i32
      %sign3A_1228 = arith.constant 0 : i32
      %sign3A_1229 = arith.cmpi sgt, %min3A_1225, %sign3A_1228 : i32
      %sign3A_1230 = arith.extui %sign3A_1229 : i1 to i32
      %sign3A_1231 = arith.constant 0 : i32
      %sign3A_1232 = arith.cmpi slt, %min3A_1225, %sign3A_1231 : i32
      %sign3A_1233 = arith.extui %sign3A_1232 : i1 to i32
      %sign3A_1234 = arith.subi %sign3A_1230, %sign3A_1233 : i32
      %sign3A_1235 = arith.constant 0 : i32
      %sign3A_1236 = arith.cmpi sgt, %jit3A_1226, %sign3A_1235 : i32
      %sign3A_1237 = arith.extui %sign3A_1236 : i1 to i32
      %sign3A_1238 = arith.constant 0 : i32
      %sign3A_1239 = arith.cmpi slt, %jit3A_1226, %sign3A_1238 : i32
      %sign3A_1240 = arith.extui %sign3A_1239 : i1 to i32
      %sign3A_1241 = arith.subi %sign3A_1237, %sign3A_1240 : i32
      %ne3A_1242 = arith.cmpi ne, %sign3A_1234, %sign3A_1241 : i32
      %rem3A_1243 = arith.remsi %min3A_1225, %jit3A_1226 : i32
      %ne3A_1244 = arith.constant 0 : i32
      %ne3A_1245 = arith.cmpi ne, %rem3A_1243, %ne3A_1244 : i32
      %and3A_1246 = arith.andi %ne3A_1242, %ne3A_1245 : i1
      %sub3A_1247 = arith.constant 1 : i32
      %sub3A_1248 = arith.subi %div3A_1227, %sub3A_1247 : i32
      %select_n3A_1249 = arith.select %and3A_1246, %sub3A_1248, %div3A_1227 : i32
      %mul3A_1250 = arith.constant 16 : i32
      %mul3A_1251 = arith.muli %select_n3A_1249, %mul3A_1250 : i32
      %multiple_of3A_1252 = tpu.assume_multiple %mul3A_1251, 16 : i32
      %jit3A_1253 = arith.constant 2 : i32
      %eq3A_1254 = arith.constant 0 : i32
      %eq3A_1255 = arith.cmpi eq, %jit3A_1253, %eq3A_1254 : i32
      %jit3A_1256 = arith.constant 1 : i32
      %select_n3A_1257 = arith.select %eq3A_1255, %jit3A_1256, %jit3A_1253 : i32
      %rem3A_1258 = arith.remsi %min3A_1225, %select_n3A_1257 : i32
      %ne3A_1259 = arith.constant 0 : i32
      %ne3A_1260 = arith.cmpi ne, %rem3A_1258, %ne3A_1259 : i32
      %lt3A_1261 = arith.constant 0 : i32
      %lt3A_1262 = arith.cmpi slt, %rem3A_1258, %lt3A_1261 : i32
      %lt3A_1263 = arith.constant 0 : i32
      %lt3A_1264 = arith.cmpi slt, %select_n3A_1257, %lt3A_1263 : i32
      %ne3A_1265 = arith.xori %lt3A_1262, %lt3A_1264 : i1
      %and3A_1266 = arith.andi %ne3A_1265, %ne3A_1260 : i1
      %add3A_1267 = arith.addi %rem3A_1258, %select_n3A_1257 : i32
      %select_n3A_1268 = arith.select %and3A_1266, %add3A_1267, %rem3A_1258 : i32
      %mul3A_1269 = arith.constant 8 : i32
      %mul3A_1270 = arith.muli %mul3A_1269, %select_n3A_1268 : i32
      %add3A_1271 = arith.constant 0 : i32
      %add3A_1272 = arith.addi %mul3A_1270, %add3A_1271 : i32
      %get3A_1273 = arith.index_cast %multiple_of3A_1252 : i32 to index
      %get3A_1274 = tpu.vector_load %arg7[%get3A_1273] {strides = array<i32>} : memref<512xi32, #tpu.memory_space<vmem>>, vector<16xi32>,
      %get3A_1275 = arith.index_cast %multiple_of3A_1252 : i32 to index
      %get3A_1276 = tpu.vector_load %arg8[%get3A_1275] {strides = array<i32>} : memref<512xi32, #tpu.memory_space<vmem>>, vector<16xi32>,
      %broadcast_in_dim3A_1277 = vector.broadcast %add3A_1272 : i32 to vector<16xi32>
      %eq3A_1278 = arith.cmpi eq, %iota3A, %broadcast_in_dim3A_1277 : vector<16xi32>
      %jit3A_1279 = arith.constant 0 : i32
      %broadcast_in_dim3A_1280 = vector.broadcast %jit3A_1279 : i32 to vector<16xi32>
      %select_n3A_1281 = arith.select %eq3A_1278, %get3A_1274, %broadcast_in_dim3A_1280 : vector<16xi1>, vector<16xi32>
      %reduce_sum3A_1282 = arith.constant true
      %reduce_sum3A_1283 = vector.broadcast %reduce_sum3A_1282 : i1 to vector<16xi1>
      %reduce_sum3A_1284 = tpu.scan <sum>, %select_n3A_1281 masked %reduce_sum3A_1283 : vector<16xi32>, vector<16xi1> -> vector<16xi32>
      %reduce_sum3A_1285 = vector.extract %reduce_sum3A_1284[15] : i32 from vector<16xi32>
      %broadcast_in_dim3A_1286 = vector.broadcast %add3A_1272 : i32 to vector<16xi32>
      %eq3A_1287 = arith.cmpi eq, %iota3A, %broadcast_in_dim3A_1286 : vector<16xi32>
      %jit3A_1288 = arith.constant 0 : i32
      %broadcast_in_dim3A_1289 = vector.broadcast %jit3A_1288 : i32 to vector<16xi32>
      %select_n3A_1290 = arith.select %eq3A_1287, %get3A_1276, %broadcast_in_dim3A_1289 : vector<16xi1>, vector<16xi32>
      %reduce_sum3A_1291 = arith.constant true
      %reduce_sum3A_1292 = vector.broadcast %reduce_sum3A_1291 : i1 to vector<16xi1>
      %reduce_sum3A_1293 = tpu.scan <sum>, %select_n3A_1290 masked %reduce_sum3A_1292 : vector<16xi32>, vector<16xi1> -> vector<16xi32>
      %reduce_sum3A_1294 = vector.extract %reduce_sum3A_1293[15] : i32 from vector<16xi32>
      %shift_right_arithmetic3A_1295 = arith.constant 7 : i32
      %shift_right_arithmetic3A_1296 = arith.shrsi %reduce_sum3A_1285, %shift_right_arithmetic3A_1295 : i32
      %mul3A_1297 = arith.constant 128 : i32
      %mul3A_1298 = arith.muli %shift_right_arithmetic3A_1296, %mul3A_1297 : i32
      %multiple_of3A_1299 = tpu.assume_multiple %mul3A_1298, 128 : i32
      %shift_right_arithmetic3A_1300 = arith.constant 7 : i32
      %shift_right_arithmetic3A_1301 = arith.shrsi %reduce_sum3A_1294, %shift_right_arithmetic3A_1300 : i32
      %mul3A_1302 = arith.constant 128 : i32
      %mul3A_1303 = arith.muli %shift_right_arithmetic3A_1301, %mul3A_1302 : i32
      %multiple_of3A_1304 = tpu.assume_multiple %mul3A_1303, 128 : i32
      %dma_start3A_1305 = arith.constant 0 : i32
      %dma_start3A_1306 = arith.constant 0 : i32
      %dma_start3A_1307 = arith.constant 0 : i32
      %dma_start3A_1308 = tpu.memref_slice %arg9[%dma_start3A_1305, %dma_start3A_1306, %dma_start3A_1307] : memref<8x32x128xf32, #tpu.memory_space<vmem>> -> memref<1x32x128xf32, #tpu.memory_space<vmem>>
      %dma_start3A_1309 = tpu.memref_squeeze %dma_start3A_1308 : memref<1x32x128xf32, #tpu.memory_space<vmem>> -> memref<32x128xf32, #tpu.memory_space<vmem>>
      %dma_start3A_1310 = arith.constant 0 : i32
      %dma_start3A_1311 = tpu.memref_slice %arg4[%dma_start3A_1310, %multiple_of3A_1299] : memref<32x1000000xf32, #tpu.memory_space<hbm>> -> memref<32x128xf32, #tpu.memory_space<hbm>>
      %dma_start3A_1312 = arith.constant 0 : i32
      %dma_start3A_1313 = arith.constant 0 : i32
      %dma_start3A_1314 = tpu.memref_slice %arg9[%dma_start3A_1305, %dma_start3A_1312, %dma_start3A_1313] : memref<8x32x128xf32, #tpu.memory_space<vmem>> -> memref<1x32x128xf32, #tpu.memory_space<vmem>>
      %dma_start3A_1315 = tpu.memref_squeeze %dma_start3A_1314 : memref<1x32x128xf32, #tpu.memory_space<vmem>> -> memref<32x128xf32, #tpu.memory_space<vmem>>
      %dma_start3A_1316 = arith.constant 0 : i32
      %dma_start3A_1317 = tpu.memref_slice %arg4[%dma_start3A_1316, %multiple_of3A_1299] : memref<32x1000000xf32, #tpu.memory_space<hbm>> -> memref<32x128xf32, #tpu.memory_space<hbm>>
      tpu.enqueue_dma source(%dma_start3A_1317 : memref<32x128xf32, #tpu.memory_space<hbm>>) target(%dma_start3A_1315 : memref<32x128xf32, #tpu.memory_space<vmem>>) target_semaphore(%arg12 : memref<!tpu.dma_semaphore, #tpu.memory_space<semaphore_mem>>)
      %dma_start3A_1318 = arith.constant 0 : i32
      %dma_start3A_1319 = arith.constant 0 : i32
      %dma_start3A_1320 = arith.constant 0 : i32
      %dma_start3A_1321 = tpu.memref_slice %arg10[%dma_start3A_1318, %dma_start3A_1319, %dma_start3A_1320] : memref<8x32x128xf32, #tpu.memory_space<vmem>> -> memref<1x32x128xf32, #tpu.memory_space<vmem>>
      %dma_start3A_1322 = tpu.memref_squeeze %dma_start3A_1321 : memref<1x32x128xf32, #tpu.memory_space<vmem>> -> memref<32x128xf32, #tpu.memory_space<vmem>>
      %dma_start3A_1323 = arith.constant 0 : i32
      %dma_start3A_1324 = tpu.memref_slice %arg5[%dma_start3A_1323, %multiple_of3A_1304] : memref<32x1000000xf32, #tpu.memory_space<hbm>> -> memref<32x128xf32, #tpu.memory_space<hbm>>
      %dma_start3A_1325 = arith.constant 0 : i32
      %dma_start3A_1326 = arith.constant 0 : i32
      %dma_start3A_1327 = tpu.memref_slice %arg10[%dma_start3A_1318, %dma_start3A_1325, %dma_start3A_1326] : memref<8x32x128xf32, #tpu.memory_space<vmem>> -> memref<1x32x128xf32, #tpu.memory_space<vmem>>
      %dma_start3A_1328 = tpu.memref_squeeze %dma_start3A_1327 : memref<1x32x128xf32, #tpu.memory_space<vmem>> -> memref<32x128xf32, #tpu.memory_space<vmem>>
      %dma_start3A_1329 = arith.constant 0 : i32
      %dma_start3A_1330 = tpu.memref_slice %arg5[%dma_start3A_1329, %multiple_of3A_1304] : memref<32x1000000xf32, #tpu.memory_space<hbm>> -> memref<32x128xf32, #tpu.memory_space<hbm>>
      tpu.enqueue_dma source(%dma_start3A_1330 : memref<32x128xf32, #tpu.memory_space<hbm>>) target(%dma_start3A_1328 : memref<32x128xf32, #tpu.memory_space<vmem>>) target_semaphore(%arg20 : memref<!tpu.dma_semaphore, #tpu.memory_space<semaphore_mem>>)
      %jit3A_1331 = arith.constant 2 : i32
      %eq3A_1332 = arith.constant 0 : i32
      %eq3A_1333 = arith.cmpi eq, %jit3A_1331, %eq3A_1332 : i32
      %jit3A_1334 = arith.constant 1 : i32
      %select_n3A_1335 = arith.select %eq3A_1333, %jit3A_1334, %jit3A_1331 : i32
      %rem3A_1336 = arith.remsi %scan3A_1096, %select_n3A_1335 : i32
      %ne3A_1337 = arith.constant 0 : i32
      %ne3A_1338 = arith.cmpi ne, %rem3A_1336, %ne3A_1337 : i32
      %lt3A_1339 = arith.constant 0 : i32
      %lt3A_1340 = arith.cmpi slt, %rem3A_1336, %lt3A_1339 : i32
      %lt3A_1341 = arith.constant 0 : i32
      %lt3A_1342 = arith.cmpi slt, %select_n3A_1335, %lt3A_1341 : i32
      %ne3A_1343 = arith.xori %lt3A_1340, %lt3A_1342 : i1
      %and3A_1344 = arith.andi %ne3A_1343, %ne3A_1338 : i1
      %add3A_1345 = arith.addi %rem3A_1336, %select_n3A_1335 : i32
      %select_n3A_1346 = arith.select %and3A_1344, %add3A_1345, %rem3A_1336 : i32
      %mul3A_1347 = arith.constant 8 : i32
      %mul3A_1348 = arith.muli %mul3A_1347, %select_n3A_1346 : i32
      %add3A_1349 = arith.constant 1 : i32
      %add3A_1350 = arith.addi %mul3A_1348, %add3A_1349 : i32
      %get3A_1351 = arith.index_cast %multiple_of3A_1123 : i32 to index
      %get3A_1352 = tpu.vector_load %arg7[%get3A_1351] {strides = array<i32>} : memref<512xi32, #tpu.memory_space<vmem>>, vector<16xi32>,
      %get3A_1353 = arith.index_cast %multiple_of3A_1123 : i32 to index
      %get3A_1354 = tpu.vector_load %arg8[%get3A_1353] {strides = array<i32>} : memref<512xi32, #tpu.memory_space<vmem>>, vector<16xi32>,
      %broadcast_in_dim3A_1355 = vector.broadcast %add3A_1350 : i32 to vector<16xi32>
      %eq3A_1356 = arith.cmpi eq, %iota3A, %broadcast_in_dim3A_1355 : vector<16xi32>
      %jit3A_1357 = arith.constant 0 : i32
      %broadcast_in_dim3A_1358 = vector.broadcast %jit3A_1357 : i32 to vector<16xi32>
      %select_n3A_1359 = arith.select %eq3A_1356, %get3A_1352, %broadcast_in_dim3A_1358 : vector<16xi1>, vector<16xi32>
      %reduce_sum3A_1360 = arith.constant true
      %reduce_sum3A_1361 = vector.broadcast %reduce_sum3A_1360 : i1 to vector<16xi1>
      %reduce_sum3A_1362 = tpu.scan <sum>, %select_n3A_1359 masked %reduce_sum3A_1361 : vector<16xi32>, vector<16xi1> -> vector<16xi32>
      %reduce_sum3A_1363 = vector.extract %reduce_sum3A_1362[15] : i32 from vector<16xi32>
      %broadcast_in_dim3A_1364 = vector.broadcast %add3A_1350 : i32 to vector<16xi32>
      %eq3A_1365 = arith.cmpi eq, %iota3A, %broadcast_in_dim3A_1364 : vector<16xi32>
      %jit3A_1366 = arith.constant 0 : i32
      %broadcast_in_dim3A_1367 = vector.broadcast %jit3A_1366 : i32 to vector<16xi32>
      %select_n3A_1368 = arith.select %eq3A_1365, %get3A_1354, %broadcast_in_dim3A_1367 : vector<16xi1>, vector<16xi32>
      %reduce_sum3A_1369 = arith.constant true
      %reduce_sum3A_1370 = vector.broadcast %reduce_sum3A_1369 : i1 to vector<16xi1>
      %reduce_sum3A_1371 = tpu.scan <sum>, %select_n3A_1368 masked %reduce_sum3A_1370 : vector<16xi32>, vector<16xi1> -> vector<16xi32>
      %reduce_sum3A_1372 = vector.extract %reduce_sum3A_1371[15] : i32 from vector<16xi32>
      %and3A_1373 = arith.constant 127 : i32
      %and3A_1374 = arith.andi %reduce_sum3A_1363, %and3A_1373 : i32
      %broadcast_in_dim3A_1375 = vector.broadcast %and3A_1374 : i32 to vector<16xi32>
      %and3A_1376 = arith.constant 127 : i32
      %and3A_1377 = arith.andi %reduce_sum3A_1372, %and3A_1376 : i32
      %broadcast_in_dim3A_1378 = vector.broadcast %and3A_1377 : i32 to vector<16xi32>
      %broadcast_in_dim3A_1379 = arith.constant 1 : i32
      %broadcast_in_dim3A_1380 = vector.broadcast %broadcast_in_dim3A_1379 : i32 to vector<16xi32>
      %dma_wait3A_1381 = arith.constant 1 : i32
      %dma_wait3A_1382 = arith.constant 0 : i32
      %dma_wait3A_1383 = arith.constant 0 : i32
      %dma_wait3A_1384 = tpu.memref_slice %arg9[%dma_wait3A_1381, %dma_wait3A_1382, %dma_wait3A_1383] : memref<8x32x128xf32, #tpu.memory_space<vmem>> -> memref<1x32x128xf32, #tpu.memory_space<vmem>>
      %dma_wait3A_1385 = tpu.memref_squeeze %dma_wait3A_1384 : memref<1x32x128xf32, #tpu.memory_space<vmem>> -> memref<32x128xf32, #tpu.memory_space<vmem>>
      %dma_wait3A_1386 = arith.constant 0 : i32
      %dma_wait3A_1387 = arith.constant 0 : i32
      %dma_wait3A_1388 = tpu.memref_slice %arg4[%dma_wait3A_1386, %dma_wait3A_1387] : memref<32x1000000xf32, #tpu.memory_space<hbm>> -> memref<32x128xf32, #tpu.memory_space<hbm>>
      %dma_wait3A_1389 = arith.constant 0 : i32
      %dma_wait3A_1390 = arith.constant 0 : i32
      %dma_wait3A_1391 = tpu.memref_slice %arg9[%dma_wait3A_1381, %dma_wait3A_1389, %dma_wait3A_1390] : memref<8x32x128xf32, #tpu.memory_space<vmem>> -> memref<1x32x128xf32, #tpu.memory_space<vmem>>
      %dma_wait3A_1392 = tpu.memref_squeeze %dma_wait3A_1391 : memref<1x32x128xf32, #tpu.memory_space<vmem>> -> memref<32x128xf32, #tpu.memory_space<vmem>>
      %dma_wait3A_1393 = arith.constant 0 : i32
      %dma_wait3A_1394 = arith.constant 0 : i32
      %dma_wait3A_1395 = tpu.memref_slice %arg4[%dma_wait3A_1393, %dma_wait3A_1394] : memref<32x1000000xf32, #tpu.memory_space<hbm>> -> memref<32x128xf32, #tpu.memory_space<hbm>>
      tpu.wait_dma2 semaphore(%arg13 : memref<!tpu.dma_semaphore, #tpu.memory_space<semaphore_mem>>) src(%dma_wait3A_1395 : memref<32x128xf32, #tpu.memory_space<hbm>>) dst(%dma_wait3A_1392 : memref<32x128xf32, #tpu.memory_space<vmem>>)
      %dma_wait3A_1396 = arith.constant 1 : i32
      %dma_wait3A_1397 = arith.constant 0 : i32
      %dma_wait3A_1398 = arith.constant 0 : i32
      %dma_wait3A_1399 = tpu.memref_slice %arg10[%dma_wait3A_1396, %dma_wait3A_1397, %dma_wait3A_1398] : memref<8x32x128xf32, #tpu.memory_space<vmem>> -> memref<1x32x128xf32, #tpu.memory_space<vmem>>
      %dma_wait3A_1400 = tpu.memref_squeeze %dma_wait3A_1399 : memref<1x32x128xf32, #tpu.memory_space<vmem>> -> memref<32x128xf32, #tpu.memory_space<vmem>>
      %dma_wait3A_1401 = arith.constant 0 : i32
      %dma_wait3A_1402 = arith.constant 0 : i32
      %dma_wait3A_1403 = tpu.memref_slice %arg5[%dma_wait3A_1401, %dma_wait3A_1402] : memref<32x1000000xf32, #tpu.memory_space<hbm>> -> memref<32x128xf32, #tpu.memory_space<hbm>>
      %dma_wait3A_1404 = arith.constant 0 : i32
      %dma_wait3A_1405 = arith.constant 0 : i32
      %dma_wait3A_1406 = tpu.memref_slice %arg10[%dma_wait3A_1396, %dma_wait3A_1404, %dma_wait3A_1405] : memref<8x32x128xf32, #tpu.memory_space<vmem>> -> memref<1x32x128xf32, #tpu.memory_space<vmem>>
      %dma_wait3A_1407 = tpu.memref_squeeze %dma_wait3A_1406 : memref<1x32x128xf32, #tpu.memory_space<vmem>> -> memref<32x128xf32, #tpu.memory_space<vmem>>
      %dma_wait3A_1408 = arith.constant 0 : i32
      %dma_wait3A_1409 = arith.constant 0 : i32
      %dma_wait3A_1410 = tpu.memref_slice %arg5[%dma_wait3A_1408, %dma_wait3A_1409] : memref<32x1000000xf32, #tpu.memory_space<hbm>> -> memref<32x128xf32, #tpu.memory_space<hbm>>
      tpu.wait_dma2 semaphore(%arg21 : memref<!tpu.dma_semaphore, #tpu.memory_space<semaphore_mem>>) src(%dma_wait3A_1410 : memref<32x128xf32, #tpu.memory_space<hbm>>) dst(%dma_wait3A_1407 : memref<32x128xf32, #tpu.memory_space<vmem>>)
      %gather3A_1411 = tpu.vector_load_idx %arg9[%broadcast_in_dim3A_1380, %iota3A, %broadcast_in_dim3A_1375] : memref<8x32x128xf32, #tpu.memory_space<vmem>>[vector<16xi32>, vector<16xi32>, vector<16xi32>], vector<16xf32>,
      %gather3A_1412 = tpu.vector_load_idx %arg9[%broadcast_in_dim3A_1380, %add3A_5, %broadcast_in_dim3A_1375] : memref<8x32x128xf32, #tpu.memory_space<vmem>>[vector<16xi32>, vector<16xi32>, vector<16xi32>], vector<16xf32>,
      %gather3A_1413 = tpu.vector_load_idx %arg10[%broadcast_in_dim3A_1380, %iota3A, %broadcast_in_dim3A_1378] : memref<8x32x128xf32, #tpu.memory_space<vmem>>[vector<16xi32>, vector<16xi32>, vector<16xi32>], vector<16xf32>,
      %gather3A_1414 = tpu.vector_load_idx %arg10[%broadcast_in_dim3A_1380, %add3A_5, %broadcast_in_dim3A_1378] : memref<8x32x128xf32, #tpu.memory_space<vmem>>[vector<16xi32>, vector<16xi32>, vector<16xi32>], vector<16xf32>,
      %mul3A_1415 = arith.mulf %gather3A_1411, %gather3A_1413 : vector<16xf32>
      %mul3A_1416 = arith.mulf %gather3A_1412, %gather3A_1414 : vector<16xf32>
      %add3A_1417 = arith.addf %mul3A_1415, %mul3A_1416 : vector<16xf32>
      %reduce_sum3A_1418 = arith.constant true
      %reduce_sum3A_1419 = vector.broadcast %reduce_sum3A_1418 : i1 to vector<16xi1>
      %reduce_sum3A_1420 = tpu.scan <sum>, %add3A_1417 masked %reduce_sum3A_1419 : vector<16xf32>, vector<16xi1> -> vector<16xf32>
      %reduce_sum3A_1421 = vector.extract %reduce_sum3A_1420[15] : f32 from vector<16xf32>
      %broadcast_in_dim3A_1422 = vector.broadcast %add3A_1350 : i32 to vector<16xi32>
      %eq3A_1423 = arith.cmpi eq, %iota3A, %broadcast_in_dim3A_1422 : vector<16xi32>
      %broadcast_in_dim3A_1424 = vector.broadcast %reduce_sum3A_1421 : f32 to vector<16xf32>
      %jit3A_1425 = arith.constant 0.000000e+00 : f32
      %broadcast_in_dim3A_1426 = vector.broadcast %jit3A_1425 : f32 to vector<16xf32>
      %select_n3A_1427 = arith.select %eq3A_1423, %broadcast_in_dim3A_1424, %broadcast_in_dim3A_1426 : vector<16xi1>, vector<16xf32>
      %add3A_1428 = arith.addf %add3A_1222, %select_n3A_1427 : vector<16xf32>
      %add3A_1429 = arith.constant 1 : i32
      %add3A_1430 = arith.addi %scan3A_1096, %add3A_1429 : i32
      %min3A_1431 = arith.constant 63 : i32
      %min3A_1432 = arith.minsi %add3A_1430, %min3A_1431 : i32
      %jit3A_1433 = arith.constant 2 : i32
      %div3A_1434 = arith.divsi %min3A_1432, %jit3A_1433 : i32
      %sign3A_1435 = arith.constant 0 : i32
      %sign3A_1436 = arith.cmpi sgt, %min3A_1432, %sign3A_1435 : i32
      %sign3A_1437 = arith.extui %sign3A_1436 : i1 to i32
      %sign3A_1438 = arith.constant 0 : i32
      %sign3A_1439 = arith.cmpi slt, %min3A_1432, %sign3A_1438 : i32
      %sign3A_1440 = arith.extui %sign3A_1439 : i1 to i32
      %sign3A_1441 = arith.subi %sign3A_1437, %sign3A_1440 : i32
      %sign3A_1442 = arith.constant 0 : i32
      %sign3A_1443 = arith.cmpi sgt, %jit3A_1433, %sign3A_1442 : i32
      %sign3A_1444 = arith.extui %sign3A_1443 : i1 to i32
      %sign3A_1445 = arith.constant 0 : i32
      %sign3A_1446 = arith.cmpi slt, %jit3A_1433, %sign3A_1445 : i32
      %sign3A_1447 = arith.extui %sign3A_1446 : i1 to i32
      %sign3A_1448 = arith.subi %sign3A_1444, %sign3A_1447 : i32
      %ne3A_1449 = arith.cmpi ne, %sign3A_1441, %sign3A_1448 : i32
      %rem3A_1450 = arith.remsi %min3A_1432, %jit3A_1433 : i32
      %ne3A_1451 = arith.constant 0 : i32
      %ne3A_1452 = arith.cmpi ne, %rem3A_1450, %ne3A_1451 : i32
      %and3A_1453 = arith.andi %ne3A_1449, %ne3A_1452 : i1
      %sub3A_1454 = arith.constant 1 : i32
      %sub3A_1455 = arith.subi %div3A_1434, %sub3A_1454 : i32
      %select_n3A_1456 = arith.select %and3A_1453, %sub3A_1455, %div3A_1434 : i32
      %mul3A_1457 = arith.constant 16 : i32
      %mul3A_1458 = arith.muli %select_n3A_1456, %mul3A_1457 : i32
      %multiple_of3A_1459 = tpu.assume_multiple %mul3A_1458, 16 : i32
      %jit3A_1460 = arith.constant 2 : i32
      %eq3A_1461 = arith.constant 0 : i32
      %eq3A_1462 = arith.cmpi eq, %jit3A_1460, %eq3A_1461 : i32
      %jit3A_1463 = arith.constant 1 : i32
      %select_n3A_1464 = arith.select %eq3A_1462, %jit3A_1463, %jit3A_1460 : i32
      %rem3A_1465 = arith.remsi %min3A_1432, %select_n3A_1464 : i32
      %ne3A_1466 = arith.constant 0 : i32
      %ne3A_1467 = arith.cmpi ne, %rem3A_1465, %ne3A_1466 : i32
      %lt3A_1468 = arith.constant 0 : i32
      %lt3A_1469 = arith.cmpi slt, %rem3A_1465, %lt3A_1468 : i32
      %lt3A_1470 = arith.constant 0 : i32
      %lt3A_1471 = arith.cmpi slt, %select_n3A_1464, %lt3A_1470 : i32
      %ne3A_1472 = arith.xori %lt3A_1469, %lt3A_1471 : i1
      %and3A_1473 = arith.andi %ne3A_1472, %ne3A_1467 : i1
      %add3A_1474 = arith.addi %rem3A_1465, %select_n3A_1464 : i32
      %select_n3A_1475 = arith.select %and3A_1473, %add3A_1474, %rem3A_1465 : i32
      %mul3A_1476 = arith.constant 8 : i32
      %mul3A_1477 = arith.muli %mul3A_1476, %select_n3A_1475 : i32
      %add3A_1478 = arith.constant 1 : i32
      %add3A_1479 = arith.addi %mul3A_1477, %add3A_1478 : i32
      %get3A_1480 = arith.index_cast %multiple_of3A_1459 : i32 to index
      %get3A_1481 = tpu.vector_load %arg7[%get3A_1480] {strides = array<i32>} : memref<512xi32, #tpu.memory_space<vmem>>, vector<16xi32>,
      %get3A_1482 = arith.index_cast %multiple_of3A_1459 : i32 to index
      %get3A_1483 = tpu.vector_load %arg8[%get3A_1482] {strides = array<i32>} : memref<512xi32, #tpu.memory_space<vmem>>, vector<16xi32>,
      %broadcast_in_dim3A_1484 = vector.broadcast %add3A_1479 : i32 to vector<16xi32>
      %eq3A_1485 = arith.cmpi eq, %iota3A, %broadcast_in_dim3A_1484 : vector<16xi32>
      %jit3A_1486 = arith.constant 0 : i32
      %broadcast_in_dim3A_1487 = vector.broadcast %jit3A_1486 : i32 to vector<16xi32>
      %select_n3A_1488 = arith.select %eq3A_1485, %get3A_1481, %broadcast_in_dim3A_1487 : vector<16xi1>, vector<16xi32>
      %reduce_sum3A_1489 = arith.constant true
      %reduce_sum3A_1490 = vector.broadcast %reduce_sum3A_1489 : i1 to vector<16xi1>
      %reduce_sum3A_1491 = tpu.scan <sum>, %select_n3A_1488 masked %reduce_sum3A_1490 : vector<16xi32>, vector<16xi1> -> vector<16xi32>
      %reduce_sum3A_1492 = vector.extract %reduce_sum3A_1491[15] : i32 from vector<16xi32>
      %broadcast_in_dim3A_1493 = vector.broadcast %add3A_1479 : i32 to vector<16xi32>
      %eq3A_1494 = arith.cmpi eq, %iota3A, %broadcast_in_dim3A_1493 : vector<16xi32>
      %jit3A_1495 = arith.constant 0 : i32
      %broadcast_in_dim3A_1496 = vector.broadcast %jit3A_1495 : i32 to vector<16xi32>
      %select_n3A_1497 = arith.select %eq3A_1494, %get3A_1483, %broadcast_in_dim3A_1496 : vector<16xi1>, vector<16xi32>
      %reduce_sum3A_1498 = arith.constant true
      %reduce_sum3A_1499 = vector.broadcast %reduce_sum3A_1498 : i1 to vector<16xi1>
      %reduce_sum3A_1500 = tpu.scan <sum>, %select_n3A_1497 masked %reduce_sum3A_1499 : vector<16xi32>, vector<16xi1> -> vector<16xi32>
      %reduce_sum3A_1501 = vector.extract %reduce_sum3A_1500[15] : i32 from vector<16xi32>
      %shift_right_arithmetic3A_1502 = arith.constant 7 : i32
      %shift_right_arithmetic3A_1503 = arith.shrsi %reduce_sum3A_1492, %shift_right_arithmetic3A_1502 : i32
      %mul3A_1504 = arith.constant 128 : i32
      %mul3A_1505 = arith.muli %shift_right_arithmetic3A_1503, %mul3A_1504 : i32
      %multiple_of3A_1506 = tpu.assume_multiple %mul3A_1505, 128 : i32
      %shift_right_arithmetic3A_1507 = arith.constant 7 : i32
      %shift_right_arithmetic3A_1508 = arith.shrsi %reduce_sum3A_1501, %shift_right_arithmetic3A_1507 : i32
      %mul3A_1509 = arith.constant 128 : i32
      %mul3A_1510 = arith.muli %shift_right_arithmetic3A_1508, %mul3A_1509 : i32
      %multiple_of3A_1511 = tpu.assume_multiple %mul3A_1510, 128 : i32
      %dma_start3A_1512 = arith.constant 1 : i32
      %dma_start3A_1513 = arith.constant 0 : i32
      %dma_start3A_1514 = arith.constant 0 : i32
      %dma_start3A_1515 = tpu.memref_slice %arg9[%dma_start3A_1512, %dma_start3A_1513, %dma_start3A_1514] : memref<8x32x128xf32, #tpu.memory_space<vmem>> -> memref<1x32x128xf32, #tpu.memory_space<vmem>>
      %dma_start3A_1516 = tpu.memref_squeeze %dma_start3A_1515 : memref<1x32x128xf32, #tpu.memory_space<vmem>> -> memref<32x128xf32, #tpu.memory_space<vmem>>
      %dma_start3A_1517 = arith.constant 0 : i32
      %dma_start3A_1518 = tpu.memref_slice %arg4[%dma_start3A_1517, %multiple_of3A_1506] : memref<32x1000000xf32, #tpu.memory_space<hbm>> -> memref<32x128xf32, #tpu.memory_space<hbm>>
      %dma_start3A_1519 = arith.constant 0 : i32
      %dma_start3A_1520 = arith.constant 0 : i32
      %dma_start3A_1521 = tpu.memref_slice %arg9[%dma_start3A_1512, %dma_start3A_1519, %dma_start3A_1520] : memref<8x32x128xf32, #tpu.memory_space<vmem>> -> memref<1x32x128xf32, #tpu.memory_space<vmem>>
      %dma_start3A_1522 = tpu.memref_squeeze %dma_start3A_1521 : memref<1x32x128xf32, #tpu.memory_space<vmem>> -> memref<32x128xf32, #tpu.memory_space<vmem>>
      %dma_start3A_1523 = arith.constant 0 : i32
      %dma_start3A_1524 = tpu.memref_slice %arg4[%dma_start3A_1523, %multiple_of3A_1506] : memref<32x1000000xf32, #tpu.memory_space<hbm>> -> memref<32x128xf32, #tpu.memory_space<hbm>>
      tpu.enqueue_dma source(%dma_start3A_1524 : memref<32x128xf32, #tpu.memory_space<hbm>>) target(%dma_start3A_1522 : memref<32x128xf32, #tpu.memory_space<vmem>>) target_semaphore(%arg13 : memref<!tpu.dma_semaphore, #tpu.memory_space<semaphore_mem>>)
      %dma_start3A_1525 = arith.constant 1 : i32
      %dma_start3A_1526 = arith.constant 0 : i32
      %dma_start3A_1527 = arith.constant 0 : i32
      %dma_start3A_1528 = tpu.memref_slice %arg10[%dma_start3A_1525, %dma_start3A_1526, %dma_start3A_1527] : memref<8x32x128xf32, #tpu.memory_space<vmem>> -> memref<1x32x128xf32, #tpu.memory_space<vmem>>
      %dma_start3A_1529 = tpu.memref_squeeze %dma_start3A_1528 : memref<1x32x128xf32, #tpu.memory_space<vmem>> -> memref<32x128xf32, #tpu.memory_space<vmem>>
      %dma_start3A_1530 = arith.constant 0 : i32
      %dma_start3A_1531 = tpu.memref_slice %arg5[%dma_start3A_1530, %multiple_of3A_1511] : memref<32x1000000xf32, #tpu.memory_space<hbm>> -> memref<32x128xf32, #tpu.memory_space<hbm>>
      %dma_start3A_1532 = arith.constant 0 : i32
      %dma_start3A_1533 = arith.constant 0 : i32
      %dma_start3A_1534 = tpu.memref_slice %arg10[%dma_start3A_1525, %dma_start3A_1532, %dma_start3A_1533] : memref<8x32x128xf32, #tpu.memory_space<vmem>> -> memref<1x32x128xf32, #tpu.memory_space<vmem>>
      %dma_start3A_1535 = tpu.memref_squeeze %dma_start3A_1534 : memref<1x32x128xf32, #tpu.memory_space<vmem>> -> memref<32x128xf32, #tpu.memory_space<vmem>>
      %dma_start3A_1536 = arith.constant 0 : i32
      %dma_start3A_1537 = tpu.memref_slice %arg5[%dma_start3A_1536, %multiple_of3A_1511] : memref<32x1000000xf32, #tpu.memory_space<hbm>> -> memref<32x128xf32, #tpu.memory_space<hbm>>
      tpu.enqueue_dma source(%dma_start3A_1537 : memref<32x128xf32, #tpu.memory_space<hbm>>) target(%dma_start3A_1535 : memref<32x128xf32, #tpu.memory_space<vmem>>) target_semaphore(%arg21 : memref<!tpu.dma_semaphore, #tpu.memory_space<semaphore_mem>>)
      %jit3A_1538 = arith.constant 2 : i32
      %eq3A_1539 = arith.constant 0 : i32
      %eq3A_1540 = arith.cmpi eq, %jit3A_1538, %eq3A_1539 : i32
      %jit3A_1541 = arith.constant 1 : i32
      %select_n3A_1542 = arith.select %eq3A_1540, %jit3A_1541, %jit3A_1538 : i32
      %rem3A_1543 = arith.remsi %scan3A_1096, %select_n3A_1542 : i32
      %ne3A_1544 = arith.constant 0 : i32
      %ne3A_1545 = arith.cmpi ne, %rem3A_1543, %ne3A_1544 : i32
      %lt3A_1546 = arith.constant 0 : i32
      %lt3A_1547 = arith.cmpi slt, %rem3A_1543, %lt3A_1546 : i32
      %lt3A_1548 = arith.constant 0 : i32
      %lt3A_1549 = arith.cmpi slt, %select_n3A_1542, %lt3A_1548 : i32
      %ne3A_1550 = arith.xori %lt3A_1547, %lt3A_1549 : i1
      %and3A_1551 = arith.andi %ne3A_1550, %ne3A_1545 : i1
      %add3A_1552 = arith.addi %rem3A_1543, %select_n3A_1542 : i32
      %select_n3A_1553 = arith.select %and3A_1551, %add3A_1552, %rem3A_1543 : i32
      %mul3A_1554 = arith.constant 8 : i32
      %mul3A_1555 = arith.muli %mul3A_1554, %select_n3A_1553 : i32
      %add3A_1556 = arith.constant 2 : i32
      %add3A_1557 = arith.addi %mul3A_1555, %add3A_1556 : i32
      %get3A_1558 = arith.index_cast %multiple_of3A_1123 : i32 to index
      %get3A_1559 = tpu.vector_load %arg7[%get3A_1558] {strides = array<i32>} : memref<512xi32, #tpu.memory_space<vmem>>, vector<16xi32>,
      %get3A_1560 = arith.index_cast %multiple_of3A_1123 : i32 to index
      %get3A_1561 = tpu.vector_load %arg8[%get3A_1560] {strides = array<i32>} : memref<512xi32, #tpu.memory_space<vmem>>, vector<16xi32>,
      %broadcast_in_dim3A_1562 = vector.broadcast %add3A_1557 : i32 to vector<16xi32>
      %eq3A_1563 = arith.cmpi eq, %iota3A, %broadcast_in_dim3A_1562 : vector<16xi32>
      %jit3A_1564 = arith.constant 0 : i32
      %broadcast_in_dim3A_1565 = vector.broadcast %jit3A_1564 : i32 to vector<16xi32>
      %select_n3A_1566 = arith.select %eq3A_1563, %get3A_1559, %broadcast_in_dim3A_1565 : vector<16xi1>, vector<16xi32>
      %reduce_sum3A_1567 = arith.constant true
      %reduce_sum3A_1568 = vector.broadcast %reduce_sum3A_1567 : i1 to vector<16xi1>
      %reduce_sum3A_1569 = tpu.scan <sum>, %select_n3A_1566 masked %reduce_sum3A_1568 : vector<16xi32>, vector<16xi1> -> vector<16xi32>
      %reduce_sum3A_1570 = vector.extract %reduce_sum3A_1569[15] : i32 from vector<16xi32>
      %broadcast_in_dim3A_1571 = vector.broadcast %add3A_1557 : i32 to vector<16xi32>
      %eq3A_1572 = arith.cmpi eq, %iota3A, %broadcast_in_dim3A_1571 : vector<16xi32>
      %jit3A_1573 = arith.constant 0 : i32
      %broadcast_in_dim3A_1574 = vector.broadcast %jit3A_1573 : i32 to vector<16xi32>
      %select_n3A_1575 = arith.select %eq3A_1572, %get3A_1561, %broadcast_in_dim3A_1574 : vector<16xi1>, vector<16xi32>
      %reduce_sum3A_1576 = arith.constant true
      %reduce_sum3A_1577 = vector.broadcast %reduce_sum3A_1576 : i1 to vector<16xi1>
      %reduce_sum3A_1578 = tpu.scan <sum>, %select_n3A_1575 masked %reduce_sum3A_1577 : vector<16xi32>, vector<16xi1> -> vector<16xi32>
      %reduce_sum3A_1579 = vector.extract %reduce_sum3A_1578[15] : i32 from vector<16xi32>
      %and3A_1580 = arith.constant 127 : i32
      %and3A_1581 = arith.andi %reduce_sum3A_1570, %and3A_1580 : i32
      %broadcast_in_dim3A_1582 = vector.broadcast %and3A_1581 : i32 to vector<16xi32>
      %and3A_1583 = arith.constant 127 : i32
      %and3A_1584 = arith.andi %reduce_sum3A_1579, %and3A_1583 : i32
      %broadcast_in_dim3A_1585 = vector.broadcast %and3A_1584 : i32 to vector<16xi32>
      %broadcast_in_dim3A_1586 = arith.constant 2 : i32
      %broadcast_in_dim3A_1587 = vector.broadcast %broadcast_in_dim3A_1586 : i32 to vector<16xi32>
      %dma_wait3A_1588 = arith.constant 2 : i32
      %dma_wait3A_1589 = arith.constant 0 : i32
      %dma_wait3A_1590 = arith.constant 0 : i32
      %dma_wait3A_1591 = tpu.memref_slice %arg9[%dma_wait3A_1588, %dma_wait3A_1589, %dma_wait3A_1590] : memref<8x32x128xf32, #tpu.memory_space<vmem>> -> memref<1x32x128xf32, #tpu.memory_space<vmem>>
      %dma_wait3A_1592 = tpu.memref_squeeze %dma_wait3A_1591 : memref<1x32x128xf32, #tpu.memory_space<vmem>> -> memref<32x128xf32, #tpu.memory_space<vmem>>
      %dma_wait3A_1593 = arith.constant 0 : i32
      %dma_wait3A_1594 = arith.constant 0 : i32
      %dma_wait3A_1595 = tpu.memref_slice %arg4[%dma_wait3A_1593, %dma_wait3A_1594] : memref<32x1000000xf32, #tpu.memory_space<hbm>> -> memref<32x128xf32, #tpu.memory_space<hbm>>
      %dma_wait3A_1596 = arith.constant 0 : i32
      %dma_wait3A_1597 = arith.constant 0 : i32
      %dma_wait3A_1598 = tpu.memref_slice %arg9[%dma_wait3A_1588, %dma_wait3A_1596, %dma_wait3A_1597] : memref<8x32x128xf32, #tpu.memory_space<vmem>> -> memref<1x32x128xf32, #tpu.memory_space<vmem>>
      %dma_wait3A_1599 = tpu.memref_squeeze %dma_wait3A_1598 : memref<1x32x128xf32, #tpu.memory_space<vmem>> -> memref<32x128xf32, #tpu.memory_space<vmem>>
      %dma_wait3A_1600 = arith.constant 0 : i32
      %dma_wait3A_1601 = arith.constant 0 : i32
      %dma_wait3A_1602 = tpu.memref_slice %arg4[%dma_wait3A_1600, %dma_wait3A_1601] : memref<32x1000000xf32, #tpu.memory_space<hbm>> -> memref<32x128xf32, #tpu.memory_space<hbm>>
      tpu.wait_dma2 semaphore(%arg14 : memref<!tpu.dma_semaphore, #tpu.memory_space<semaphore_mem>>) src(%dma_wait3A_1602 : memref<32x128xf32, #tpu.memory_space<hbm>>) dst(%dma_wait3A_1599 : memref<32x128xf32, #tpu.memory_space<vmem>>)
      %dma_wait3A_1603 = arith.constant 2 : i32
      %dma_wait3A_1604 = arith.constant 0 : i32
      %dma_wait3A_1605 = arith.constant 0 : i32
      %dma_wait3A_1606 = tpu.memref_slice %arg10[%dma_wait3A_1603, %dma_wait3A_1604, %dma_wait3A_1605] : memref<8x32x128xf32, #tpu.memory_space<vmem>> -> memref<1x32x128xf32, #tpu.memory_space<vmem>>
      %dma_wait3A_1607 = tpu.memref_squeeze %dma_wait3A_1606 : memref<1x32x128xf32, #tpu.memory_space<vmem>> -> memref<32x128xf32, #tpu.memory_space<vmem>>
      %dma_wait3A_1608 = arith.constant 0 : i32
      %dma_wait3A_1609 = arith.constant 0 : i32
      %dma_wait3A_1610 = tpu.memref_slice %arg5[%dma_wait3A_1608, %dma_wait3A_1609] : memref<32x1000000xf32, #tpu.memory_space<hbm>> -> memref<32x128xf32, #tpu.memory_space<hbm>>
      %dma_wait3A_1611 = arith.constant 0 : i32
      %dma_wait3A_1612 = arith.constant 0 : i32
      %dma_wait3A_1613 = tpu.memref_slice %arg10[%dma_wait3A_1603, %dma_wait3A_1611, %dma_wait3A_1612] : memref<8x32x128xf32, #tpu.memory_space<vmem>> -> memref<1x32x128xf32, #tpu.memory_space<vmem>>
      %dma_wait3A_1614 = tpu.memref_squeeze %dma_wait3A_1613 : memref<1x32x128xf32, #tpu.memory_space<vmem>> -> memref<32x128xf32, #tpu.memory_space<vmem>>
      %dma_wait3A_1615 = arith.constant 0 : i32
      %dma_wait3A_1616 = arith.constant 0 : i32
      %dma_wait3A_1617 = tpu.memref_slice %arg5[%dma_wait3A_1615, %dma_wait3A_1616] : memref<32x1000000xf32, #tpu.memory_space<hbm>> -> memref<32x128xf32, #tpu.memory_space<hbm>>
      tpu.wait_dma2 semaphore(%arg22 : memref<!tpu.dma_semaphore, #tpu.memory_space<semaphore_mem>>) src(%dma_wait3A_1617 : memref<32x128xf32, #tpu.memory_space<hbm>>) dst(%dma_wait3A_1614 : memref<32x128xf32, #tpu.memory_space<vmem>>)
      %gather3A_1618 = tpu.vector_load_idx %arg9[%broadcast_in_dim3A_1587, %iota3A, %broadcast_in_dim3A_1582] : memref<8x32x128xf32, #tpu.memory_space<vmem>>[vector<16xi32>, vector<16xi32>, vector<16xi32>], vector<16xf32>,
      %gather3A_1619 = tpu.vector_load_idx %arg9[%broadcast_in_dim3A_1587, %add3A_5, %broadcast_in_dim3A_1582] : memref<8x32x128xf32, #tpu.memory_space<vmem>>[vector<16xi32>, vector<16xi32>, vector<16xi32>], vector<16xf32>,
      %gather3A_1620 = tpu.vector_load_idx %arg10[%broadcast_in_dim3A_1587, %iota3A, %broadcast_in_dim3A_1585] : memref<8x32x128xf32, #tpu.memory_space<vmem>>[vector<16xi32>, vector<16xi32>, vector<16xi32>], vector<16xf32>,
      %gather3A_1621 = tpu.vector_load_idx %arg10[%broadcast_in_dim3A_1587, %add3A_5, %broadcast_in_dim3A_1585] : memref<8x32x128xf32, #tpu.memory_space<vmem>>[vector<16xi32>, vector<16xi32>, vector<16xi32>], vector<16xf32>,
      %mul3A_1622 = arith.mulf %gather3A_1618, %gather3A_1620 : vector<16xf32>
      %mul3A_1623 = arith.mulf %gather3A_1619, %gather3A_1621 : vector<16xf32>
      %add3A_1624 = arith.addf %mul3A_1622, %mul3A_1623 : vector<16xf32>
      %reduce_sum3A_1625 = arith.constant true
      %reduce_sum3A_1626 = vector.broadcast %reduce_sum3A_1625 : i1 to vector<16xi1>
      %reduce_sum3A_1627 = tpu.scan <sum>, %add3A_1624 masked %reduce_sum3A_1626 : vector<16xf32>, vector<16xi1> -> vector<16xf32>
      %reduce_sum3A_1628 = vector.extract %reduce_sum3A_1627[15] : f32 from vector<16xf32>
      %broadcast_in_dim3A_1629 = vector.broadcast %add3A_1557 : i32 to vector<16xi32>
      %eq3A_1630 = arith.cmpi eq, %iota3A, %broadcast_in_dim3A_1629 : vector<16xi32>
      %broadcast_in_dim3A_1631 = vector.broadcast %reduce_sum3A_1628 : f32 to vector<16xf32>
      %jit3A_1632 = arith.constant 0.000000e+00 : f32
      %broadcast_in_dim3A_1633 = vector.broadcast %jit3A_1632 : f32 to vector<16xf32>
      %select_n3A_1634 = arith.select %eq3A_1630, %broadcast_in_dim3A_1631, %broadcast_in_dim3A_1633 : vector<16xi1>, vector<16xf32>
      %add3A_1635 = arith.addf %add3A_1428, %select_n3A_1634 : vector<16xf32>
      %add3A_1636 = arith.constant 1 : i32
      %add3A_1637 = arith.addi %scan3A_1096, %add3A_1636 : i32
      %min3A_1638 = arith.constant 63 : i32
      %min3A_1639 = arith.minsi %add3A_1637, %min3A_1638 : i32
      %jit3A_1640 = arith.constant 2 : i32
      %div3A_1641 = arith.divsi %min3A_1639, %jit3A_1640 : i32
      %sign3A_1642 = arith.constant 0 : i32
      %sign3A_1643 = arith.cmpi sgt, %min3A_1639, %sign3A_1642 : i32
      %sign3A_1644 = arith.extui %sign3A_1643 : i1 to i32
      %sign3A_1645 = arith.constant 0 : i32
      %sign3A_1646 = arith.cmpi slt, %min3A_1639, %sign3A_1645 : i32
      %sign3A_1647 = arith.extui %sign3A_1646 : i1 to i32
      %sign3A_1648 = arith.subi %sign3A_1644, %sign3A_1647 : i32
      %sign3A_1649 = arith.constant 0 : i32
      %sign3A_1650 = arith.cmpi sgt, %jit3A_1640, %sign3A_1649 : i32
      %sign3A_1651 = arith.extui %sign3A_1650 : i1 to i32
      %sign3A_1652 = arith.constant 0 : i32
      %sign3A_1653 = arith.cmpi slt, %jit3A_1640, %sign3A_1652 : i32
      %sign3A_1654 = arith.extui %sign3A_1653 : i1 to i32
      %sign3A_1655 = arith.subi %sign3A_1651, %sign3A_1654 : i32
      %ne3A_1656 = arith.cmpi ne, %sign3A_1648, %sign3A_1655 : i32
      %rem3A_1657 = arith.remsi %min3A_1639, %jit3A_1640 : i32
      %ne3A_1658 = arith.constant 0 : i32
      %ne3A_1659 = arith.cmpi ne, %rem3A_1657, %ne3A_1658 : i32
      %and3A_1660 = arith.andi %ne3A_1656, %ne3A_1659 : i1
      %sub3A_1661 = arith.constant 1 : i32
      %sub3A_1662 = arith.subi %div3A_1641, %sub3A_1661 : i32
      %select_n3A_1663 = arith.select %and3A_1660, %sub3A_1662, %div3A_1641 : i32
      %mul3A_1664 = arith.constant 16 : i32
      %mul3A_1665 = arith.muli %select_n3A_1663, %mul3A_1664 : i32
      %multiple_of3A_1666 = tpu.assume_multiple %mul3A_1665, 16 : i32
      %jit3A_1667 = arith.constant 2 : i32
      %eq3A_1668 = arith.constant 0 : i32
      %eq3A_1669 = arith.cmpi eq, %jit3A_1667, %eq3A_1668 : i32
      %jit3A_1670 = arith.constant 1 : i32
      %select_n3A_1671 = arith.select %eq3A_1669, %jit3A_1670, %jit3A_1667 : i32
      %rem3A_1672 = arith.remsi %min3A_1639, %select_n3A_1671 : i32
      %ne3A_1673 = arith.constant 0 : i32
      %ne3A_1674 = arith.cmpi ne, %rem3A_1672, %ne3A_1673 : i32
      %lt3A_1675 = arith.constant 0 : i32
      %lt3A_1676 = arith.cmpi slt, %rem3A_1672, %lt3A_1675 : i32
      %lt3A_1677 = arith.constant 0 : i32
      %lt3A_1678 = arith.cmpi slt, %select_n3A_1671, %lt3A_1677 : i32
      %ne3A_1679 = arith.xori %lt3A_1676, %lt3A_1678 : i1
      %and3A_1680 = arith.andi %ne3A_1679, %ne3A_1674 : i1
      %add3A_1681 = arith.addi %rem3A_1672, %select_n3A_1671 : i32
      %select_n3A_1682 = arith.select %and3A_1680, %add3A_1681, %rem3A_1672 : i32
      %mul3A_1683 = arith.constant 8 : i32
      %mul3A_1684 = arith.muli %mul3A_1683, %select_n3A_1682 : i32
      %add3A_1685 = arith.constant 2 : i32
      %add3A_1686 = arith.addi %mul3A_1684, %add3A_1685 : i32
      %get3A_1687 = arith.index_cast %multiple_of3A_1666 : i32 to index
      %get3A_1688 = tpu.vector_load %arg7[%get3A_1687] {strides = array<i32>} : memref<512xi32, #tpu.memory_space<vmem>>, vector<16xi32>,
      %get3A_1689 = arith.index_cast %multiple_of3A_1666 : i32 to index
      %get3A_1690 = tpu.vector_load %arg8[%get3A_1689] {strides = array<i32>} : memref<512xi32, #tpu.memory_space<vmem>>, vector<16xi32>,
      %broadcast_in_dim3A_1691 = vector.broadcast %add3A_1686 : i32 to vector<16xi32>
      %eq3A_1692 = arith.cmpi eq, %iota3A, %broadcast_in_dim3A_1691 : vector<16xi32>
      %jit3A_1693 = arith.constant 0 : i32
      %broadcast_in_dim3A_1694 = vector.broadcast %jit3A_1693 : i32 to vector<16xi32>
      %select_n3A_1695 = arith.select %eq3A_1692, %get3A_1688, %broadcast_in_dim3A_1694 : vector<16xi1>, vector<16xi32>
      %reduce_sum3A_1696 = arith.constant true
      %reduce_sum3A_1697 = vector.broadcast %reduce_sum3A_1696 : i1 to vector<16xi1>
      %reduce_sum3A_1698 = tpu.scan <sum>, %select_n3A_1695 masked %reduce_sum3A_1697 : vector<16xi32>, vector<16xi1> -> vector<16xi32>
      %reduce_sum3A_1699 = vector.extract %reduce_sum3A_1698[15] : i32 from vector<16xi32>
      %broadcast_in_dim3A_1700 = vector.broadcast %add3A_1686 : i32 to vector<16xi32>
      %eq3A_1701 = arith.cmpi eq, %iota3A, %broadcast_in_dim3A_1700 : vector<16xi32>
      %jit3A_1702 = arith.constant 0 : i32
      %broadcast_in_dim3A_1703 = vector.broadcast %jit3A_1702 : i32 to vector<16xi32>
      %select_n3A_1704 = arith.select %eq3A_1701, %get3A_1690, %broadcast_in_dim3A_1703 : vector<16xi1>, vector<16xi32>
      %reduce_sum3A_1705 = arith.constant true
      %reduce_sum3A_1706 = vector.broadcast %reduce_sum3A_1705 : i1 to vector<16xi1>
      %reduce_sum3A_1707 = tpu.scan <sum>, %select_n3A_1704 masked %reduce_sum3A_1706 : vector<16xi32>, vector<16xi1> -> vector<16xi32>
      %reduce_sum3A_1708 = vector.extract %reduce_sum3A_1707[15] : i32 from vector<16xi32>
      %shift_right_arithmetic3A_1709 = arith.constant 7 : i32
      %shift_right_arithmetic3A_1710 = arith.shrsi %reduce_sum3A_1699, %shift_right_arithmetic3A_1709 : i32
      %mul3A_1711 = arith.constant 128 : i32
      %mul3A_1712 = arith.muli %shift_right_arithmetic3A_1710, %mul3A_1711 : i32
      %multiple_of3A_1713 = tpu.assume_multiple %mul3A_1712, 128 : i32
      %shift_right_arithmetic3A_1714 = arith.constant 7 : i32
      %shift_right_arithmetic3A_1715 = arith.shrsi %reduce_sum3A_1708, %shift_right_arithmetic3A_1714 : i32
      %mul3A_1716 = arith.constant 128 : i32
      %mul3A_1717 = arith.muli %shift_right_arithmetic3A_1715, %mul3A_1716 : i32
      %multiple_of3A_1718 = tpu.assume_multiple %mul3A_1717, 128 : i32
      %dma_start3A_1719 = arith.constant 2 : i32
      %dma_start3A_1720 = arith.constant 0 : i32
      %dma_start3A_1721 = arith.constant 0 : i32
      %dma_start3A_1722 = tpu.memref_slice %arg9[%dma_start3A_1719, %dma_start3A_1720, %dma_start3A_1721] : memref<8x32x128xf32, #tpu.memory_space<vmem>> -> memref<1x32x128xf32, #tpu.memory_space<vmem>>
      %dma_start3A_1723 = tpu.memref_squeeze %dma_start3A_1722 : memref<1x32x128xf32, #tpu.memory_space<vmem>> -> memref<32x128xf32, #tpu.memory_space<vmem>>
      %dma_start3A_1724 = arith.constant 0 : i32
      %dma_start3A_1725 = tpu.memref_slice %arg4[%dma_start3A_1724, %multiple_of3A_1713] : memref<32x1000000xf32, #tpu.memory_space<hbm>> -> memref<32x128xf32, #tpu.memory_space<hbm>>
      %dma_start3A_1726 = arith.constant 0 : i32
      %dma_start3A_1727 = arith.constant 0 : i32
      %dma_start3A_1728 = tpu.memref_slice %arg9[%dma_start3A_1719, %dma_start3A_1726, %dma_start3A_1727] : memref<8x32x128xf32, #tpu.memory_space<vmem>> -> memref<1x32x128xf32, #tpu.memory_space<vmem>>
      %dma_start3A_1729 = tpu.memref_squeeze %dma_start3A_1728 : memref<1x32x128xf32, #tpu.memory_space<vmem>> -> memref<32x128xf32, #tpu.memory_space<vmem>>
      %dma_start3A_1730 = arith.constant 0 : i32
      %dma_start3A_1731 = tpu.memref_slice %arg4[%dma_start3A_1730, %multiple_of3A_1713] : memref<32x1000000xf32, #tpu.memory_space<hbm>> -> memref<32x128xf32, #tpu.memory_space<hbm>>
      tpu.enqueue_dma source(%dma_start3A_1731 : memref<32x128xf32, #tpu.memory_space<hbm>>) target(%dma_start3A_1729 : memref<32x128xf32, #tpu.memory_space<vmem>>) target_semaphore(%arg14 : memref<!tpu.dma_semaphore, #tpu.memory_space<semaphore_mem>>)
      %dma_start3A_1732 = arith.constant 2 : i32
      %dma_start3A_1733 = arith.constant 0 : i32
      %dma_start3A_1734 = arith.constant 0 : i32
      %dma_start3A_1735 = tpu.memref_slice %arg10[%dma_start3A_1732, %dma_start3A_1733, %dma_start3A_1734] : memref<8x32x128xf32, #tpu.memory_space<vmem>> -> memref<1x32x128xf32, #tpu.memory_space<vmem>>
      %dma_start3A_1736 = tpu.memref_squeeze %dma_start3A_1735 : memref<1x32x128xf32, #tpu.memory_space<vmem>> -> memref<32x128xf32, #tpu.memory_space<vmem>>
      %dma_start3A_1737 = arith.constant 0 : i32
      %dma_start3A_1738 = tpu.memref_slice %arg5[%dma_start3A_1737, %multiple_of3A_1718] : memref<32x1000000xf32, #tpu.memory_space<hbm>> -> memref<32x128xf32, #tpu.memory_space<hbm>>
      %dma_start3A_1739 = arith.constant 0 : i32
      %dma_start3A_1740 = arith.constant 0 : i32
      %dma_start3A_1741 = tpu.memref_slice %arg10[%dma_start3A_1732, %dma_start3A_1739, %dma_start3A_1740] : memref<8x32x128xf32, #tpu.memory_space<vmem>> -> memref<1x32x128xf32, #tpu.memory_space<vmem>>
      %dma_start3A_1742 = tpu.memref_squeeze %dma_start3A_1741 : memref<1x32x128xf32, #tpu.memory_space<vmem>> -> memref<32x128xf32, #tpu.memory_space<vmem>>
      %dma_start3A_1743 = arith.constant 0 : i32
      %dma_start3A_1744 = tpu.memref_slice %arg5[%dma_start3A_1743, %multiple_of3A_1718] : memref<32x1000000xf32, #tpu.memory_space<hbm>> -> memref<32x128xf32, #tpu.memory_space<hbm>>
      tpu.enqueue_dma source(%dma_start3A_1744 : memref<32x128xf32, #tpu.memory_space<hbm>>) target(%dma_start3A_1742 : memref<32x128xf32, #tpu.memory_space<vmem>>) target_semaphore(%arg22 : memref<!tpu.dma_semaphore, #tpu.memory_space<semaphore_mem>>)
      %jit3A_1745 = arith.constant 2 : i32
      %eq3A_1746 = arith.constant 0 : i32
      %eq3A_1747 = arith.cmpi eq, %jit3A_1745, %eq3A_1746 : i32
      %jit3A_1748 = arith.constant 1 : i32
      %select_n3A_1749 = arith.select %eq3A_1747, %jit3A_1748, %jit3A_1745 : i32
      %rem3A_1750 = arith.remsi %scan3A_1096, %select_n3A_1749 : i32
      %ne3A_1751 = arith.constant 0 : i32
      %ne3A_1752 = arith.cmpi ne, %rem3A_1750, %ne3A_1751 : i32
      %lt3A_1753 = arith.constant 0 : i32
      %lt3A_1754 = arith.cmpi slt, %rem3A_1750, %lt3A_1753 : i32
      %lt3A_1755 = arith.constant 0 : i32
      %lt3A_1756 = arith.cmpi slt, %select_n3A_1749, %lt3A_1755 : i32
      %ne3A_1757 = arith.xori %lt3A_1754, %lt3A_1756 : i1
      %and3A_1758 = arith.andi %ne3A_1757, %ne3A_1752 : i1
      %add3A_1759 = arith.addi %rem3A_1750, %select_n3A_1749 : i32
      %select_n3A_1760 = arith.select %and3A_1758, %add3A_1759, %rem3A_1750 : i32
      %mul3A_1761 = arith.constant 8 : i32
      %mul3A_1762 = arith.muli %mul3A_1761, %select_n3A_1760 : i32
      %add3A_1763 = arith.constant 3 : i32
      %add3A_1764 = arith.addi %mul3A_1762, %add3A_1763 : i32
      %get3A_1765 = arith.index_cast %multiple_of3A_1123 : i32 to index
      %get3A_1766 = tpu.vector_load %arg7[%get3A_1765] {strides = array<i32>} : memref<512xi32, #tpu.memory_space<vmem>>, vector<16xi32>,
      %get3A_1767 = arith.index_cast %multiple_of3A_1123 : i32 to index
      %get3A_1768 = tpu.vector_load %arg8[%get3A_1767] {strides = array<i32>} : memref<512xi32, #tpu.memory_space<vmem>>, vector<16xi32>,
      %broadcast_in_dim3A_1769 = vector.broadcast %add3A_1764 : i32 to vector<16xi32>
      %eq3A_1770 = arith.cmpi eq, %iota3A, %broadcast_in_dim3A_1769 : vector<16xi32>
      %jit3A_1771 = arith.constant 0 : i32
      %broadcast_in_dim3A_1772 = vector.broadcast %jit3A_1771 : i32 to vector<16xi32>
      %select_n3A_1773 = arith.select %eq3A_1770, %get3A_1766, %broadcast_in_dim3A_1772 : vector<16xi1>, vector<16xi32>
      %reduce_sum3A_1774 = arith.constant true
      %reduce_sum3A_1775 = vector.broadcast %reduce_sum3A_1774 : i1 to vector<16xi1>
      %reduce_sum3A_1776 = tpu.scan <sum>, %select_n3A_1773 masked %reduce_sum3A_1775 : vector<16xi32>, vector<16xi1> -> vector<16xi32>
      %reduce_sum3A_1777 = vector.extract %reduce_sum3A_1776[15] : i32 from vector<16xi32>
      %broadcast_in_dim3A_1778 = vector.broadcast %add3A_1764 : i32 to vector<16xi32>
      %eq3A_1779 = arith.cmpi eq, %iota3A, %broadcast_in_dim3A_1778 : vector<16xi32>
      %jit3A_1780 = arith.constant 0 : i32
      %broadcast_in_dim3A_1781 = vector.broadcast %jit3A_1780 : i32 to vector<16xi32>
      %select_n3A_1782 = arith.select %eq3A_1779, %get3A_1768, %broadcast_in_dim3A_1781 : vector<16xi1>, vector<16xi32>
      %reduce_sum3A_1783 = arith.constant true
      %reduce_sum3A_1784 = vector.broadcast %reduce_sum3A_1783 : i1 to vector<16xi1>
      %reduce_sum3A_1785 = tpu.scan <sum>, %select_n3A_1782 masked %reduce_sum3A_1784 : vector<16xi32>, vector<16xi1> -> vector<16xi32>
      %reduce_sum3A_1786 = vector.extract %reduce_sum3A_1785[15] : i32 from vector<16xi32>
      %and3A_1787 = arith.constant 127 : i32
      %and3A_1788 = arith.andi %reduce_sum3A_1777, %and3A_1787 : i32
      %broadcast_in_dim3A_1789 = vector.broadcast %and3A_1788 : i32 to vector<16xi32>
      %and3A_1790 = arith.constant 127 : i32
      %and3A_1791 = arith.andi %reduce_sum3A_1786, %and3A_1790 : i32
      %broadcast_in_dim3A_1792 = vector.broadcast %and3A_1791 : i32 to vector<16xi32>
      %broadcast_in_dim3A_1793 = arith.constant 3 : i32
      %broadcast_in_dim3A_1794 = vector.broadcast %broadcast_in_dim3A_1793 : i32 to vector<16xi32>
      %dma_wait3A_1795 = arith.constant 3 : i32
      %dma_wait3A_1796 = arith.constant 0 : i32
      %dma_wait3A_1797 = arith.constant 0 : i32
      %dma_wait3A_1798 = tpu.memref_slice %arg9[%dma_wait3A_1795, %dma_wait3A_1796, %dma_wait3A_1797] : memref<8x32x128xf32, #tpu.memory_space<vmem>> -> memref<1x32x128xf32, #tpu.memory_space<vmem>>
      %dma_wait3A_1799 = tpu.memref_squeeze %dma_wait3A_1798 : memref<1x32x128xf32, #tpu.memory_space<vmem>> -> memref<32x128xf32, #tpu.memory_space<vmem>>
      %dma_wait3A_1800 = arith.constant 0 : i32
      %dma_wait3A_1801 = arith.constant 0 : i32
      %dma_wait3A_1802 = tpu.memref_slice %arg4[%dma_wait3A_1800, %dma_wait3A_1801] : memref<32x1000000xf32, #tpu.memory_space<hbm>> -> memref<32x128xf32, #tpu.memory_space<hbm>>
      %dma_wait3A_1803 = arith.constant 0 : i32
      %dma_wait3A_1804 = arith.constant 0 : i32
      %dma_wait3A_1805 = tpu.memref_slice %arg9[%dma_wait3A_1795, %dma_wait3A_1803, %dma_wait3A_1804] : memref<8x32x128xf32, #tpu.memory_space<vmem>> -> memref<1x32x128xf32, #tpu.memory_space<vmem>>
      %dma_wait3A_1806 = tpu.memref_squeeze %dma_wait3A_1805 : memref<1x32x128xf32, #tpu.memory_space<vmem>> -> memref<32x128xf32, #tpu.memory_space<vmem>>
      %dma_wait3A_1807 = arith.constant 0 : i32
      %dma_wait3A_1808 = arith.constant 0 : i32
      %dma_wait3A_1809 = tpu.memref_slice %arg4[%dma_wait3A_1807, %dma_wait3A_1808] : memref<32x1000000xf32, #tpu.memory_space<hbm>> -> memref<32x128xf32, #tpu.memory_space<hbm>>
      tpu.wait_dma2 semaphore(%arg15 : memref<!tpu.dma_semaphore, #tpu.memory_space<semaphore_mem>>) src(%dma_wait3A_1809 : memref<32x128xf32, #tpu.memory_space<hbm>>) dst(%dma_wait3A_1806 : memref<32x128xf32, #tpu.memory_space<vmem>>)
      %dma_wait3A_1810 = arith.constant 3 : i32
      %dma_wait3A_1811 = arith.constant 0 : i32
      %dma_wait3A_1812 = arith.constant 0 : i32
      %dma_wait3A_1813 = tpu.memref_slice %arg10[%dma_wait3A_1810, %dma_wait3A_1811, %dma_wait3A_1812] : memref<8x32x128xf32, #tpu.memory_space<vmem>> -> memref<1x32x128xf32, #tpu.memory_space<vmem>>
      %dma_wait3A_1814 = tpu.memref_squeeze %dma_wait3A_1813 : memref<1x32x128xf32, #tpu.memory_space<vmem>> -> memref<32x128xf32, #tpu.memory_space<vmem>>
      %dma_wait3A_1815 = arith.constant 0 : i32
      %dma_wait3A_1816 = arith.constant 0 : i32
      %dma_wait3A_1817 = tpu.memref_slice %arg5[%dma_wait3A_1815, %dma_wait3A_1816] : memref<32x1000000xf32, #tpu.memory_space<hbm>> -> memref<32x128xf32, #tpu.memory_space<hbm>>
      %dma_wait3A_1818 = arith.constant 0 : i32
      %dma_wait3A_1819 = arith.constant 0 : i32
      %dma_wait3A_1820 = tpu.memref_slice %arg10[%dma_wait3A_1810, %dma_wait3A_1818, %dma_wait3A_1819] : memref<8x32x128xf32, #tpu.memory_space<vmem>> -> memref<1x32x128xf32, #tpu.memory_space<vmem>>
      %dma_wait3A_1821 = tpu.memref_squeeze %dma_wait3A_1820 : memref<1x32x128xf32, #tpu.memory_space<vmem>> -> memref<32x128xf32, #tpu.memory_space<vmem>>
      %dma_wait3A_1822 = arith.constant 0 : i32
      %dma_wait3A_1823 = arith.constant 0 : i32
      %dma_wait3A_1824 = tpu.memref_slice %arg5[%dma_wait3A_1822, %dma_wait3A_1823] : memref<32x1000000xf32, #tpu.memory_space<hbm>> -> memref<32x128xf32, #tpu.memory_space<hbm>>
      tpu.wait_dma2 semaphore(%arg23 : memref<!tpu.dma_semaphore, #tpu.memory_space<semaphore_mem>>) src(%dma_wait3A_1824 : memref<32x128xf32, #tpu.memory_space<hbm>>) dst(%dma_wait3A_1821 : memref<32x128xf32, #tpu.memory_space<vmem>>)
      %gather3A_1825 = tpu.vector_load_idx %arg9[%broadcast_in_dim3A_1794, %iota3A, %broadcast_in_dim3A_1789] : memref<8x32x128xf32, #tpu.memory_space<vmem>>[vector<16xi32>, vector<16xi32>, vector<16xi32>], vector<16xf32>,
      %gather3A_1826 = tpu.vector_load_idx %arg9[%broadcast_in_dim3A_1794, %add3A_5, %broadcast_in_dim3A_1789] : memref<8x32x128xf32, #tpu.memory_space<vmem>>[vector<16xi32>, vector<16xi32>, vector<16xi32>], vector<16xf32>,
      %gather3A_1827 = tpu.vector_load_idx %arg10[%broadcast_in_dim3A_1794, %iota3A, %broadcast_in_dim3A_1792] : memref<8x32x128xf32, #tpu.memory_space<vmem>>[vector<16xi32>, vector<16xi32>, vector<16xi32>], vector<16xf32>,
      %gather3A_1828 = tpu.vector_load_idx %arg10[%broadcast_in_dim3A_1794, %add3A_5, %broadcast_in_dim3A_1792] : memref<8x32x128xf32, #tpu.memory_space<vmem>>[vector<16xi32>, vector<16xi32>, vector<16xi32>], vector<16xf32>,
      %mul3A_1829 = arith.mulf %gather3A_1825, %gather3A_1827 : vector<16xf32>
      %mul3A_1830 = arith.mulf %gather3A_1826, %gather3A_1828 : vector<16xf32>
      %add3A_1831 = arith.addf %mul3A_1829, %mul3A_1830 : vector<16xf32>
      %reduce_sum3A_1832 = arith.constant true
      %reduce_sum3A_1833 = vector.broadcast %reduce_sum3A_1832 : i1 to vector<16xi1>
      %reduce_sum3A_1834 = tpu.scan <sum>, %add3A_1831 masked %reduce_sum3A_1833 : vector<16xf32>, vector<16xi1> -> vector<16xf32>
      %reduce_sum3A_1835 = vector.extract %reduce_sum3A_1834[15] : f32 from vector<16xf32>
      %broadcast_in_dim3A_1836 = vector.broadcast %add3A_1764 : i32 to vector<16xi32>
      %eq3A_1837 = arith.cmpi eq, %iota3A, %broadcast_in_dim3A_1836 : vector<16xi32>
      %broadcast_in_dim3A_1838 = vector.broadcast %reduce_sum3A_1835 : f32 to vector<16xf32>
      %jit3A_1839 = arith.constant 0.000000e+00 : f32
      %broadcast_in_dim3A_1840 = vector.broadcast %jit3A_1839 : f32 to vector<16xf32>
      %select_n3A_1841 = arith.select %eq3A_1837, %broadcast_in_dim3A_1838, %broadcast_in_dim3A_1840 : vector<16xi1>, vector<16xf32>
      %add3A_1842 = arith.addf %add3A_1635, %select_n3A_1841 : vector<16xf32>
      %add3A_1843 = arith.constant 1 : i32
      %add3A_1844 = arith.addi %scan3A_1096, %add3A_1843 : i32
      %min3A_1845 = arith.constant 63 : i32
      %min3A_1846 = arith.minsi %add3A_1844, %min3A_1845 : i32
      %jit3A_1847 = arith.constant 2 : i32
      %div3A_1848 = arith.divsi %min3A_1846, %jit3A_1847 : i32
      %sign3A_1849 = arith.constant 0 : i32
      %sign3A_1850 = arith.cmpi sgt, %min3A_1846, %sign3A_1849 : i32
      %sign3A_1851 = arith.extui %sign3A_1850 : i1 to i32
      %sign3A_1852 = arith.constant 0 : i32
      %sign3A_1853 = arith.cmpi slt, %min3A_1846, %sign3A_1852 : i32
      %sign3A_1854 = arith.extui %sign3A_1853 : i1 to i32
      %sign3A_1855 = arith.subi %sign3A_1851, %sign3A_1854 : i32
      %sign3A_1856 = arith.constant 0 : i32
      %sign3A_1857 = arith.cmpi sgt, %jit3A_1847, %sign3A_1856 : i32
      %sign3A_1858 = arith.extui %sign3A_1857 : i1 to i32
      %sign3A_1859 = arith.constant 0 : i32
      %sign3A_1860 = arith.cmpi slt, %jit3A_1847, %sign3A_1859 : i32
      %sign3A_1861 = arith.extui %sign3A_1860 : i1 to i32
      %sign3A_1862 = arith.subi %sign3A_1858, %sign3A_1861 : i32
      %ne3A_1863 = arith.cmpi ne, %sign3A_1855, %sign3A_1862 : i32
      %rem3A_1864 = arith.remsi %min3A_1846, %jit3A_1847 : i32
      %ne3A_1865 = arith.constant 0 : i32
      %ne3A_1866 = arith.cmpi ne, %rem3A_1864, %ne3A_1865 : i32
      %and3A_1867 = arith.andi %ne3A_1863, %ne3A_1866 : i1
      %sub3A_1868 = arith.constant 1 : i32
      %sub3A_1869 = arith.subi %div3A_1848, %sub3A_1868 : i32
      %select_n3A_1870 = arith.select %and3A_1867, %sub3A_1869, %div3A_1848 : i32
      %mul3A_1871 = arith.constant 16 : i32
      %mul3A_1872 = arith.muli %select_n3A_1870, %mul3A_1871 : i32
      %multiple_of3A_1873 = tpu.assume_multiple %mul3A_1872, 16 : i32
      %jit3A_1874 = arith.constant 2 : i32
      %eq3A_1875 = arith.constant 0 : i32
      %eq3A_1876 = arith.cmpi eq, %jit3A_1874, %eq3A_1875 : i32
      %jit3A_1877 = arith.constant 1 : i32
      %select_n3A_1878 = arith.select %eq3A_1876, %jit3A_1877, %jit3A_1874 : i32
      %rem3A_1879 = arith.remsi %min3A_1846, %select_n3A_1878 : i32
      %ne3A_1880 = arith.constant 0 : i32
      %ne3A_1881 = arith.cmpi ne, %rem3A_1879, %ne3A_1880 : i32
      %lt3A_1882 = arith.constant 0 : i32
      %lt3A_1883 = arith.cmpi slt, %rem3A_1879, %lt3A_1882 : i32
      %lt3A_1884 = arith.constant 0 : i32
      %lt3A_1885 = arith.cmpi slt, %select_n3A_1878, %lt3A_1884 : i32
      %ne3A_1886 = arith.xori %lt3A_1883, %lt3A_1885 : i1
      %and3A_1887 = arith.andi %ne3A_1886, %ne3A_1881 : i1
      %add3A_1888 = arith.addi %rem3A_1879, %select_n3A_1878 : i32
      %select_n3A_1889 = arith.select %and3A_1887, %add3A_1888, %rem3A_1879 : i32
      %mul3A_1890 = arith.constant 8 : i32
      %mul3A_1891 = arith.muli %mul3A_1890, %select_n3A_1889 : i32
      %add3A_1892 = arith.constant 3 : i32
      %add3A_1893 = arith.addi %mul3A_1891, %add3A_1892 : i32
      %get3A_1894 = arith.index_cast %multiple_of3A_1873 : i32 to index
      %get3A_1895 = tpu.vector_load %arg7[%get3A_1894] {strides = array<i32>} : memref<512xi32, #tpu.memory_space<vmem>>, vector<16xi32>,
      %get3A_1896 = arith.index_cast %multiple_of3A_1873 : i32 to index
      %get3A_1897 = tpu.vector_load %arg8[%get3A_1896] {strides = array<i32>} : memref<512xi32, #tpu.memory_space<vmem>>, vector<16xi32>,
      %broadcast_in_dim3A_1898 = vector.broadcast %add3A_1893 : i32 to vector<16xi32>
      %eq3A_1899 = arith.cmpi eq, %iota3A, %broadcast_in_dim3A_1898 : vector<16xi32>
      %jit3A_1900 = arith.constant 0 : i32
      %broadcast_in_dim3A_1901 = vector.broadcast %jit3A_1900 : i32 to vector<16xi32>
      %select_n3A_1902 = arith.select %eq3A_1899, %get3A_1895, %broadcast_in_dim3A_1901 : vector<16xi1>, vector<16xi32>
      %reduce_sum3A_1903 = arith.constant true
      %reduce_sum3A_1904 = vector.broadcast %reduce_sum3A_1903 : i1 to vector<16xi1>
      %reduce_sum3A_1905 = tpu.scan <sum>, %select_n3A_1902 masked %reduce_sum3A_1904 : vector<16xi32>, vector<16xi1> -> vector<16xi32>
      %reduce_sum3A_1906 = vector.extract %reduce_sum3A_1905[15] : i32 from vector<16xi32>
      %broadcast_in_dim3A_1907 = vector.broadcast %add3A_1893 : i32 to vector<16xi32>
      %eq3A_1908 = arith.cmpi eq, %iota3A, %broadcast_in_dim3A_1907 : vector<16xi32>
      %jit3A_1909 = arith.constant 0 : i32
      %broadcast_in_dim3A_1910 = vector.broadcast %jit3A_1909 : i32 to vector<16xi32>
      %select_n3A_1911 = arith.select %eq3A_1908, %get3A_1897, %broadcast_in_dim3A_1910 : vector<16xi1>, vector<16xi32>
      %reduce_sum3A_1912 = arith.constant true
      %reduce_sum3A_1913 = vector.broadcast %reduce_sum3A_1912 : i1 to vector<16xi1>
      %reduce_sum3A_1914 = tpu.scan <sum>, %select_n3A_1911 masked %reduce_sum3A_1913 : vector<16xi32>, vector<16xi1> -> vector<16xi32>
      %reduce_sum3A_1915 = vector.extract %reduce_sum3A_1914[15] : i32 from vector<16xi32>
      %shift_right_arithmetic3A_1916 = arith.constant 7 : i32
      %shift_right_arithmetic3A_1917 = arith.shrsi %reduce_sum3A_1906, %shift_right_arithmetic3A_1916 : i32
      %mul3A_1918 = arith.constant 128 : i32
      %mul3A_1919 = arith.muli %shift_right_arithmetic3A_1917, %mul3A_1918 : i32
      %multiple_of3A_1920 = tpu.assume_multiple %mul3A_1919, 128 : i32
      %shift_right_arithmetic3A_1921 = arith.constant 7 : i32
      %shift_right_arithmetic3A_1922 = arith.shrsi %reduce_sum3A_1915, %shift_right_arithmetic3A_1921 : i32
      %mul3A_1923 = arith.constant 128 : i32
      %mul3A_1924 = arith.muli %shift_right_arithmetic3A_1922, %mul3A_1923 : i32
      %multiple_of3A_1925 = tpu.assume_multiple %mul3A_1924, 128 : i32
      %dma_start3A_1926 = arith.constant 3 : i32
      %dma_start3A_1927 = arith.constant 0 : i32
      %dma_start3A_1928 = arith.constant 0 : i32
      %dma_start3A_1929 = tpu.memref_slice %arg9[%dma_start3A_1926, %dma_start3A_1927, %dma_start3A_1928] : memref<8x32x128xf32, #tpu.memory_space<vmem>> -> memref<1x32x128xf32, #tpu.memory_space<vmem>>
      %dma_start3A_1930 = tpu.memref_squeeze %dma_start3A_1929 : memref<1x32x128xf32, #tpu.memory_space<vmem>> -> memref<32x128xf32, #tpu.memory_space<vmem>>
      %dma_start3A_1931 = arith.constant 0 : i32
      %dma_start3A_1932 = tpu.memref_slice %arg4[%dma_start3A_1931, %multiple_of3A_1920] : memref<32x1000000xf32, #tpu.memory_space<hbm>> -> memref<32x128xf32, #tpu.memory_space<hbm>>
      %dma_start3A_1933 = arith.constant 0 : i32
      %dma_start3A_1934 = arith.constant 0 : i32
      %dma_start3A_1935 = tpu.memref_slice %arg9[%dma_start3A_1926, %dma_start3A_1933, %dma_start3A_1934] : memref<8x32x128xf32, #tpu.memory_space<vmem>> -> memref<1x32x128xf32, #tpu.memory_space<vmem>>
      %dma_start3A_1936 = tpu.memref_squeeze %dma_start3A_1935 : memref<1x32x128xf32, #tpu.memory_space<vmem>> -> memref<32x128xf32, #tpu.memory_space<vmem>>
      %dma_start3A_1937 = arith.constant 0 : i32
      %dma_start3A_1938 = tpu.memref_slice %arg4[%dma_start3A_1937, %multiple_of3A_1920] : memref<32x1000000xf32, #tpu.memory_space<hbm>> -> memref<32x128xf32, #tpu.memory_space<hbm>>
      tpu.enqueue_dma source(%dma_start3A_1938 : memref<32x128xf32, #tpu.memory_space<hbm>>) target(%dma_start3A_1936 : memref<32x128xf32, #tpu.memory_space<vmem>>) target_semaphore(%arg15 : memref<!tpu.dma_semaphore, #tpu.memory_space<semaphore_mem>>)
      %dma_start3A_1939 = arith.constant 3 : i32
      %dma_start3A_1940 = arith.constant 0 : i32
      %dma_start3A_1941 = arith.constant 0 : i32
      %dma_start3A_1942 = tpu.memref_slice %arg10[%dma_start3A_1939, %dma_start3A_1940, %dma_start3A_1941] : memref<8x32x128xf32, #tpu.memory_space<vmem>> -> memref<1x32x128xf32, #tpu.memory_space<vmem>>
      %dma_start3A_1943 = tpu.memref_squeeze %dma_start3A_1942 : memref<1x32x128xf32, #tpu.memory_space<vmem>> -> memref<32x128xf32, #tpu.memory_space<vmem>>
      %dma_start3A_1944 = arith.constant 0 : i32
      %dma_start3A_1945 = tpu.memref_slice %arg5[%dma_start3A_1944, %multiple_of3A_1925] : memref<32x1000000xf32, #tpu.memory_space<hbm>> -> memref<32x128xf32, #tpu.memory_space<hbm>>
      %dma_start3A_1946 = arith.constant 0 : i32
      %dma_start3A_1947 = arith.constant 0 : i32
      %dma_start3A_1948 = tpu.memref_slice %arg10[%dma_start3A_1939, %dma_start3A_1946, %dma_start3A_1947] : memref<8x32x128xf32, #tpu.memory_space<vmem>> -> memref<1x32x128xf32, #tpu.memory_space<vmem>>
      %dma_start3A_1949 = tpu.memref_squeeze %dma_start3A_1948 : memref<1x32x128xf32, #tpu.memory_space<vmem>> -> memref<32x128xf32, #tpu.memory_space<vmem>>
      %dma_start3A_1950 = arith.constant 0 : i32
      %dma_start3A_1951 = tpu.memref_slice %arg5[%dma_start3A_1950, %multiple_of3A_1925] : memref<32x1000000xf32, #tpu.memory_space<hbm>> -> memref<32x128xf32, #tpu.memory_space<hbm>>
      tpu.enqueue_dma source(%dma_start3A_1951 : memref<32x128xf32, #tpu.memory_space<hbm>>) target(%dma_start3A_1949 : memref<32x128xf32, #tpu.memory_space<vmem>>) target_semaphore(%arg23 : memref<!tpu.dma_semaphore, #tpu.memory_space<semaphore_mem>>)
      %jit3A_1952 = arith.constant 2 : i32
      %eq3A_1953 = arith.constant 0 : i32
      %eq3A_1954 = arith.cmpi eq, %jit3A_1952, %eq3A_1953 : i32
      %jit3A_1955 = arith.constant 1 : i32
      %select_n3A_1956 = arith.select %eq3A_1954, %jit3A_1955, %jit3A_1952 : i32
      %rem3A_1957 = arith.remsi %scan3A_1096, %select_n3A_1956 : i32
      %ne3A_1958 = arith.constant 0 : i32
      %ne3A_1959 = arith.cmpi ne, %rem3A_1957, %ne3A_1958 : i32
      %lt3A_1960 = arith.constant 0 : i32
      %lt3A_1961 = arith.cmpi slt, %rem3A_1957, %lt3A_1960 : i32
      %lt3A_1962 = arith.constant 0 : i32
      %lt3A_1963 = arith.cmpi slt, %select_n3A_1956, %lt3A_1962 : i32
      %ne3A_1964 = arith.xori %lt3A_1961, %lt3A_1963 : i1
      %and3A_1965 = arith.andi %ne3A_1964, %ne3A_1959 : i1
      %add3A_1966 = arith.addi %rem3A_1957, %select_n3A_1956 : i32
      %select_n3A_1967 = arith.select %and3A_1965, %add3A_1966, %rem3A_1957 : i32
      %mul3A_1968 = arith.constant 8 : i32
      %mul3A_1969 = arith.muli %mul3A_1968, %select_n3A_1967 : i32
      %add3A_1970 = arith.constant 4 : i32
      %add3A_1971 = arith.addi %mul3A_1969, %add3A_1970 : i32
      %get3A_1972 = arith.index_cast %multiple_of3A_1123 : i32 to index
      %get3A_1973 = tpu.vector_load %arg7[%get3A_1972] {strides = array<i32>} : memref<512xi32, #tpu.memory_space<vmem>>, vector<16xi32>,
      %get3A_1974 = arith.index_cast %multiple_of3A_1123 : i32 to index
      %get3A_1975 = tpu.vector_load %arg8[%get3A_1974] {strides = array<i32>} : memref<512xi32, #tpu.memory_space<vmem>>, vector<16xi32>,
      %broadcast_in_dim3A_1976 = vector.broadcast %add3A_1971 : i32 to vector<16xi32>
      %eq3A_1977 = arith.cmpi eq, %iota3A, %broadcast_in_dim3A_1976 : vector<16xi32>
      %jit3A_1978 = arith.constant 0 : i32
      %broadcast_in_dim3A_1979 = vector.broadcast %jit3A_1978 : i32 to vector<16xi32>
      %select_n3A_1980 = arith.select %eq3A_1977, %get3A_1973, %broadcast_in_dim3A_1979 : vector<16xi1>, vector<16xi32>
      %reduce_sum3A_1981 = arith.constant true
      %reduce_sum3A_1982 = vector.broadcast %reduce_sum3A_1981 : i1 to vector<16xi1>
      %reduce_sum3A_1983 = tpu.scan <sum>, %select_n3A_1980 masked %reduce_sum3A_1982 : vector<16xi32>, vector<16xi1> -> vector<16xi32>
      %reduce_sum3A_1984 = vector.extract %reduce_sum3A_1983[15] : i32 from vector<16xi32>
      %broadcast_in_dim3A_1985 = vector.broadcast %add3A_1971 : i32 to vector<16xi32>
      %eq3A_1986 = arith.cmpi eq, %iota3A, %broadcast_in_dim3A_1985 : vector<16xi32>
      %jit3A_1987 = arith.constant 0 : i32
      %broadcast_in_dim3A_1988 = vector.broadcast %jit3A_1987 : i32 to vector<16xi32>
      %select_n3A_1989 = arith.select %eq3A_1986, %get3A_1975, %broadcast_in_dim3A_1988 : vector<16xi1>, vector<16xi32>
      %reduce_sum3A_1990 = arith.constant true
      %reduce_sum3A_1991 = vector.broadcast %reduce_sum3A_1990 : i1 to vector<16xi1>
      %reduce_sum3A_1992 = tpu.scan <sum>, %select_n3A_1989 masked %reduce_sum3A_1991 : vector<16xi32>, vector<16xi1> -> vector<16xi32>
      %reduce_sum3A_1993 = vector.extract %reduce_sum3A_1992[15] : i32 from vector<16xi32>
      %and3A_1994 = arith.constant 127 : i32
      %and3A_1995 = arith.andi %reduce_sum3A_1984, %and3A_1994 : i32
      %broadcast_in_dim3A_1996 = vector.broadcast %and3A_1995 : i32 to vector<16xi32>
      %and3A_1997 = arith.constant 127 : i32
      %and3A_1998 = arith.andi %reduce_sum3A_1993, %and3A_1997 : i32
      %broadcast_in_dim3A_1999 = vector.broadcast %and3A_1998 : i32 to vector<16xi32>
      %broadcast_in_dim3A_2000 = arith.constant 4 : i32
      %broadcast_in_dim3A_2001 = vector.broadcast %broadcast_in_dim3A_2000 : i32 to vector<16xi32>
      %dma_wait3A_2002 = arith.constant 4 : i32
      %dma_wait3A_2003 = arith.constant 0 : i32
      %dma_wait3A_2004 = arith.constant 0 : i32
      %dma_wait3A_2005 = tpu.memref_slice %arg9[%dma_wait3A_2002, %dma_wait3A_2003, %dma_wait3A_2004] : memref<8x32x128xf32, #tpu.memory_space<vmem>> -> memref<1x32x128xf32, #tpu.memory_space<vmem>>
      %dma_wait3A_2006 = tpu.memref_squeeze %dma_wait3A_2005 : memref<1x32x128xf32, #tpu.memory_space<vmem>> -> memref<32x128xf32, #tpu.memory_space<vmem>>
      %dma_wait3A_2007 = arith.constant 0 : i32
      %dma_wait3A_2008 = arith.constant 0 : i32
      %dma_wait3A_2009 = tpu.memref_slice %arg4[%dma_wait3A_2007, %dma_wait3A_2008] : memref<32x1000000xf32, #tpu.memory_space<hbm>> -> memref<32x128xf32, #tpu.memory_space<hbm>>
      %dma_wait3A_2010 = arith.constant 0 : i32
      %dma_wait3A_2011 = arith.constant 0 : i32
      %dma_wait3A_2012 = tpu.memref_slice %arg9[%dma_wait3A_2002, %dma_wait3A_2010, %dma_wait3A_2011] : memref<8x32x128xf32, #tpu.memory_space<vmem>> -> memref<1x32x128xf32, #tpu.memory_space<vmem>>
      %dma_wait3A_2013 = tpu.memref_squeeze %dma_wait3A_2012 : memref<1x32x128xf32, #tpu.memory_space<vmem>> -> memref<32x128xf32, #tpu.memory_space<vmem>>
      %dma_wait3A_2014 = arith.constant 0 : i32
      %dma_wait3A_2015 = arith.constant 0 : i32
      %dma_wait3A_2016 = tpu.memref_slice %arg4[%dma_wait3A_2014, %dma_wait3A_2015] : memref<32x1000000xf32, #tpu.memory_space<hbm>> -> memref<32x128xf32, #tpu.memory_space<hbm>>
      tpu.wait_dma2 semaphore(%arg16 : memref<!tpu.dma_semaphore, #tpu.memory_space<semaphore_mem>>) src(%dma_wait3A_2016 : memref<32x128xf32, #tpu.memory_space<hbm>>) dst(%dma_wait3A_2013 : memref<32x128xf32, #tpu.memory_space<vmem>>)
      %dma_wait3A_2017 = arith.constant 4 : i32
      %dma_wait3A_2018 = arith.constant 0 : i32
      %dma_wait3A_2019 = arith.constant 0 : i32
      %dma_wait3A_2020 = tpu.memref_slice %arg10[%dma_wait3A_2017, %dma_wait3A_2018, %dma_wait3A_2019] : memref<8x32x128xf32, #tpu.memory_space<vmem>> -> memref<1x32x128xf32, #tpu.memory_space<vmem>>
      %dma_wait3A_2021 = tpu.memref_squeeze %dma_wait3A_2020 : memref<1x32x128xf32, #tpu.memory_space<vmem>> -> memref<32x128xf32, #tpu.memory_space<vmem>>
      %dma_wait3A_2022 = arith.constant 0 : i32
      %dma_wait3A_2023 = arith.constant 0 : i32
      %dma_wait3A_2024 = tpu.memref_slice %arg5[%dma_wait3A_2022, %dma_wait3A_2023] : memref<32x1000000xf32, #tpu.memory_space<hbm>> -> memref<32x128xf32, #tpu.memory_space<hbm>>
      %dma_wait3A_2025 = arith.constant 0 : i32
      %dma_wait3A_2026 = arith.constant 0 : i32
      %dma_wait3A_2027 = tpu.memref_slice %arg10[%dma_wait3A_2017, %dma_wait3A_2025, %dma_wait3A_2026] : memref<8x32x128xf32, #tpu.memory_space<vmem>> -> memref<1x32x128xf32, #tpu.memory_space<vmem>>
      %dma_wait3A_2028 = tpu.memref_squeeze %dma_wait3A_2027 : memref<1x32x128xf32, #tpu.memory_space<vmem>> -> memref<32x128xf32, #tpu.memory_space<vmem>>
      %dma_wait3A_2029 = arith.constant 0 : i32
      %dma_wait3A_2030 = arith.constant 0 : i32
      %dma_wait3A_2031 = tpu.memref_slice %arg5[%dma_wait3A_2029, %dma_wait3A_2030] : memref<32x1000000xf32, #tpu.memory_space<hbm>> -> memref<32x128xf32, #tpu.memory_space<hbm>>
      tpu.wait_dma2 semaphore(%arg24 : memref<!tpu.dma_semaphore, #tpu.memory_space<semaphore_mem>>) src(%dma_wait3A_2031 : memref<32x128xf32, #tpu.memory_space<hbm>>) dst(%dma_wait3A_2028 : memref<32x128xf32, #tpu.memory_space<vmem>>)
      %gather3A_2032 = tpu.vector_load_idx %arg9[%broadcast_in_dim3A_2001, %iota3A, %broadcast_in_dim3A_1996] : memref<8x32x128xf32, #tpu.memory_space<vmem>>[vector<16xi32>, vector<16xi32>, vector<16xi32>], vector<16xf32>,
      %gather3A_2033 = tpu.vector_load_idx %arg9[%broadcast_in_dim3A_2001, %add3A_5, %broadcast_in_dim3A_1996] : memref<8x32x128xf32, #tpu.memory_space<vmem>>[vector<16xi32>, vector<16xi32>, vector<16xi32>], vector<16xf32>,
      %gather3A_2034 = tpu.vector_load_idx %arg10[%broadcast_in_dim3A_2001, %iota3A, %broadcast_in_dim3A_1999] : memref<8x32x128xf32, #tpu.memory_space<vmem>>[vector<16xi32>, vector<16xi32>, vector<16xi32>], vector<16xf32>,
      %gather3A_2035 = tpu.vector_load_idx %arg10[%broadcast_in_dim3A_2001, %add3A_5, %broadcast_in_dim3A_1999] : memref<8x32x128xf32, #tpu.memory_space<vmem>>[vector<16xi32>, vector<16xi32>, vector<16xi32>], vector<16xf32>,
      %mul3A_2036 = arith.mulf %gather3A_2032, %gather3A_2034 : vector<16xf32>
      %mul3A_2037 = arith.mulf %gather3A_2033, %gather3A_2035 : vector<16xf32>
      %add3A_2038 = arith.addf %mul3A_2036, %mul3A_2037 : vector<16xf32>
      %reduce_sum3A_2039 = arith.constant true
      %reduce_sum3A_2040 = vector.broadcast %reduce_sum3A_2039 : i1 to vector<16xi1>
      %reduce_sum3A_2041 = tpu.scan <sum>, %add3A_2038 masked %reduce_sum3A_2040 : vector<16xf32>, vector<16xi1> -> vector<16xf32>
      %reduce_sum3A_2042 = vector.extract %reduce_sum3A_2041[15] : f32 from vector<16xf32>
      %broadcast_in_dim3A_2043 = vector.broadcast %add3A_1971 : i32 to vector<16xi32>
      %eq3A_2044 = arith.cmpi eq, %iota3A, %broadcast_in_dim3A_2043 : vector<16xi32>
      %broadcast_in_dim3A_2045 = vector.broadcast %reduce_sum3A_2042 : f32 to vector<16xf32>
      %jit3A_2046 = arith.constant 0.000000e+00 : f32
      %broadcast_in_dim3A_2047 = vector.broadcast %jit3A_2046 : f32 to vector<16xf32>
      %select_n3A_2048 = arith.select %eq3A_2044, %broadcast_in_dim3A_2045, %broadcast_in_dim3A_2047 : vector<16xi1>, vector<16xf32>
      %add3A_2049 = arith.addf %add3A_1842, %select_n3A_2048 : vector<16xf32>
      %add3A_2050 = arith.constant 1 : i32
      %add3A_2051 = arith.addi %scan3A_1096, %add3A_2050 : i32
      %min3A_2052 = arith.constant 63 : i32
      %min3A_2053 = arith.minsi %add3A_2051, %min3A_2052 : i32
      %jit3A_2054 = arith.constant 2 : i32
      %div3A_2055 = arith.divsi %min3A_2053, %jit3A_2054 : i32
      %sign3A_2056 = arith.constant 0 : i32
      %sign3A_2057 = arith.cmpi sgt, %min3A_2053, %sign3A_2056 : i32
      %sign3A_2058 = arith.extui %sign3A_2057 : i1 to i32
      %sign3A_2059 = arith.constant 0 : i32
      %sign3A_2060 = arith.cmpi slt, %min3A_2053, %sign3A_2059 : i32
      %sign3A_2061 = arith.extui %sign3A_2060 : i1 to i32
      %sign3A_2062 = arith.subi %sign3A_2058, %sign3A_2061 : i32
      %sign3A_2063 = arith.constant 0 : i32
      %sign3A_2064 = arith.cmpi sgt, %jit3A_2054, %sign3A_2063 : i32
      %sign3A_2065 = arith.extui %sign3A_2064 : i1 to i32
      %sign3A_2066 = arith.constant 0 : i32
      %sign3A_2067 = arith.cmpi slt, %jit3A_2054, %sign3A_2066 : i32
      %sign3A_2068 = arith.extui %sign3A_2067 : i1 to i32
      %sign3A_2069 = arith.subi %sign3A_2065, %sign3A_2068 : i32
      %ne3A_2070 = arith.cmpi ne, %sign3A_2062, %sign3A_2069 : i32
      %rem3A_2071 = arith.remsi %min3A_2053, %jit3A_2054 : i32
      %ne3A_2072 = arith.constant 0 : i32
      %ne3A_2073 = arith.cmpi ne, %rem3A_2071, %ne3A_2072 : i32
      %and3A_2074 = arith.andi %ne3A_2070, %ne3A_2073 : i1
      %sub3A_2075 = arith.constant 1 : i32
      %sub3A_2076 = arith.subi %div3A_2055, %sub3A_2075 : i32
      %select_n3A_2077 = arith.select %and3A_2074, %sub3A_2076, %div3A_2055 : i32
      %mul3A_2078 = arith.constant 16 : i32
      %mul3A_2079 = arith.muli %select_n3A_2077, %mul3A_2078 : i32
      %multiple_of3A_2080 = tpu.assume_multiple %mul3A_2079, 16 : i32
      %jit3A_2081 = arith.constant 2 : i32
      %eq3A_2082 = arith.constant 0 : i32
      %eq3A_2083 = arith.cmpi eq, %jit3A_2081, %eq3A_2082 : i32
      %jit3A_2084 = arith.constant 1 : i32
      %select_n3A_2085 = arith.select %eq3A_2083, %jit3A_2084, %jit3A_2081 : i32
      %rem3A_2086 = arith.remsi %min3A_2053, %select_n3A_2085 : i32
      %ne3A_2087 = arith.constant 0 : i32
      %ne3A_2088 = arith.cmpi ne, %rem3A_2086, %ne3A_2087 : i32
      %lt3A_2089 = arith.constant 0 : i32
      %lt3A_2090 = arith.cmpi slt, %rem3A_2086, %lt3A_2089 : i32
      %lt3A_2091 = arith.constant 0 : i32
      %lt3A_2092 = arith.cmpi slt, %select_n3A_2085, %lt3A_2091 : i32
      %ne3A_2093 = arith.xori %lt3A_2090, %lt3A_2092 : i1
      %and3A_2094 = arith.andi %ne3A_2093, %ne3A_2088 : i1
      %add3A_2095 = arith.addi %rem3A_2086, %select_n3A_2085 : i32
      %select_n3A_2096 = arith.select %and3A_2094, %add3A_2095, %rem3A_2086 : i32
      %mul3A_2097 = arith.constant 8 : i32
      %mul3A_2098 = arith.muli %mul3A_2097, %select_n3A_2096 : i32
      %add3A_2099 = arith.constant 4 : i32
      %add3A_2100 = arith.addi %mul3A_2098, %add3A_2099 : i32
      %get3A_2101 = arith.index_cast %multiple_of3A_2080 : i32 to index
      %get3A_2102 = tpu.vector_load %arg7[%get3A_2101] {strides = array<i32>} : memref<512xi32, #tpu.memory_space<vmem>>, vector<16xi32>,
      %get3A_2103 = arith.index_cast %multiple_of3A_2080 : i32 to index
      %get3A_2104 = tpu.vector_load %arg8[%get3A_2103] {strides = array<i32>} : memref<512xi32, #tpu.memory_space<vmem>>, vector<16xi32>,
      %broadcast_in_dim3A_2105 = vector.broadcast %add3A_2100 : i32 to vector<16xi32>
      %eq3A_2106 = arith.cmpi eq, %iota3A, %broadcast_in_dim3A_2105 : vector<16xi32>
      %jit3A_2107 = arith.constant 0 : i32
      %broadcast_in_dim3A_2108 = vector.broadcast %jit3A_2107 : i32 to vector<16xi32>
      %select_n3A_2109 = arith.select %eq3A_2106, %get3A_2102, %broadcast_in_dim3A_2108 : vector<16xi1>, vector<16xi32>
      %reduce_sum3A_2110 = arith.constant true
      %reduce_sum3A_2111 = vector.broadcast %reduce_sum3A_2110 : i1 to vector<16xi1>
      %reduce_sum3A_2112 = tpu.scan <sum>, %select_n3A_2109 masked %reduce_sum3A_2111 : vector<16xi32>, vector<16xi1> -> vector<16xi32>
      %reduce_sum3A_2113 = vector.extract %reduce_sum3A_2112[15] : i32 from vector<16xi32>
      %broadcast_in_dim3A_2114 = vector.broadcast %add3A_2100 : i32 to vector<16xi32>
      %eq3A_2115 = arith.cmpi eq, %iota3A, %broadcast_in_dim3A_2114 : vector<16xi32>
      %jit3A_2116 = arith.constant 0 : i32
      %broadcast_in_dim3A_2117 = vector.broadcast %jit3A_2116 : i32 to vector<16xi32>
      %select_n3A_2118 = arith.select %eq3A_2115, %get3A_2104, %broadcast_in_dim3A_2117 : vector<16xi1>, vector<16xi32>
      %reduce_sum3A_2119 = arith.constant true
      %reduce_sum3A_2120 = vector.broadcast %reduce_sum3A_2119 : i1 to vector<16xi1>
      %reduce_sum3A_2121 = tpu.scan <sum>, %select_n3A_2118 masked %reduce_sum3A_2120 : vector<16xi32>, vector<16xi1> -> vector<16xi32>
      %reduce_sum3A_2122 = vector.extract %reduce_sum3A_2121[15] : i32 from vector<16xi32>
      %shift_right_arithmetic3A_2123 = arith.constant 7 : i32
      %shift_right_arithmetic3A_2124 = arith.shrsi %reduce_sum3A_2113, %shift_right_arithmetic3A_2123 : i32
      %mul3A_2125 = arith.constant 128 : i32
      %mul3A_2126 = arith.muli %shift_right_arithmetic3A_2124, %mul3A_2125 : i32
      %multiple_of3A_2127 = tpu.assume_multiple %mul3A_2126, 128 : i32
      %shift_right_arithmetic3A_2128 = arith.constant 7 : i32
      %shift_right_arithmetic3A_2129 = arith.shrsi %reduce_sum3A_2122, %shift_right_arithmetic3A_2128 : i32
      %mul3A_2130 = arith.constant 128 : i32
      %mul3A_2131 = arith.muli %shift_right_arithmetic3A_2129, %mul3A_2130 : i32
      %multiple_of3A_2132 = tpu.assume_multiple %mul3A_2131, 128 : i32
      %dma_start3A_2133 = arith.constant 4 : i32
      %dma_start3A_2134 = arith.constant 0 : i32
      %dma_start3A_2135 = arith.constant 0 : i32
      %dma_start3A_2136 = tpu.memref_slice %arg9[%dma_start3A_2133, %dma_start3A_2134, %dma_start3A_2135] : memref<8x32x128xf32, #tpu.memory_space<vmem>> -> memref<1x32x128xf32, #tpu.memory_space<vmem>>
      %dma_start3A_2137 = tpu.memref_squeeze %dma_start3A_2136 : memref<1x32x128xf32, #tpu.memory_space<vmem>> -> memref<32x128xf32, #tpu.memory_space<vmem>>
      %dma_start3A_2138 = arith.constant 0 : i32
      %dma_start3A_2139 = tpu.memref_slice %arg4[%dma_start3A_2138, %multiple_of3A_2127] : memref<32x1000000xf32, #tpu.memory_space<hbm>> -> memref<32x128xf32, #tpu.memory_space<hbm>>
      %dma_start3A_2140 = arith.constant 0 : i32
      %dma_start3A_2141 = arith.constant 0 : i32
      %dma_start3A_2142 = tpu.memref_slice %arg9[%dma_start3A_2133, %dma_start3A_2140, %dma_start3A_2141] : memref<8x32x128xf32, #tpu.memory_space<vmem>> -> memref<1x32x128xf32, #tpu.memory_space<vmem>>
      %dma_start3A_2143 = tpu.memref_squeeze %dma_start3A_2142 : memref<1x32x128xf32, #tpu.memory_space<vmem>> -> memref<32x128xf32, #tpu.memory_space<vmem>>
      %dma_start3A_2144 = arith.constant 0 : i32
      %dma_start3A_2145 = tpu.memref_slice %arg4[%dma_start3A_2144, %multiple_of3A_2127] : memref<32x1000000xf32, #tpu.memory_space<hbm>> -> memref<32x128xf32, #tpu.memory_space<hbm>>
      tpu.enqueue_dma source(%dma_start3A_2145 : memref<32x128xf32, #tpu.memory_space<hbm>>) target(%dma_start3A_2143 : memref<32x128xf32, #tpu.memory_space<vmem>>) target_semaphore(%arg16 : memref<!tpu.dma_semaphore, #tpu.memory_space<semaphore_mem>>)
      %dma_start3A_2146 = arith.constant 4 : i32
      %dma_start3A_2147 = arith.constant 0 : i32
      %dma_start3A_2148 = arith.constant 0 : i32
      %dma_start3A_2149 = tpu.memref_slice %arg10[%dma_start3A_2146, %dma_start3A_2147, %dma_start3A_2148] : memref<8x32x128xf32, #tpu.memory_space<vmem>> -> memref<1x32x128xf32, #tpu.memory_space<vmem>>
      %dma_start3A_2150 = tpu.memref_squeeze %dma_start3A_2149 : memref<1x32x128xf32, #tpu.memory_space<vmem>> -> memref<32x128xf32, #tpu.memory_space<vmem>>
      %dma_start3A_2151 = arith.constant 0 : i32
      %dma_start3A_2152 = tpu.memref_slice %arg5[%dma_start3A_2151, %multiple_of3A_2132] : memref<32x1000000xf32, #tpu.memory_space<hbm>> -> memref<32x128xf32, #tpu.memory_space<hbm>>
      %dma_start3A_2153 = arith.constant 0 : i32
      %dma_start3A_2154 = arith.constant 0 : i32
      %dma_start3A_2155 = tpu.memref_slice %arg10[%dma_start3A_2146, %dma_start3A_2153, %dma_start3A_2154] : memref<8x32x128xf32, #tpu.memory_space<vmem>> -> memref<1x32x128xf32, #tpu.memory_space<vmem>>
      %dma_start3A_2156 = tpu.memref_squeeze %dma_start3A_2155 : memref<1x32x128xf32, #tpu.memory_space<vmem>> -> memref<32x128xf32, #tpu.memory_space<vmem>>
      %dma_start3A_2157 = arith.constant 0 : i32
      %dma_start3A_2158 = tpu.memref_slice %arg5[%dma_start3A_2157, %multiple_of3A_2132] : memref<32x1000000xf32, #tpu.memory_space<hbm>> -> memref<32x128xf32, #tpu.memory_space<hbm>>
      tpu.enqueue_dma source(%dma_start3A_2158 : memref<32x128xf32, #tpu.memory_space<hbm>>) target(%dma_start3A_2156 : memref<32x128xf32, #tpu.memory_space<vmem>>) target_semaphore(%arg24 : memref<!tpu.dma_semaphore, #tpu.memory_space<semaphore_mem>>)
      %jit3A_2159 = arith.constant 2 : i32
      %eq3A_2160 = arith.constant 0 : i32
      %eq3A_2161 = arith.cmpi eq, %jit3A_2159, %eq3A_2160 : i32
      %jit3A_2162 = arith.constant 1 : i32
      %select_n3A_2163 = arith.select %eq3A_2161, %jit3A_2162, %jit3A_2159 : i32
      %rem3A_2164 = arith.remsi %scan3A_1096, %select_n3A_2163 : i32
      %ne3A_2165 = arith.constant 0 : i32
      %ne3A_2166 = arith.cmpi ne, %rem3A_2164, %ne3A_2165 : i32
      %lt3A_2167 = arith.constant 0 : i32
      %lt3A_2168 = arith.cmpi slt, %rem3A_2164, %lt3A_2167 : i32
      %lt3A_2169 = arith.constant 0 : i32
      %lt3A_2170 = arith.cmpi slt, %select_n3A_2163, %lt3A_2169 : i32
      %ne3A_2171 = arith.xori %lt3A_2168, %lt3A_2170 : i1
      %and3A_2172 = arith.andi %ne3A_2171, %ne3A_2166 : i1
      %add3A_2173 = arith.addi %rem3A_2164, %select_n3A_2163 : i32
      %select_n3A_2174 = arith.select %and3A_2172, %add3A_2173, %rem3A_2164 : i32
      %mul3A_2175 = arith.constant 8 : i32
      %mul3A_2176 = arith.muli %mul3A_2175, %select_n3A_2174 : i32
      %add3A_2177 = arith.constant 5 : i32
      %add3A_2178 = arith.addi %mul3A_2176, %add3A_2177 : i32
      %get3A_2179 = arith.index_cast %multiple_of3A_1123 : i32 to index
      %get3A_2180 = tpu.vector_load %arg7[%get3A_2179] {strides = array<i32>} : memref<512xi32, #tpu.memory_space<vmem>>, vector<16xi32>,
      %get3A_2181 = arith.index_cast %multiple_of3A_1123 : i32 to index
      %get3A_2182 = tpu.vector_load %arg8[%get3A_2181] {strides = array<i32>} : memref<512xi32, #tpu.memory_space<vmem>>, vector<16xi32>,
      %broadcast_in_dim3A_2183 = vector.broadcast %add3A_2178 : i32 to vector<16xi32>
      %eq3A_2184 = arith.cmpi eq, %iota3A, %broadcast_in_dim3A_2183 : vector<16xi32>
      %jit3A_2185 = arith.constant 0 : i32
      %broadcast_in_dim3A_2186 = vector.broadcast %jit3A_2185 : i32 to vector<16xi32>
      %select_n3A_2187 = arith.select %eq3A_2184, %get3A_2180, %broadcast_in_dim3A_2186 : vector<16xi1>, vector<16xi32>
      %reduce_sum3A_2188 = arith.constant true
      %reduce_sum3A_2189 = vector.broadcast %reduce_sum3A_2188 : i1 to vector<16xi1>
      %reduce_sum3A_2190 = tpu.scan <sum>, %select_n3A_2187 masked %reduce_sum3A_2189 : vector<16xi32>, vector<16xi1> -> vector<16xi32>
      %reduce_sum3A_2191 = vector.extract %reduce_sum3A_2190[15] : i32 from vector<16xi32>
      %broadcast_in_dim3A_2192 = vector.broadcast %add3A_2178 : i32 to vector<16xi32>
      %eq3A_2193 = arith.cmpi eq, %iota3A, %broadcast_in_dim3A_2192 : vector<16xi32>
      %jit3A_2194 = arith.constant 0 : i32
      %broadcast_in_dim3A_2195 = vector.broadcast %jit3A_2194 : i32 to vector<16xi32>
      %select_n3A_2196 = arith.select %eq3A_2193, %get3A_2182, %broadcast_in_dim3A_2195 : vector<16xi1>, vector<16xi32>
      %reduce_sum3A_2197 = arith.constant true
      %reduce_sum3A_2198 = vector.broadcast %reduce_sum3A_2197 : i1 to vector<16xi1>
      %reduce_sum3A_2199 = tpu.scan <sum>, %select_n3A_2196 masked %reduce_sum3A_2198 : vector<16xi32>, vector<16xi1> -> vector<16xi32>
      %reduce_sum3A_2200 = vector.extract %reduce_sum3A_2199[15] : i32 from vector<16xi32>
      %and3A_2201 = arith.constant 127 : i32
      %and3A_2202 = arith.andi %reduce_sum3A_2191, %and3A_2201 : i32
      %broadcast_in_dim3A_2203 = vector.broadcast %and3A_2202 : i32 to vector<16xi32>
      %and3A_2204 = arith.constant 127 : i32
      %and3A_2205 = arith.andi %reduce_sum3A_2200, %and3A_2204 : i32
      %broadcast_in_dim3A_2206 = vector.broadcast %and3A_2205 : i32 to vector<16xi32>
      %broadcast_in_dim3A_2207 = arith.constant 5 : i32
      %broadcast_in_dim3A_2208 = vector.broadcast %broadcast_in_dim3A_2207 : i32 to vector<16xi32>
      %dma_wait3A_2209 = arith.constant 5 : i32
      %dma_wait3A_2210 = arith.constant 0 : i32
      %dma_wait3A_2211 = arith.constant 0 : i32
      %dma_wait3A_2212 = tpu.memref_slice %arg9[%dma_wait3A_2209, %dma_wait3A_2210, %dma_wait3A_2211] : memref<8x32x128xf32, #tpu.memory_space<vmem>> -> memref<1x32x128xf32, #tpu.memory_space<vmem>>
      %dma_wait3A_2213 = tpu.memref_squeeze %dma_wait3A_2212 : memref<1x32x128xf32, #tpu.memory_space<vmem>> -> memref<32x128xf32, #tpu.memory_space<vmem>>
      %dma_wait3A_2214 = arith.constant 0 : i32
      %dma_wait3A_2215 = arith.constant 0 : i32
      %dma_wait3A_2216 = tpu.memref_slice %arg4[%dma_wait3A_2214, %dma_wait3A_2215] : memref<32x1000000xf32, #tpu.memory_space<hbm>> -> memref<32x128xf32, #tpu.memory_space<hbm>>
      %dma_wait3A_2217 = arith.constant 0 : i32
      %dma_wait3A_2218 = arith.constant 0 : i32
      %dma_wait3A_2219 = tpu.memref_slice %arg9[%dma_wait3A_2209, %dma_wait3A_2217, %dma_wait3A_2218] : memref<8x32x128xf32, #tpu.memory_space<vmem>> -> memref<1x32x128xf32, #tpu.memory_space<vmem>>
      %dma_wait3A_2220 = tpu.memref_squeeze %dma_wait3A_2219 : memref<1x32x128xf32, #tpu.memory_space<vmem>> -> memref<32x128xf32, #tpu.memory_space<vmem>>
      %dma_wait3A_2221 = arith.constant 0 : i32
      %dma_wait3A_2222 = arith.constant 0 : i32
      %dma_wait3A_2223 = tpu.memref_slice %arg4[%dma_wait3A_2221, %dma_wait3A_2222] : memref<32x1000000xf32, #tpu.memory_space<hbm>> -> memref<32x128xf32, #tpu.memory_space<hbm>>
      tpu.wait_dma2 semaphore(%arg17 : memref<!tpu.dma_semaphore, #tpu.memory_space<semaphore_mem>>) src(%dma_wait3A_2223 : memref<32x128xf32, #tpu.memory_space<hbm>>) dst(%dma_wait3A_2220 : memref<32x128xf32, #tpu.memory_space<vmem>>)
      %dma_wait3A_2224 = arith.constant 5 : i32
      %dma_wait3A_2225 = arith.constant 0 : i32
      %dma_wait3A_2226 = arith.constant 0 : i32
      %dma_wait3A_2227 = tpu.memref_slice %arg10[%dma_wait3A_2224, %dma_wait3A_2225, %dma_wait3A_2226] : memref<8x32x128xf32, #tpu.memory_space<vmem>> -> memref<1x32x128xf32, #tpu.memory_space<vmem>>
      %dma_wait3A_2228 = tpu.memref_squeeze %dma_wait3A_2227 : memref<1x32x128xf32, #tpu.memory_space<vmem>> -> memref<32x128xf32, #tpu.memory_space<vmem>>
      %dma_wait3A_2229 = arith.constant 0 : i32
      %dma_wait3A_2230 = arith.constant 0 : i32
      %dma_wait3A_2231 = tpu.memref_slice %arg5[%dma_wait3A_2229, %dma_wait3A_2230] : memref<32x1000000xf32, #tpu.memory_space<hbm>> -> memref<32x128xf32, #tpu.memory_space<hbm>>
      %dma_wait3A_2232 = arith.constant 0 : i32
      %dma_wait3A_2233 = arith.constant 0 : i32
      %dma_wait3A_2234 = tpu.memref_slice %arg10[%dma_wait3A_2224, %dma_wait3A_2232, %dma_wait3A_2233] : memref<8x32x128xf32, #tpu.memory_space<vmem>> -> memref<1x32x128xf32, #tpu.memory_space<vmem>>
      %dma_wait3A_2235 = tpu.memref_squeeze %dma_wait3A_2234 : memref<1x32x128xf32, #tpu.memory_space<vmem>> -> memref<32x128xf32, #tpu.memory_space<vmem>>
      %dma_wait3A_2236 = arith.constant 0 : i32
      %dma_wait3A_2237 = arith.constant 0 : i32
      %dma_wait3A_2238 = tpu.memref_slice %arg5[%dma_wait3A_2236, %dma_wait3A_2237] : memref<32x1000000xf32, #tpu.memory_space<hbm>> -> memref<32x128xf32, #tpu.memory_space<hbm>>
      tpu.wait_dma2 semaphore(%arg25 : memref<!tpu.dma_semaphore, #tpu.memory_space<semaphore_mem>>) src(%dma_wait3A_2238 : memref<32x128xf32, #tpu.memory_space<hbm>>) dst(%dma_wait3A_2235 : memref<32x128xf32, #tpu.memory_space<vmem>>)
      %gather3A_2239 = tpu.vector_load_idx %arg9[%broadcast_in_dim3A_2208, %iota3A, %broadcast_in_dim3A_2203] : memref<8x32x128xf32, #tpu.memory_space<vmem>>[vector<16xi32>, vector<16xi32>, vector<16xi32>], vector<16xf32>,
      %gather3A_2240 = tpu.vector_load_idx %arg9[%broadcast_in_dim3A_2208, %add3A_5, %broadcast_in_dim3A_2203] : memref<8x32x128xf32, #tpu.memory_space<vmem>>[vector<16xi32>, vector<16xi32>, vector<16xi32>], vector<16xf32>,
      %gather3A_2241 = tpu.vector_load_idx %arg10[%broadcast_in_dim3A_2208, %iota3A, %broadcast_in_dim3A_2206] : memref<8x32x128xf32, #tpu.memory_space<vmem>>[vector<16xi32>, vector<16xi32>, vector<16xi32>], vector<16xf32>,
      %gather3A_2242 = tpu.vector_load_idx %arg10[%broadcast_in_dim3A_2208, %add3A_5, %broadcast_in_dim3A_2206] : memref<8x32x128xf32, #tpu.memory_space<vmem>>[vector<16xi32>, vector<16xi32>, vector<16xi32>], vector<16xf32>,
      %mul3A_2243 = arith.mulf %gather3A_2239, %gather3A_2241 : vector<16xf32>
      %mul3A_2244 = arith.mulf %gather3A_2240, %gather3A_2242 : vector<16xf32>
      %add3A_2245 = arith.addf %mul3A_2243, %mul3A_2244 : vector<16xf32>
      %reduce_sum3A_2246 = arith.constant true
      %reduce_sum3A_2247 = vector.broadcast %reduce_sum3A_2246 : i1 to vector<16xi1>
      %reduce_sum3A_2248 = tpu.scan <sum>, %add3A_2245 masked %reduce_sum3A_2247 : vector<16xf32>, vector<16xi1> -> vector<16xf32>
      %reduce_sum3A_2249 = vector.extract %reduce_sum3A_2248[15] : f32 from vector<16xf32>
      %broadcast_in_dim3A_2250 = vector.broadcast %add3A_2178 : i32 to vector<16xi32>
      %eq3A_2251 = arith.cmpi eq, %iota3A, %broadcast_in_dim3A_2250 : vector<16xi32>
      %broadcast_in_dim3A_2252 = vector.broadcast %reduce_sum3A_2249 : f32 to vector<16xf32>
      %jit3A_2253 = arith.constant 0.000000e+00 : f32
      %broadcast_in_dim3A_2254 = vector.broadcast %jit3A_2253 : f32 to vector<16xf32>
      %select_n3A_2255 = arith.select %eq3A_2251, %broadcast_in_dim3A_2252, %broadcast_in_dim3A_2254 : vector<16xi1>, vector<16xf32>
      %add3A_2256 = arith.addf %add3A_2049, %select_n3A_2255 : vector<16xf32>
      %add3A_2257 = arith.constant 1 : i32
      %add3A_2258 = arith.addi %scan3A_1096, %add3A_2257 : i32
      %min3A_2259 = arith.constant 63 : i32
      %min3A_2260 = arith.minsi %add3A_2258, %min3A_2259 : i32
      %jit3A_2261 = arith.constant 2 : i32
      %div3A_2262 = arith.divsi %min3A_2260, %jit3A_2261 : i32
      %sign3A_2263 = arith.constant 0 : i32
      %sign3A_2264 = arith.cmpi sgt, %min3A_2260, %sign3A_2263 : i32
      %sign3A_2265 = arith.extui %sign3A_2264 : i1 to i32
      %sign3A_2266 = arith.constant 0 : i32
      %sign3A_2267 = arith.cmpi slt, %min3A_2260, %sign3A_2266 : i32
      %sign3A_2268 = arith.extui %sign3A_2267 : i1 to i32
      %sign3A_2269 = arith.subi %sign3A_2265, %sign3A_2268 : i32
      %sign3A_2270 = arith.constant 0 : i32
      %sign3A_2271 = arith.cmpi sgt, %jit3A_2261, %sign3A_2270 : i32
      %sign3A_2272 = arith.extui %sign3A_2271 : i1 to i32
      %sign3A_2273 = arith.constant 0 : i32
      %sign3A_2274 = arith.cmpi slt, %jit3A_2261, %sign3A_2273 : i32
      %sign3A_2275 = arith.extui %sign3A_2274 : i1 to i32
      %sign3A_2276 = arith.subi %sign3A_2272, %sign3A_2275 : i32
      %ne3A_2277 = arith.cmpi ne, %sign3A_2269, %sign3A_2276 : i32
      %rem3A_2278 = arith.remsi %min3A_2260, %jit3A_2261 : i32
      %ne3A_2279 = arith.constant 0 : i32
      %ne3A_2280 = arith.cmpi ne, %rem3A_2278, %ne3A_2279 : i32
      %and3A_2281 = arith.andi %ne3A_2277, %ne3A_2280 : i1
      %sub3A_2282 = arith.constant 1 : i32
      %sub3A_2283 = arith.subi %div3A_2262, %sub3A_2282 : i32
      %select_n3A_2284 = arith.select %and3A_2281, %sub3A_2283, %div3A_2262 : i32
      %mul3A_2285 = arith.constant 16 : i32
      %mul3A_2286 = arith.muli %select_n3A_2284, %mul3A_2285 : i32
      %multiple_of3A_2287 = tpu.assume_multiple %mul3A_2286, 16 : i32
      %jit3A_2288 = arith.constant 2 : i32
      %eq3A_2289 = arith.constant 0 : i32
      %eq3A_2290 = arith.cmpi eq, %jit3A_2288, %eq3A_2289 : i32
      %jit3A_2291 = arith.constant 1 : i32
      %select_n3A_2292 = arith.select %eq3A_2290, %jit3A_2291, %jit3A_2288 : i32
      %rem3A_2293 = arith.remsi %min3A_2260, %select_n3A_2292 : i32
      %ne3A_2294 = arith.constant 0 : i32
      %ne3A_2295 = arith.cmpi ne, %rem3A_2293, %ne3A_2294 : i32
      %lt3A_2296 = arith.constant 0 : i32
      %lt3A_2297 = arith.cmpi slt, %rem3A_2293, %lt3A_2296 : i32
      %lt3A_2298 = arith.constant 0 : i32
      %lt3A_2299 = arith.cmpi slt, %select_n3A_2292, %lt3A_2298 : i32
      %ne3A_2300 = arith.xori %lt3A_2297, %lt3A_2299 : i1
      %and3A_2301 = arith.andi %ne3A_2300, %ne3A_2295 : i1
      %add3A_2302 = arith.addi %rem3A_2293, %select_n3A_2292 : i32
      %select_n3A_2303 = arith.select %and3A_2301, %add3A_2302, %rem3A_2293 : i32
      %mul3A_2304 = arith.constant 8 : i32
      %mul3A_2305 = arith.muli %mul3A_2304, %select_n3A_2303 : i32
      %add3A_2306 = arith.constant 5 : i32
      %add3A_2307 = arith.addi %mul3A_2305, %add3A_2306 : i32
      %get3A_2308 = arith.index_cast %multiple_of3A_2287 : i32 to index
      %get3A_2309 = tpu.vector_load %arg7[%get3A_2308] {strides = array<i32>} : memref<512xi32, #tpu.memory_space<vmem>>, vector<16xi32>,
      %get3A_2310 = arith.index_cast %multiple_of3A_2287 : i32 to index
      %get3A_2311 = tpu.vector_load %arg8[%get3A_2310] {strides = array<i32>} : memref<512xi32, #tpu.memory_space<vmem>>, vector<16xi32>,
      %broadcast_in_dim3A_2312 = vector.broadcast %add3A_2307 : i32 to vector<16xi32>
      %eq3A_2313 = arith.cmpi eq, %iota3A, %broadcast_in_dim3A_2312 : vector<16xi32>
      %jit3A_2314 = arith.constant 0 : i32
      %broadcast_in_dim3A_2315 = vector.broadcast %jit3A_2314 : i32 to vector<16xi32>
      %select_n3A_2316 = arith.select %eq3A_2313, %get3A_2309, %broadcast_in_dim3A_2315 : vector<16xi1>, vector<16xi32>
      %reduce_sum3A_2317 = arith.constant true
      %reduce_sum3A_2318 = vector.broadcast %reduce_sum3A_2317 : i1 to vector<16xi1>
      %reduce_sum3A_2319 = tpu.scan <sum>, %select_n3A_2316 masked %reduce_sum3A_2318 : vector<16xi32>, vector<16xi1> -> vector<16xi32>
      %reduce_sum3A_2320 = vector.extract %reduce_sum3A_2319[15] : i32 from vector<16xi32>
      %broadcast_in_dim3A_2321 = vector.broadcast %add3A_2307 : i32 to vector<16xi32>
      %eq3A_2322 = arith.cmpi eq, %iota3A, %broadcast_in_dim3A_2321 : vector<16xi32>
      %jit3A_2323 = arith.constant 0 : i32
      %broadcast_in_dim3A_2324 = vector.broadcast %jit3A_2323 : i32 to vector<16xi32>
      %select_n3A_2325 = arith.select %eq3A_2322, %get3A_2311, %broadcast_in_dim3A_2324 : vector<16xi1>, vector<16xi32>
      %reduce_sum3A_2326 = arith.constant true
      %reduce_sum3A_2327 = vector.broadcast %reduce_sum3A_2326 : i1 to vector<16xi1>
      %reduce_sum3A_2328 = tpu.scan <sum>, %select_n3A_2325 masked %reduce_sum3A_2327 : vector<16xi32>, vector<16xi1> -> vector<16xi32>
      %reduce_sum3A_2329 = vector.extract %reduce_sum3A_2328[15] : i32 from vector<16xi32>
      %shift_right_arithmetic3A_2330 = arith.constant 7 : i32
      %shift_right_arithmetic3A_2331 = arith.shrsi %reduce_sum3A_2320, %shift_right_arithmetic3A_2330 : i32
      %mul3A_2332 = arith.constant 128 : i32
      %mul3A_2333 = arith.muli %shift_right_arithmetic3A_2331, %mul3A_2332 : i32
      %multiple_of3A_2334 = tpu.assume_multiple %mul3A_2333, 128 : i32
      %shift_right_arithmetic3A_2335 = arith.constant 7 : i32
      %shift_right_arithmetic3A_2336 = arith.shrsi %reduce_sum3A_2329, %shift_right_arithmetic3A_2335 : i32
      %mul3A_2337 = arith.constant 128 : i32
      %mul3A_2338 = arith.muli %shift_right_arithmetic3A_2336, %mul3A_2337 : i32
      %multiple_of3A_2339 = tpu.assume_multiple %mul3A_2338, 128 : i32
      %dma_start3A_2340 = arith.constant 5 : i32
      %dma_start3A_2341 = arith.constant 0 : i32
      %dma_start3A_2342 = arith.constant 0 : i32
      %dma_start3A_2343 = tpu.memref_slice %arg9[%dma_start3A_2340, %dma_start3A_2341, %dma_start3A_2342] : memref<8x32x128xf32, #tpu.memory_space<vmem>> -> memref<1x32x128xf32, #tpu.memory_space<vmem>>
      %dma_start3A_2344 = tpu.memref_squeeze %dma_start3A_2343 : memref<1x32x128xf32, #tpu.memory_space<vmem>> -> memref<32x128xf32, #tpu.memory_space<vmem>>
      %dma_start3A_2345 = arith.constant 0 : i32
      %dma_start3A_2346 = tpu.memref_slice %arg4[%dma_start3A_2345, %multiple_of3A_2334] : memref<32x1000000xf32, #tpu.memory_space<hbm>> -> memref<32x128xf32, #tpu.memory_space<hbm>>
      %dma_start3A_2347 = arith.constant 0 : i32
      %dma_start3A_2348 = arith.constant 0 : i32
      %dma_start3A_2349 = tpu.memref_slice %arg9[%dma_start3A_2340, %dma_start3A_2347, %dma_start3A_2348] : memref<8x32x128xf32, #tpu.memory_space<vmem>> -> memref<1x32x128xf32, #tpu.memory_space<vmem>>
      %dma_start3A_2350 = tpu.memref_squeeze %dma_start3A_2349 : memref<1x32x128xf32, #tpu.memory_space<vmem>> -> memref<32x128xf32, #tpu.memory_space<vmem>>
      %dma_start3A_2351 = arith.constant 0 : i32
      %dma_start3A_2352 = tpu.memref_slice %arg4[%dma_start3A_2351, %multiple_of3A_2334] : memref<32x1000000xf32, #tpu.memory_space<hbm>> -> memref<32x128xf32, #tpu.memory_space<hbm>>
      tpu.enqueue_dma source(%dma_start3A_2352 : memref<32x128xf32, #tpu.memory_space<hbm>>) target(%dma_start3A_2350 : memref<32x128xf32, #tpu.memory_space<vmem>>) target_semaphore(%arg17 : memref<!tpu.dma_semaphore, #tpu.memory_space<semaphore_mem>>)
      %dma_start3A_2353 = arith.constant 5 : i32
      %dma_start3A_2354 = arith.constant 0 : i32
      %dma_start3A_2355 = arith.constant 0 : i32
      %dma_start3A_2356 = tpu.memref_slice %arg10[%dma_start3A_2353, %dma_start3A_2354, %dma_start3A_2355] : memref<8x32x128xf32, #tpu.memory_space<vmem>> -> memref<1x32x128xf32, #tpu.memory_space<vmem>>
      %dma_start3A_2357 = tpu.memref_squeeze %dma_start3A_2356 : memref<1x32x128xf32, #tpu.memory_space<vmem>> -> memref<32x128xf32, #tpu.memory_space<vmem>>
      %dma_start3A_2358 = arith.constant 0 : i32
      %dma_start3A_2359 = tpu.memref_slice %arg5[%dma_start3A_2358, %multiple_of3A_2339] : memref<32x1000000xf32, #tpu.memory_space<hbm>> -> memref<32x128xf32, #tpu.memory_space<hbm>>
      %dma_start3A_2360 = arith.constant 0 : i32
      %dma_start3A_2361 = arith.constant 0 : i32
      %dma_start3A_2362 = tpu.memref_slice %arg10[%dma_start3A_2353, %dma_start3A_2360, %dma_start3A_2361] : memref<8x32x128xf32, #tpu.memory_space<vmem>> -> memref<1x32x128xf32, #tpu.memory_space<vmem>>
      %dma_start3A_2363 = tpu.memref_squeeze %dma_start3A_2362 : memref<1x32x128xf32, #tpu.memory_space<vmem>> -> memref<32x128xf32, #tpu.memory_space<vmem>>
      %dma_start3A_2364 = arith.constant 0 : i32
      %dma_start3A_2365 = tpu.memref_slice %arg5[%dma_start3A_2364, %multiple_of3A_2339] : memref<32x1000000xf32, #tpu.memory_space<hbm>> -> memref<32x128xf32, #tpu.memory_space<hbm>>
      tpu.enqueue_dma source(%dma_start3A_2365 : memref<32x128xf32, #tpu.memory_space<hbm>>) target(%dma_start3A_2363 : memref<32x128xf32, #tpu.memory_space<vmem>>) target_semaphore(%arg25 : memref<!tpu.dma_semaphore, #tpu.memory_space<semaphore_mem>>)
      %jit3A_2366 = arith.constant 2 : i32
      %eq3A_2367 = arith.constant 0 : i32
      %eq3A_2368 = arith.cmpi eq, %jit3A_2366, %eq3A_2367 : i32
      %jit3A_2369 = arith.constant 1 : i32
      %select_n3A_2370 = arith.select %eq3A_2368, %jit3A_2369, %jit3A_2366 : i32
      %rem3A_2371 = arith.remsi %scan3A_1096, %select_n3A_2370 : i32
      %ne3A_2372 = arith.constant 0 : i32
      %ne3A_2373 = arith.cmpi ne, %rem3A_2371, %ne3A_2372 : i32
      %lt3A_2374 = arith.constant 0 : i32
      %lt3A_2375 = arith.cmpi slt, %rem3A_2371, %lt3A_2374 : i32
      %lt3A_2376 = arith.constant 0 : i32
      %lt3A_2377 = arith.cmpi slt, %select_n3A_2370, %lt3A_2376 : i32
      %ne3A_2378 = arith.xori %lt3A_2375, %lt3A_2377 : i1
      %and3A_2379 = arith.andi %ne3A_2378, %ne3A_2373 : i1
      %add3A_2380 = arith.addi %rem3A_2371, %select_n3A_2370 : i32
      %select_n3A_2381 = arith.select %and3A_2379, %add3A_2380, %rem3A_2371 : i32
      %mul3A_2382 = arith.constant 8 : i32
      %mul3A_2383 = arith.muli %mul3A_2382, %select_n3A_2381 : i32
      %add3A_2384 = arith.constant 6 : i32
      %add3A_2385 = arith.addi %mul3A_2383, %add3A_2384 : i32
      %get3A_2386 = arith.index_cast %multiple_of3A_1123 : i32 to index
      %get3A_2387 = tpu.vector_load %arg7[%get3A_2386] {strides = array<i32>} : memref<512xi32, #tpu.memory_space<vmem>>, vector<16xi32>,
      %get3A_2388 = arith.index_cast %multiple_of3A_1123 : i32 to index
      %get3A_2389 = tpu.vector_load %arg8[%get3A_2388] {strides = array<i32>} : memref<512xi32, #tpu.memory_space<vmem>>, vector<16xi32>,
      %broadcast_in_dim3A_2390 = vector.broadcast %add3A_2385 : i32 to vector<16xi32>
      %eq3A_2391 = arith.cmpi eq, %iota3A, %broadcast_in_dim3A_2390 : vector<16xi32>
      %jit3A_2392 = arith.constant 0 : i32
      %broadcast_in_dim3A_2393 = vector.broadcast %jit3A_2392 : i32 to vector<16xi32>
      %select_n3A_2394 = arith.select %eq3A_2391, %get3A_2387, %broadcast_in_dim3A_2393 : vector<16xi1>, vector<16xi32>
      %reduce_sum3A_2395 = arith.constant true
      %reduce_sum3A_2396 = vector.broadcast %reduce_sum3A_2395 : i1 to vector<16xi1>
      %reduce_sum3A_2397 = tpu.scan <sum>, %select_n3A_2394 masked %reduce_sum3A_2396 : vector<16xi32>, vector<16xi1> -> vector<16xi32>
      %reduce_sum3A_2398 = vector.extract %reduce_sum3A_2397[15] : i32 from vector<16xi32>
      %broadcast_in_dim3A_2399 = vector.broadcast %add3A_2385 : i32 to vector<16xi32>
      %eq3A_2400 = arith.cmpi eq, %iota3A, %broadcast_in_dim3A_2399 : vector<16xi32>
      %jit3A_2401 = arith.constant 0 : i32
      %broadcast_in_dim3A_2402 = vector.broadcast %jit3A_2401 : i32 to vector<16xi32>
      %select_n3A_2403 = arith.select %eq3A_2400, %get3A_2389, %broadcast_in_dim3A_2402 : vector<16xi1>, vector<16xi32>
      %reduce_sum3A_2404 = arith.constant true
      %reduce_sum3A_2405 = vector.broadcast %reduce_sum3A_2404 : i1 to vector<16xi1>
      %reduce_sum3A_2406 = tpu.scan <sum>, %select_n3A_2403 masked %reduce_sum3A_2405 : vector<16xi32>, vector<16xi1> -> vector<16xi32>
      %reduce_sum3A_2407 = vector.extract %reduce_sum3A_2406[15] : i32 from vector<16xi32>
      %and3A_2408 = arith.constant 127 : i32
      %and3A_2409 = arith.andi %reduce_sum3A_2398, %and3A_2408 : i32
      %broadcast_in_dim3A_2410 = vector.broadcast %and3A_2409 : i32 to vector<16xi32>
      %and3A_2411 = arith.constant 127 : i32
      %and3A_2412 = arith.andi %reduce_sum3A_2407, %and3A_2411 : i32
      %broadcast_in_dim3A_2413 = vector.broadcast %and3A_2412 : i32 to vector<16xi32>
      %broadcast_in_dim3A_2414 = arith.constant 6 : i32
      %broadcast_in_dim3A_2415 = vector.broadcast %broadcast_in_dim3A_2414 : i32 to vector<16xi32>
      %dma_wait3A_2416 = arith.constant 6 : i32
      %dma_wait3A_2417 = arith.constant 0 : i32
      %dma_wait3A_2418 = arith.constant 0 : i32
      %dma_wait3A_2419 = tpu.memref_slice %arg9[%dma_wait3A_2416, %dma_wait3A_2417, %dma_wait3A_2418] : memref<8x32x128xf32, #tpu.memory_space<vmem>> -> memref<1x32x128xf32, #tpu.memory_space<vmem>>
      %dma_wait3A_2420 = tpu.memref_squeeze %dma_wait3A_2419 : memref<1x32x128xf32, #tpu.memory_space<vmem>> -> memref<32x128xf32, #tpu.memory_space<vmem>>
      %dma_wait3A_2421 = arith.constant 0 : i32
      %dma_wait3A_2422 = arith.constant 0 : i32
      %dma_wait3A_2423 = tpu.memref_slice %arg4[%dma_wait3A_2421, %dma_wait3A_2422] : memref<32x1000000xf32, #tpu.memory_space<hbm>> -> memref<32x128xf32, #tpu.memory_space<hbm>>
      %dma_wait3A_2424 = arith.constant 0 : i32
      %dma_wait3A_2425 = arith.constant 0 : i32
      %dma_wait3A_2426 = tpu.memref_slice %arg9[%dma_wait3A_2416, %dma_wait3A_2424, %dma_wait3A_2425] : memref<8x32x128xf32, #tpu.memory_space<vmem>> -> memref<1x32x128xf32, #tpu.memory_space<vmem>>
      %dma_wait3A_2427 = tpu.memref_squeeze %dma_wait3A_2426 : memref<1x32x128xf32, #tpu.memory_space<vmem>> -> memref<32x128xf32, #tpu.memory_space<vmem>>
      %dma_wait3A_2428 = arith.constant 0 : i32
      %dma_wait3A_2429 = arith.constant 0 : i32
      %dma_wait3A_2430 = tpu.memref_slice %arg4[%dma_wait3A_2428, %dma_wait3A_2429] : memref<32x1000000xf32, #tpu.memory_space<hbm>> -> memref<32x128xf32, #tpu.memory_space<hbm>>
      tpu.wait_dma2 semaphore(%arg18 : memref<!tpu.dma_semaphore, #tpu.memory_space<semaphore_mem>>) src(%dma_wait3A_2430 : memref<32x128xf32, #tpu.memory_space<hbm>>) dst(%dma_wait3A_2427 : memref<32x128xf32, #tpu.memory_space<vmem>>)
      %dma_wait3A_2431 = arith.constant 6 : i32
      %dma_wait3A_2432 = arith.constant 0 : i32
      %dma_wait3A_2433 = arith.constant 0 : i32
      %dma_wait3A_2434 = tpu.memref_slice %arg10[%dma_wait3A_2431, %dma_wait3A_2432, %dma_wait3A_2433] : memref<8x32x128xf32, #tpu.memory_space<vmem>> -> memref<1x32x128xf32, #tpu.memory_space<vmem>>
      %dma_wait3A_2435 = tpu.memref_squeeze %dma_wait3A_2434 : memref<1x32x128xf32, #tpu.memory_space<vmem>> -> memref<32x128xf32, #tpu.memory_space<vmem>>
      %dma_wait3A_2436 = arith.constant 0 : i32
      %dma_wait3A_2437 = arith.constant 0 : i32
      %dma_wait3A_2438 = tpu.memref_slice %arg5[%dma_wait3A_2436, %dma_wait3A_2437] : memref<32x1000000xf32, #tpu.memory_space<hbm>> -> memref<32x128xf32, #tpu.memory_space<hbm>>
      %dma_wait3A_2439 = arith.constant 0 : i32
      %dma_wait3A_2440 = arith.constant 0 : i32
      %dma_wait3A_2441 = tpu.memref_slice %arg10[%dma_wait3A_2431, %dma_wait3A_2439, %dma_wait3A_2440] : memref<8x32x128xf32, #tpu.memory_space<vmem>> -> memref<1x32x128xf32, #tpu.memory_space<vmem>>
      %dma_wait3A_2442 = tpu.memref_squeeze %dma_wait3A_2441 : memref<1x32x128xf32, #tpu.memory_space<vmem>> -> memref<32x128xf32, #tpu.memory_space<vmem>>
      %dma_wait3A_2443 = arith.constant 0 : i32
      %dma_wait3A_2444 = arith.constant 0 : i32
      %dma_wait3A_2445 = tpu.memref_slice %arg5[%dma_wait3A_2443, %dma_wait3A_2444] : memref<32x1000000xf32, #tpu.memory_space<hbm>> -> memref<32x128xf32, #tpu.memory_space<hbm>>
      tpu.wait_dma2 semaphore(%arg26 : memref<!tpu.dma_semaphore, #tpu.memory_space<semaphore_mem>>) src(%dma_wait3A_2445 : memref<32x128xf32, #tpu.memory_space<hbm>>) dst(%dma_wait3A_2442 : memref<32x128xf32, #tpu.memory_space<vmem>>)
      %gather3A_2446 = tpu.vector_load_idx %arg9[%broadcast_in_dim3A_2415, %iota3A, %broadcast_in_dim3A_2410] : memref<8x32x128xf32, #tpu.memory_space<vmem>>[vector<16xi32>, vector<16xi32>, vector<16xi32>], vector<16xf32>,
      %gather3A_2447 = tpu.vector_load_idx %arg9[%broadcast_in_dim3A_2415, %add3A_5, %broadcast_in_dim3A_2410] : memref<8x32x128xf32, #tpu.memory_space<vmem>>[vector<16xi32>, vector<16xi32>, vector<16xi32>], vector<16xf32>,
      %gather3A_2448 = tpu.vector_load_idx %arg10[%broadcast_in_dim3A_2415, %iota3A, %broadcast_in_dim3A_2413] : memref<8x32x128xf32, #tpu.memory_space<vmem>>[vector<16xi32>, vector<16xi32>, vector<16xi32>], vector<16xf32>,
      %gather3A_2449 = tpu.vector_load_idx %arg10[%broadcast_in_dim3A_2415, %add3A_5, %broadcast_in_dim3A_2413] : memref<8x32x128xf32, #tpu.memory_space<vmem>>[vector<16xi32>, vector<16xi32>, vector<16xi32>], vector<16xf32>,
      %mul3A_2450 = arith.mulf %gather3A_2446, %gather3A_2448 : vector<16xf32>
      %mul3A_2451 = arith.mulf %gather3A_2447, %gather3A_2449 : vector<16xf32>
      %add3A_2452 = arith.addf %mul3A_2450, %mul3A_2451 : vector<16xf32>
      %reduce_sum3A_2453 = arith.constant true
      %reduce_sum3A_2454 = vector.broadcast %reduce_sum3A_2453 : i1 to vector<16xi1>
      %reduce_sum3A_2455 = tpu.scan <sum>, %add3A_2452 masked %reduce_sum3A_2454 : vector<16xf32>, vector<16xi1> -> vector<16xf32>
      %reduce_sum3A_2456 = vector.extract %reduce_sum3A_2455[15] : f32 from vector<16xf32>
      %broadcast_in_dim3A_2457 = vector.broadcast %add3A_2385 : i32 to vector<16xi32>
      %eq3A_2458 = arith.cmpi eq, %iota3A, %broadcast_in_dim3A_2457 : vector<16xi32>
      %broadcast_in_dim3A_2459 = vector.broadcast %reduce_sum3A_2456 : f32 to vector<16xf32>
      %jit3A_2460 = arith.constant 0.000000e+00 : f32
      %broadcast_in_dim3A_2461 = vector.broadcast %jit3A_2460 : f32 to vector<16xf32>
      %select_n3A_2462 = arith.select %eq3A_2458, %broadcast_in_dim3A_2459, %broadcast_in_dim3A_2461 : vector<16xi1>, vector<16xf32>
      %add3A_2463 = arith.addf %add3A_2256, %select_n3A_2462 : vector<16xf32>
      %add3A_2464 = arith.constant 1 : i32
      %add3A_2465 = arith.addi %scan3A_1096, %add3A_2464 : i32
      %min3A_2466 = arith.constant 63 : i32
      %min3A_2467 = arith.minsi %add3A_2465, %min3A_2466 : i32
      %jit3A_2468 = arith.constant 2 : i32
      %div3A_2469 = arith.divsi %min3A_2467, %jit3A_2468 : i32
      %sign3A_2470 = arith.constant 0 : i32
      %sign3A_2471 = arith.cmpi sgt, %min3A_2467, %sign3A_2470 : i32
      %sign3A_2472 = arith.extui %sign3A_2471 : i1 to i32
      %sign3A_2473 = arith.constant 0 : i32
      %sign3A_2474 = arith.cmpi slt, %min3A_2467, %sign3A_2473 : i32
      %sign3A_2475 = arith.extui %sign3A_2474 : i1 to i32
      %sign3A_2476 = arith.subi %sign3A_2472, %sign3A_2475 : i32
      %sign3A_2477 = arith.constant 0 : i32
      %sign3A_2478 = arith.cmpi sgt, %jit3A_2468, %sign3A_2477 : i32
      %sign3A_2479 = arith.extui %sign3A_2478 : i1 to i32
      %sign3A_2480 = arith.constant 0 : i32
      %sign3A_2481 = arith.cmpi slt, %jit3A_2468, %sign3A_2480 : i32
      %sign3A_2482 = arith.extui %sign3A_2481 : i1 to i32
      %sign3A_2483 = arith.subi %sign3A_2479, %sign3A_2482 : i32
      %ne3A_2484 = arith.cmpi ne, %sign3A_2476, %sign3A_2483 : i32
      %rem3A_2485 = arith.remsi %min3A_2467, %jit3A_2468 : i32
      %ne3A_2486 = arith.constant 0 : i32
      %ne3A_2487 = arith.cmpi ne, %rem3A_2485, %ne3A_2486 : i32
      %and3A_2488 = arith.andi %ne3A_2484, %ne3A_2487 : i1
      %sub3A_2489 = arith.constant 1 : i32
      %sub3A_2490 = arith.subi %div3A_2469, %sub3A_2489 : i32
      %select_n3A_2491 = arith.select %and3A_2488, %sub3A_2490, %div3A_2469 : i32
      %mul3A_2492 = arith.constant 16 : i32
      %mul3A_2493 = arith.muli %select_n3A_2491, %mul3A_2492 : i32
      %multiple_of3A_2494 = tpu.assume_multiple %mul3A_2493, 16 : i32
      %jit3A_2495 = arith.constant 2 : i32
      %eq3A_2496 = arith.constant 0 : i32
      %eq3A_2497 = arith.cmpi eq, %jit3A_2495, %eq3A_2496 : i32
      %jit3A_2498 = arith.constant 1 : i32
      %select_n3A_2499 = arith.select %eq3A_2497, %jit3A_2498, %jit3A_2495 : i32
      %rem3A_2500 = arith.remsi %min3A_2467, %select_n3A_2499 : i32
      %ne3A_2501 = arith.constant 0 : i32
      %ne3A_2502 = arith.cmpi ne, %rem3A_2500, %ne3A_2501 : i32
      %lt3A_2503 = arith.constant 0 : i32
      %lt3A_2504 = arith.cmpi slt, %rem3A_2500, %lt3A_2503 : i32
      %lt3A_2505 = arith.constant 0 : i32
      %lt3A_2506 = arith.cmpi slt, %select_n3A_2499, %lt3A_2505 : i32
      %ne3A_2507 = arith.xori %lt3A_2504, %lt3A_2506 : i1
      %and3A_2508 = arith.andi %ne3A_2507, %ne3A_2502 : i1
      %add3A_2509 = arith.addi %rem3A_2500, %select_n3A_2499 : i32
      %select_n3A_2510 = arith.select %and3A_2508, %add3A_2509, %rem3A_2500 : i32
      %mul3A_2511 = arith.constant 8 : i32
      %mul3A_2512 = arith.muli %mul3A_2511, %select_n3A_2510 : i32
      %add3A_2513 = arith.constant 6 : i32
      %add3A_2514 = arith.addi %mul3A_2512, %add3A_2513 : i32
      %get3A_2515 = arith.index_cast %multiple_of3A_2494 : i32 to index
      %get3A_2516 = tpu.vector_load %arg7[%get3A_2515] {strides = array<i32>} : memref<512xi32, #tpu.memory_space<vmem>>, vector<16xi32>,
      %get3A_2517 = arith.index_cast %multiple_of3A_2494 : i32 to index
      %get3A_2518 = tpu.vector_load %arg8[%get3A_2517] {strides = array<i32>} : memref<512xi32, #tpu.memory_space<vmem>>, vector<16xi32>,
      %broadcast_in_dim3A_2519 = vector.broadcast %add3A_2514 : i32 to vector<16xi32>
      %eq3A_2520 = arith.cmpi eq, %iota3A, %broadcast_in_dim3A_2519 : vector<16xi32>
      %jit3A_2521 = arith.constant 0 : i32
      %broadcast_in_dim3A_2522 = vector.broadcast %jit3A_2521 : i32 to vector<16xi32>
      %select_n3A_2523 = arith.select %eq3A_2520, %get3A_2516, %broadcast_in_dim3A_2522 : vector<16xi1>, vector<16xi32>
      %reduce_sum3A_2524 = arith.constant true
      %reduce_sum3A_2525 = vector.broadcast %reduce_sum3A_2524 : i1 to vector<16xi1>
      %reduce_sum3A_2526 = tpu.scan <sum>, %select_n3A_2523 masked %reduce_sum3A_2525 : vector<16xi32>, vector<16xi1> -> vector<16xi32>
      %reduce_sum3A_2527 = vector.extract %reduce_sum3A_2526[15] : i32 from vector<16xi32>
      %broadcast_in_dim3A_2528 = vector.broadcast %add3A_2514 : i32 to vector<16xi32>
      %eq3A_2529 = arith.cmpi eq, %iota3A, %broadcast_in_dim3A_2528 : vector<16xi32>
      %jit3A_2530 = arith.constant 0 : i32
      %broadcast_in_dim3A_2531 = vector.broadcast %jit3A_2530 : i32 to vector<16xi32>
      %select_n3A_2532 = arith.select %eq3A_2529, %get3A_2518, %broadcast_in_dim3A_2531 : vector<16xi1>, vector<16xi32>
      %reduce_sum3A_2533 = arith.constant true
      %reduce_sum3A_2534 = vector.broadcast %reduce_sum3A_2533 : i1 to vector<16xi1>
      %reduce_sum3A_2535 = tpu.scan <sum>, %select_n3A_2532 masked %reduce_sum3A_2534 : vector<16xi32>, vector<16xi1> -> vector<16xi32>
      %reduce_sum3A_2536 = vector.extract %reduce_sum3A_2535[15] : i32 from vector<16xi32>
      %shift_right_arithmetic3A_2537 = arith.constant 7 : i32
      %shift_right_arithmetic3A_2538 = arith.shrsi %reduce_sum3A_2527, %shift_right_arithmetic3A_2537 : i32
      %mul3A_2539 = arith.constant 128 : i32
      %mul3A_2540 = arith.muli %shift_right_arithmetic3A_2538, %mul3A_2539 : i32
      %multiple_of3A_2541 = tpu.assume_multiple %mul3A_2540, 128 : i32
      %shift_right_arithmetic3A_2542 = arith.constant 7 : i32
      %shift_right_arithmetic3A_2543 = arith.shrsi %reduce_sum3A_2536, %shift_right_arithmetic3A_2542 : i32
      %mul3A_2544 = arith.constant 128 : i32
      %mul3A_2545 = arith.muli %shift_right_arithmetic3A_2543, %mul3A_2544 : i32
      %multiple_of3A_2546 = tpu.assume_multiple %mul3A_2545, 128 : i32
      %dma_start3A_2547 = arith.constant 6 : i32
      %dma_start3A_2548 = arith.constant 0 : i32
      %dma_start3A_2549 = arith.constant 0 : i32
      %dma_start3A_2550 = tpu.memref_slice %arg9[%dma_start3A_2547, %dma_start3A_2548, %dma_start3A_2549] : memref<8x32x128xf32, #tpu.memory_space<vmem>> -> memref<1x32x128xf32, #tpu.memory_space<vmem>>
      %dma_start3A_2551 = tpu.memref_squeeze %dma_start3A_2550 : memref<1x32x128xf32, #tpu.memory_space<vmem>> -> memref<32x128xf32, #tpu.memory_space<vmem>>
      %dma_start3A_2552 = arith.constant 0 : i32
      %dma_start3A_2553 = tpu.memref_slice %arg4[%dma_start3A_2552, %multiple_of3A_2541] : memref<32x1000000xf32, #tpu.memory_space<hbm>> -> memref<32x128xf32, #tpu.memory_space<hbm>>
      %dma_start3A_2554 = arith.constant 0 : i32
      %dma_start3A_2555 = arith.constant 0 : i32
      %dma_start3A_2556 = tpu.memref_slice %arg9[%dma_start3A_2547, %dma_start3A_2554, %dma_start3A_2555] : memref<8x32x128xf32, #tpu.memory_space<vmem>> -> memref<1x32x128xf32, #tpu.memory_space<vmem>>
      %dma_start3A_2557 = tpu.memref_squeeze %dma_start3A_2556 : memref<1x32x128xf32, #tpu.memory_space<vmem>> -> memref<32x128xf32, #tpu.memory_space<vmem>>
      %dma_start3A_2558 = arith.constant 0 : i32
      %dma_start3A_2559 = tpu.memref_slice %arg4[%dma_start3A_2558, %multiple_of3A_2541] : memref<32x1000000xf32, #tpu.memory_space<hbm>> -> memref<32x128xf32, #tpu.memory_space<hbm>>
      tpu.enqueue_dma source(%dma_start3A_2559 : memref<32x128xf32, #tpu.memory_space<hbm>>) target(%dma_start3A_2557 : memref<32x128xf32, #tpu.memory_space<vmem>>) target_semaphore(%arg18 : memref<!tpu.dma_semaphore, #tpu.memory_space<semaphore_mem>>)
      %dma_start3A_2560 = arith.constant 6 : i32
      %dma_start3A_2561 = arith.constant 0 : i32
      %dma_start3A_2562 = arith.constant 0 : i32
      %dma_start3A_2563 = tpu.memref_slice %arg10[%dma_start3A_2560, %dma_start3A_2561, %dma_start3A_2562] : memref<8x32x128xf32, #tpu.memory_space<vmem>> -> memref<1x32x128xf32, #tpu.memory_space<vmem>>
      %dma_start3A_2564 = tpu.memref_squeeze %dma_start3A_2563 : memref<1x32x128xf32, #tpu.memory_space<vmem>> -> memref<32x128xf32, #tpu.memory_space<vmem>>
      %dma_start3A_2565 = arith.constant 0 : i32
      %dma_start3A_2566 = tpu.memref_slice %arg5[%dma_start3A_2565, %multiple_of3A_2546] : memref<32x1000000xf32, #tpu.memory_space<hbm>> -> memref<32x128xf32, #tpu.memory_space<hbm>>
      %dma_start3A_2567 = arith.constant 0 : i32
      %dma_start3A_2568 = arith.constant 0 : i32
      %dma_start3A_2569 = tpu.memref_slice %arg10[%dma_start3A_2560, %dma_start3A_2567, %dma_start3A_2568] : memref<8x32x128xf32, #tpu.memory_space<vmem>> -> memref<1x32x128xf32, #tpu.memory_space<vmem>>
      %dma_start3A_2570 = tpu.memref_squeeze %dma_start3A_2569 : memref<1x32x128xf32, #tpu.memory_space<vmem>> -> memref<32x128xf32, #tpu.memory_space<vmem>>
      %dma_start3A_2571 = arith.constant 0 : i32
      %dma_start3A_2572 = tpu.memref_slice %arg5[%dma_start3A_2571, %multiple_of3A_2546] : memref<32x1000000xf32, #tpu.memory_space<hbm>> -> memref<32x128xf32, #tpu.memory_space<hbm>>
      tpu.enqueue_dma source(%dma_start3A_2572 : memref<32x128xf32, #tpu.memory_space<hbm>>) target(%dma_start3A_2570 : memref<32x128xf32, #tpu.memory_space<vmem>>) target_semaphore(%arg26 : memref<!tpu.dma_semaphore, #tpu.memory_space<semaphore_mem>>)
      %jit3A_2573 = arith.constant 2 : i32
      %eq3A_2574 = arith.constant 0 : i32
      %eq3A_2575 = arith.cmpi eq, %jit3A_2573, %eq3A_2574 : i32
      %jit3A_2576 = arith.constant 1 : i32
      %select_n3A_2577 = arith.select %eq3A_2575, %jit3A_2576, %jit3A_2573 : i32
      %rem3A_2578 = arith.remsi %scan3A_1096, %select_n3A_2577 : i32
      %ne3A_2579 = arith.constant 0 : i32
      %ne3A_2580 = arith.cmpi ne, %rem3A_2578, %ne3A_2579 : i32
      %lt3A_2581 = arith.constant 0 : i32
      %lt3A_2582 = arith.cmpi slt, %rem3A_2578, %lt3A_2581 : i32
      %lt3A_2583 = arith.constant 0 : i32
      %lt3A_2584 = arith.cmpi slt, %select_n3A_2577, %lt3A_2583 : i32
      %ne3A_2585 = arith.xori %lt3A_2582, %lt3A_2584 : i1
      %and3A_2586 = arith.andi %ne3A_2585, %ne3A_2580 : i1
      %add3A_2587 = arith.addi %rem3A_2578, %select_n3A_2577 : i32
      %select_n3A_2588 = arith.select %and3A_2586, %add3A_2587, %rem3A_2578 : i32
      %mul3A_2589 = arith.constant 8 : i32
      %mul3A_2590 = arith.muli %mul3A_2589, %select_n3A_2588 : i32
      %add3A_2591 = arith.constant 7 : i32
      %add3A_2592 = arith.addi %mul3A_2590, %add3A_2591 : i32
      %get3A_2593 = arith.index_cast %multiple_of3A_1123 : i32 to index
      %get3A_2594 = tpu.vector_load %arg7[%get3A_2593] {strides = array<i32>} : memref<512xi32, #tpu.memory_space<vmem>>, vector<16xi32>,
      %get3A_2595 = arith.index_cast %multiple_of3A_1123 : i32 to index
      %get3A_2596 = tpu.vector_load %arg8[%get3A_2595] {strides = array<i32>} : memref<512xi32, #tpu.memory_space<vmem>>, vector<16xi32>,
      %broadcast_in_dim3A_2597 = vector.broadcast %add3A_2592 : i32 to vector<16xi32>
      %eq3A_2598 = arith.cmpi eq, %iota3A, %broadcast_in_dim3A_2597 : vector<16xi32>
      %jit3A_2599 = arith.constant 0 : i32
      %broadcast_in_dim3A_2600 = vector.broadcast %jit3A_2599 : i32 to vector<16xi32>
      %select_n3A_2601 = arith.select %eq3A_2598, %get3A_2594, %broadcast_in_dim3A_2600 : vector<16xi1>, vector<16xi32>
      %reduce_sum3A_2602 = arith.constant true
      %reduce_sum3A_2603 = vector.broadcast %reduce_sum3A_2602 : i1 to vector<16xi1>
      %reduce_sum3A_2604 = tpu.scan <sum>, %select_n3A_2601 masked %reduce_sum3A_2603 : vector<16xi32>, vector<16xi1> -> vector<16xi32>
      %reduce_sum3A_2605 = vector.extract %reduce_sum3A_2604[15] : i32 from vector<16xi32>
      %broadcast_in_dim3A_2606 = vector.broadcast %add3A_2592 : i32 to vector<16xi32>
      %eq3A_2607 = arith.cmpi eq, %iota3A, %broadcast_in_dim3A_2606 : vector<16xi32>
      %jit3A_2608 = arith.constant 0 : i32
      %broadcast_in_dim3A_2609 = vector.broadcast %jit3A_2608 : i32 to vector<16xi32>
      %select_n3A_2610 = arith.select %eq3A_2607, %get3A_2596, %broadcast_in_dim3A_2609 : vector<16xi1>, vector<16xi32>
      %reduce_sum3A_2611 = arith.constant true
      %reduce_sum3A_2612 = vector.broadcast %reduce_sum3A_2611 : i1 to vector<16xi1>
      %reduce_sum3A_2613 = tpu.scan <sum>, %select_n3A_2610 masked %reduce_sum3A_2612 : vector<16xi32>, vector<16xi1> -> vector<16xi32>
      %reduce_sum3A_2614 = vector.extract %reduce_sum3A_2613[15] : i32 from vector<16xi32>
      %and3A_2615 = arith.constant 127 : i32
      %and3A_2616 = arith.andi %reduce_sum3A_2605, %and3A_2615 : i32
      %broadcast_in_dim3A_2617 = vector.broadcast %and3A_2616 : i32 to vector<16xi32>
      %and3A_2618 = arith.constant 127 : i32
      %and3A_2619 = arith.andi %reduce_sum3A_2614, %and3A_2618 : i32
      %broadcast_in_dim3A_2620 = vector.broadcast %and3A_2619 : i32 to vector<16xi32>
      %broadcast_in_dim3A_2621 = arith.constant 7 : i32
      %broadcast_in_dim3A_2622 = vector.broadcast %broadcast_in_dim3A_2621 : i32 to vector<16xi32>
      %dma_wait3A_2623 = arith.constant 7 : i32
      %dma_wait3A_2624 = arith.constant 0 : i32
      %dma_wait3A_2625 = arith.constant 0 : i32
      %dma_wait3A_2626 = tpu.memref_slice %arg9[%dma_wait3A_2623, %dma_wait3A_2624, %dma_wait3A_2625] : memref<8x32x128xf32, #tpu.memory_space<vmem>> -> memref<1x32x128xf32, #tpu.memory_space<vmem>>
      %dma_wait3A_2627 = tpu.memref_squeeze %dma_wait3A_2626 : memref<1x32x128xf32, #tpu.memory_space<vmem>> -> memref<32x128xf32, #tpu.memory_space<vmem>>
      %dma_wait3A_2628 = arith.constant 0 : i32
      %dma_wait3A_2629 = arith.constant 0 : i32
      %dma_wait3A_2630 = tpu.memref_slice %arg4[%dma_wait3A_2628, %dma_wait3A_2629] : memref<32x1000000xf32, #tpu.memory_space<hbm>> -> memref<32x128xf32, #tpu.memory_space<hbm>>
      %dma_wait3A_2631 = arith.constant 0 : i32
      %dma_wait3A_2632 = arith.constant 0 : i32
      %dma_wait3A_2633 = tpu.memref_slice %arg9[%dma_wait3A_2623, %dma_wait3A_2631, %dma_wait3A_2632] : memref<8x32x128xf32, #tpu.memory_space<vmem>> -> memref<1x32x128xf32, #tpu.memory_space<vmem>>
      %dma_wait3A_2634 = tpu.memref_squeeze %dma_wait3A_2633 : memref<1x32x128xf32, #tpu.memory_space<vmem>> -> memref<32x128xf32, #tpu.memory_space<vmem>>
      %dma_wait3A_2635 = arith.constant 0 : i32
      %dma_wait3A_2636 = arith.constant 0 : i32
      %dma_wait3A_2637 = tpu.memref_slice %arg4[%dma_wait3A_2635, %dma_wait3A_2636] : memref<32x1000000xf32, #tpu.memory_space<hbm>> -> memref<32x128xf32, #tpu.memory_space<hbm>>
      tpu.wait_dma2 semaphore(%arg19 : memref<!tpu.dma_semaphore, #tpu.memory_space<semaphore_mem>>) src(%dma_wait3A_2637 : memref<32x128xf32, #tpu.memory_space<hbm>>) dst(%dma_wait3A_2634 : memref<32x128xf32, #tpu.memory_space<vmem>>)
      %dma_wait3A_2638 = arith.constant 7 : i32
      %dma_wait3A_2639 = arith.constant 0 : i32
      %dma_wait3A_2640 = arith.constant 0 : i32
      %dma_wait3A_2641 = tpu.memref_slice %arg10[%dma_wait3A_2638, %dma_wait3A_2639, %dma_wait3A_2640] : memref<8x32x128xf32, #tpu.memory_space<vmem>> -> memref<1x32x128xf32, #tpu.memory_space<vmem>>
      %dma_wait3A_2642 = tpu.memref_squeeze %dma_wait3A_2641 : memref<1x32x128xf32, #tpu.memory_space<vmem>> -> memref<32x128xf32, #tpu.memory_space<vmem>>
      %dma_wait3A_2643 = arith.constant 0 : i32
      %dma_wait3A_2644 = arith.constant 0 : i32
      %dma_wait3A_2645 = tpu.memref_slice %arg5[%dma_wait3A_2643, %dma_wait3A_2644] : memref<32x1000000xf32, #tpu.memory_space<hbm>> -> memref<32x128xf32, #tpu.memory_space<hbm>>
      %dma_wait3A_2646 = arith.constant 0 : i32
      %dma_wait3A_2647 = arith.constant 0 : i32
      %dma_wait3A_2648 = tpu.memref_slice %arg10[%dma_wait3A_2638, %dma_wait3A_2646, %dma_wait3A_2647] : memref<8x32x128xf32, #tpu.memory_space<vmem>> -> memref<1x32x128xf32, #tpu.memory_space<vmem>>
      %dma_wait3A_2649 = tpu.memref_squeeze %dma_wait3A_2648 : memref<1x32x128xf32, #tpu.memory_space<vmem>> -> memref<32x128xf32, #tpu.memory_space<vmem>>
      %dma_wait3A_2650 = arith.constant 0 : i32
      %dma_wait3A_2651 = arith.constant 0 : i32
      %dma_wait3A_2652 = tpu.memref_slice %arg5[%dma_wait3A_2650, %dma_wait3A_2651] : memref<32x1000000xf32, #tpu.memory_space<hbm>> -> memref<32x128xf32, #tpu.memory_space<hbm>>
      tpu.wait_dma2 semaphore(%arg27 : memref<!tpu.dma_semaphore, #tpu.memory_space<semaphore_mem>>) src(%dma_wait3A_2652 : memref<32x128xf32, #tpu.memory_space<hbm>>) dst(%dma_wait3A_2649 : memref<32x128xf32, #tpu.memory_space<vmem>>)
      %gather3A_2653 = tpu.vector_load_idx %arg9[%broadcast_in_dim3A_2622, %iota3A, %broadcast_in_dim3A_2617] : memref<8x32x128xf32, #tpu.memory_space<vmem>>[vector<16xi32>, vector<16xi32>, vector<16xi32>], vector<16xf32>,
      %gather3A_2654 = tpu.vector_load_idx %arg9[%broadcast_in_dim3A_2622, %add3A_5, %broadcast_in_dim3A_2617] : memref<8x32x128xf32, #tpu.memory_space<vmem>>[vector<16xi32>, vector<16xi32>, vector<16xi32>], vector<16xf32>,
      %gather3A_2655 = tpu.vector_load_idx %arg10[%broadcast_in_dim3A_2622, %iota3A, %broadcast_in_dim3A_2620] : memref<8x32x128xf32, #tpu.memory_space<vmem>>[vector<16xi32>, vector<16xi32>, vector<16xi32>], vector<16xf32>,
      %gather3A_2656 = tpu.vector_load_idx %arg10[%broadcast_in_dim3A_2622, %add3A_5, %broadcast_in_dim3A_2620] : memref<8x32x128xf32, #tpu.memory_space<vmem>>[vector<16xi32>, vector<16xi32>, vector<16xi32>], vector<16xf32>,
      %mul3A_2657 = arith.mulf %gather3A_2653, %gather3A_2655 : vector<16xf32>
      %mul3A_2658 = arith.mulf %gather3A_2654, %gather3A_2656 : vector<16xf32>
      %add3A_2659 = arith.addf %mul3A_2657, %mul3A_2658 : vector<16xf32>
      %reduce_sum3A_2660 = arith.constant true
      %reduce_sum3A_2661 = vector.broadcast %reduce_sum3A_2660 : i1 to vector<16xi1>
      %reduce_sum3A_2662 = tpu.scan <sum>, %add3A_2659 masked %reduce_sum3A_2661 : vector<16xf32>, vector<16xi1> -> vector<16xf32>
      %reduce_sum3A_2663 = vector.extract %reduce_sum3A_2662[15] : f32 from vector<16xf32>
      %broadcast_in_dim3A_2664 = vector.broadcast %add3A_2592 : i32 to vector<16xi32>
      %eq3A_2665 = arith.cmpi eq, %iota3A, %broadcast_in_dim3A_2664 : vector<16xi32>
      %broadcast_in_dim3A_2666 = vector.broadcast %reduce_sum3A_2663 : f32 to vector<16xf32>
      %jit3A_2667 = arith.constant 0.000000e+00 : f32
      %broadcast_in_dim3A_2668 = vector.broadcast %jit3A_2667 : f32 to vector<16xf32>
      %select_n3A_2669 = arith.select %eq3A_2665, %broadcast_in_dim3A_2666, %broadcast_in_dim3A_2668 : vector<16xi1>, vector<16xf32>
      %add3A_2670 = arith.addf %add3A_2463, %select_n3A_2669 : vector<16xf32>
      %add3A_2671 = arith.constant 1 : i32
      %add3A_2672 = arith.addi %scan3A_1096, %add3A_2671 : i32
      %min3A_2673 = arith.constant 63 : i32
      %min3A_2674 = arith.minsi %add3A_2672, %min3A_2673 : i32
      %jit3A_2675 = arith.constant 2 : i32
      %div3A_2676 = arith.divsi %min3A_2674, %jit3A_2675 : i32
      %sign3A_2677 = arith.constant 0 : i32
      %sign3A_2678 = arith.cmpi sgt, %min3A_2674, %sign3A_2677 : i32
      %sign3A_2679 = arith.extui %sign3A_2678 : i1 to i32
      %sign3A_2680 = arith.constant 0 : i32
      %sign3A_2681 = arith.cmpi slt, %min3A_2674, %sign3A_2680 : i32
      %sign3A_2682 = arith.extui %sign3A_2681 : i1 to i32
      %sign3A_2683 = arith.subi %sign3A_2679, %sign3A_2682 : i32
      %sign3A_2684 = arith.constant 0 : i32
      %sign3A_2685 = arith.cmpi sgt, %jit3A_2675, %sign3A_2684 : i32
      %sign3A_2686 = arith.extui %sign3A_2685 : i1 to i32
      %sign3A_2687 = arith.constant 0 : i32
      %sign3A_2688 = arith.cmpi slt, %jit3A_2675, %sign3A_2687 : i32
      %sign3A_2689 = arith.extui %sign3A_2688 : i1 to i32
      %sign3A_2690 = arith.subi %sign3A_2686, %sign3A_2689 : i32
      %ne3A_2691 = arith.cmpi ne, %sign3A_2683, %sign3A_2690 : i32
      %rem3A_2692 = arith.remsi %min3A_2674, %jit3A_2675 : i32
      %ne3A_2693 = arith.constant 0 : i32
      %ne3A_2694 = arith.cmpi ne, %rem3A_2692, %ne3A_2693 : i32
      %and3A_2695 = arith.andi %ne3A_2691, %ne3A_2694 : i1
      %sub3A_2696 = arith.constant 1 : i32
      %sub3A_2697 = arith.subi %div3A_2676, %sub3A_2696 : i32
      %select_n3A_2698 = arith.select %and3A_2695, %sub3A_2697, %div3A_2676 : i32
      %mul3A_2699 = arith.constant 16 : i32
      %mul3A_2700 = arith.muli %select_n3A_2698, %mul3A_2699 : i32
      %multiple_of3A_2701 = tpu.assume_multiple %mul3A_2700, 16 : i32
      %jit3A_2702 = arith.constant 2 : i32
      %eq3A_2703 = arith.constant 0 : i32
      %eq3A_2704 = arith.cmpi eq, %jit3A_2702, %eq3A_2703 : i32
      %jit3A_2705 = arith.constant 1 : i32
      %select_n3A_2706 = arith.select %eq3A_2704, %jit3A_2705, %jit3A_2702 : i32
      %rem3A_2707 = arith.remsi %min3A_2674, %select_n3A_2706 : i32
      %ne3A_2708 = arith.constant 0 : i32
      %ne3A_2709 = arith.cmpi ne, %rem3A_2707, %ne3A_2708 : i32
      %lt3A_2710 = arith.constant 0 : i32
      %lt3A_2711 = arith.cmpi slt, %rem3A_2707, %lt3A_2710 : i32
      %lt3A_2712 = arith.constant 0 : i32
      %lt3A_2713 = arith.cmpi slt, %select_n3A_2706, %lt3A_2712 : i32
      %ne3A_2714 = arith.xori %lt3A_2711, %lt3A_2713 : i1
      %and3A_2715 = arith.andi %ne3A_2714, %ne3A_2709 : i1
      %add3A_2716 = arith.addi %rem3A_2707, %select_n3A_2706 : i32
      %select_n3A_2717 = arith.select %and3A_2715, %add3A_2716, %rem3A_2707 : i32
      %mul3A_2718 = arith.constant 8 : i32
      %mul3A_2719 = arith.muli %mul3A_2718, %select_n3A_2717 : i32
      %add3A_2720 = arith.constant 7 : i32
      %add3A_2721 = arith.addi %mul3A_2719, %add3A_2720 : i32
      %get3A_2722 = arith.index_cast %multiple_of3A_2701 : i32 to index
      %get3A_2723 = tpu.vector_load %arg7[%get3A_2722] {strides = array<i32>} : memref<512xi32, #tpu.memory_space<vmem>>, vector<16xi32>,
      %get3A_2724 = arith.index_cast %multiple_of3A_2701 : i32 to index
      %get3A_2725 = tpu.vector_load %arg8[%get3A_2724] {strides = array<i32>} : memref<512xi32, #tpu.memory_space<vmem>>, vector<16xi32>,
      %broadcast_in_dim3A_2726 = vector.broadcast %add3A_2721 : i32 to vector<16xi32>
      %eq3A_2727 = arith.cmpi eq, %iota3A, %broadcast_in_dim3A_2726 : vector<16xi32>
      %jit3A_2728 = arith.constant 0 : i32
      %broadcast_in_dim3A_2729 = vector.broadcast %jit3A_2728 : i32 to vector<16xi32>
      %select_n3A_2730 = arith.select %eq3A_2727, %get3A_2723, %broadcast_in_dim3A_2729 : vector<16xi1>, vector<16xi32>
      %reduce_sum3A_2731 = arith.constant true
      %reduce_sum3A_2732 = vector.broadcast %reduce_sum3A_2731 : i1 to vector<16xi1>
      %reduce_sum3A_2733 = tpu.scan <sum>, %select_n3A_2730 masked %reduce_sum3A_2732 : vector<16xi32>, vector<16xi1> -> vector<16xi32>
      %reduce_sum3A_2734 = vector.extract %reduce_sum3A_2733[15] : i32 from vector<16xi32>
      %broadcast_in_dim3A_2735 = vector.broadcast %add3A_2721 : i32 to vector<16xi32>
      %eq3A_2736 = arith.cmpi eq, %iota3A, %broadcast_in_dim3A_2735 : vector<16xi32>
      %jit3A_2737 = arith.constant 0 : i32
      %broadcast_in_dim3A_2738 = vector.broadcast %jit3A_2737 : i32 to vector<16xi32>
      %select_n3A_2739 = arith.select %eq3A_2736, %get3A_2725, %broadcast_in_dim3A_2738 : vector<16xi1>, vector<16xi32>
      %reduce_sum3A_2740 = arith.constant true
      %reduce_sum3A_2741 = vector.broadcast %reduce_sum3A_2740 : i1 to vector<16xi1>
      %reduce_sum3A_2742 = tpu.scan <sum>, %select_n3A_2739 masked %reduce_sum3A_2741 : vector<16xi32>, vector<16xi1> -> vector<16xi32>
      %reduce_sum3A_2743 = vector.extract %reduce_sum3A_2742[15] : i32 from vector<16xi32>
      %shift_right_arithmetic3A_2744 = arith.constant 7 : i32
      %shift_right_arithmetic3A_2745 = arith.shrsi %reduce_sum3A_2734, %shift_right_arithmetic3A_2744 : i32
      %mul3A_2746 = arith.constant 128 : i32
      %mul3A_2747 = arith.muli %shift_right_arithmetic3A_2745, %mul3A_2746 : i32
      %multiple_of3A_2748 = tpu.assume_multiple %mul3A_2747, 128 : i32
      %shift_right_arithmetic3A_2749 = arith.constant 7 : i32
      %shift_right_arithmetic3A_2750 = arith.shrsi %reduce_sum3A_2743, %shift_right_arithmetic3A_2749 : i32
      %mul3A_2751 = arith.constant 128 : i32
      %mul3A_2752 = arith.muli %shift_right_arithmetic3A_2750, %mul3A_2751 : i32
      %multiple_of3A_2753 = tpu.assume_multiple %mul3A_2752, 128 : i32
      %dma_start3A_2754 = arith.constant 7 : i32
      %dma_start3A_2755 = arith.constant 0 : i32
      %dma_start3A_2756 = arith.constant 0 : i32
      %dma_start3A_2757 = tpu.memref_slice %arg9[%dma_start3A_2754, %dma_start3A_2755, %dma_start3A_2756] : memref<8x32x128xf32, #tpu.memory_space<vmem>> -> memref<1x32x128xf32, #tpu.memory_space<vmem>>
      %dma_start3A_2758 = tpu.memref_squeeze %dma_start3A_2757 : memref<1x32x128xf32, #tpu.memory_space<vmem>> -> memref<32x128xf32, #tpu.memory_space<vmem>>
      %dma_start3A_2759 = arith.constant 0 : i32
      %dma_start3A_2760 = tpu.memref_slice %arg4[%dma_start3A_2759, %multiple_of3A_2748] : memref<32x1000000xf32, #tpu.memory_space<hbm>> -> memref<32x128xf32, #tpu.memory_space<hbm>>
      %dma_start3A_2761 = arith.constant 0 : i32
      %dma_start3A_2762 = arith.constant 0 : i32
      %dma_start3A_2763 = tpu.memref_slice %arg9[%dma_start3A_2754, %dma_start3A_2761, %dma_start3A_2762] : memref<8x32x128xf32, #tpu.memory_space<vmem>> -> memref<1x32x128xf32, #tpu.memory_space<vmem>>
      %dma_start3A_2764 = tpu.memref_squeeze %dma_start3A_2763 : memref<1x32x128xf32, #tpu.memory_space<vmem>> -> memref<32x128xf32, #tpu.memory_space<vmem>>
      %dma_start3A_2765 = arith.constant 0 : i32
      %dma_start3A_2766 = tpu.memref_slice %arg4[%dma_start3A_2765, %multiple_of3A_2748] : memref<32x1000000xf32, #tpu.memory_space<hbm>> -> memref<32x128xf32, #tpu.memory_space<hbm>>
      tpu.enqueue_dma source(%dma_start3A_2766 : memref<32x128xf32, #tpu.memory_space<hbm>>) target(%dma_start3A_2764 : memref<32x128xf32, #tpu.memory_space<vmem>>) target_semaphore(%arg19 : memref<!tpu.dma_semaphore, #tpu.memory_space<semaphore_mem>>)
      %dma_start3A_2767 = arith.constant 7 : i32
      %dma_start3A_2768 = arith.constant 0 : i32
      %dma_start3A_2769 = arith.constant 0 : i32
      %dma_start3A_2770 = tpu.memref_slice %arg10[%dma_start3A_2767, %dma_start3A_2768, %dma_start3A_2769] : memref<8x32x128xf32, #tpu.memory_space<vmem>> -> memref<1x32x128xf32, #tpu.memory_space<vmem>>
      %dma_start3A_2771 = tpu.memref_squeeze %dma_start3A_2770 : memref<1x32x128xf32, #tpu.memory_space<vmem>> -> memref<32x128xf32, #tpu.memory_space<vmem>>
      %dma_start3A_2772 = arith.constant 0 : i32
      %dma_start3A_2773 = tpu.memref_slice %arg5[%dma_start3A_2772, %multiple_of3A_2753] : memref<32x1000000xf32, #tpu.memory_space<hbm>> -> memref<32x128xf32, #tpu.memory_space<hbm>>
      %dma_start3A_2774 = arith.constant 0 : i32
      %dma_start3A_2775 = arith.constant 0 : i32
      %dma_start3A_2776 = tpu.memref_slice %arg10[%dma_start3A_2767, %dma_start3A_2774, %dma_start3A_2775] : memref<8x32x128xf32, #tpu.memory_space<vmem>> -> memref<1x32x128xf32, #tpu.memory_space<vmem>>
      %dma_start3A_2777 = tpu.memref_squeeze %dma_start3A_2776 : memref<1x32x128xf32, #tpu.memory_space<vmem>> -> memref<32x128xf32, #tpu.memory_space<vmem>>
      %dma_start3A_2778 = arith.constant 0 : i32
      %dma_start3A_2779 = tpu.memref_slice %arg5[%dma_start3A_2778, %multiple_of3A_2753] : memref<32x1000000xf32, #tpu.memory_space<hbm>> -> memref<32x128xf32, #tpu.memory_space<hbm>>
      tpu.enqueue_dma source(%dma_start3A_2779 : memref<32x128xf32, #tpu.memory_space<hbm>>) target(%dma_start3A_2777 : memref<32x128xf32, #tpu.memory_space<vmem>>) target_semaphore(%arg27 : memref<!tpu.dma_semaphore, #tpu.memory_space<semaphore_mem>>)
      %get3A_2780 = arith.index_cast %multiple_of3A_1123 : i32 to index
      %get3A_2781 = tpu.vector_load %arg11[%get3A_2780] {strides = array<i32>} : memref<512xf32, #tpu.memory_space<vmem>>, vector<16xf32>,
      %add3A_2782 = arith.addf %get3A_2781, %add3A_2670 : vector<16xf32>
      %swap3A = arith.index_cast %multiple_of3A_1123 : i32 to index
      %swap3A_2783 = tpu.vector_load %arg11[%swap3A] {strides = array<i32>} : memref<512xf32, #tpu.memory_space<vmem>>, vector<16xf32>,
      tpu.vector_store %arg11[%swap3A], %add3A_2782 {strides = array<i32>} : memref<512xf32, #tpu.memory_space<vmem>>, vector<16xf32>,
    }
    %scan3A_856 = arith.constant 64 : i32
    %dma_wait3A = arith.constant 0 : i32
    %dma_wait3A_857 = arith.constant 0 : i32
    %dma_wait3A_858 = arith.constant 0 : i32
    %dma_wait3A_859 = tpu.memref_slice %arg9[%dma_wait3A, %dma_wait3A_857, %dma_wait3A_858] : memref<8x32x128xf32, #tpu.memory_space<vmem>> -> memref<1x32x128xf32, #tpu.memory_space<vmem>>
    %dma_wait3A_860 = tpu.memref_squeeze %dma_wait3A_859 : memref<1x32x128xf32, #tpu.memory_space<vmem>> -> memref<32x128xf32, #tpu.memory_space<vmem>>
    %dma_wait3A_861 = arith.constant 0 : i32
    %dma_wait3A_862 = arith.constant 0 : i32
    %dma_wait3A_863 = tpu.memref_slice %arg4[%dma_wait3A_861, %dma_wait3A_862] : memref<32x1000000xf32, #tpu.memory_space<hbm>> -> memref<32x128xf32, #tpu.memory_space<hbm>>
    %dma_wait3A_864 = arith.constant 0 : i32
    %dma_wait3A_865 = arith.constant 0 : i32
    %dma_wait3A_866 = tpu.memref_slice %arg9[%dma_wait3A, %dma_wait3A_864, %dma_wait3A_865] : memref<8x32x128xf32, #tpu.memory_space<vmem>> -> memref<1x32x128xf32, #tpu.memory_space<vmem>>
    %dma_wait3A_867 = tpu.memref_squeeze %dma_wait3A_866 : memref<1x32x128xf32, #tpu.memory_space<vmem>> -> memref<32x128xf32, #tpu.memory_space<vmem>>
    %dma_wait3A_868 = arith.constant 0 : i32
    %dma_wait3A_869 = arith.constant 0 : i32
    %dma_wait3A_870 = tpu.memref_slice %arg4[%dma_wait3A_868, %dma_wait3A_869] : memref<32x1000000xf32, #tpu.memory_space<hbm>> -> memref<32x128xf32, #tpu.memory_space<hbm>>
    tpu.wait_dma2 semaphore(%arg12 : memref<!tpu.dma_semaphore, #tpu.memory_space<semaphore_mem>>) src(%dma_wait3A_870 : memref<32x128xf32, #tpu.memory_space<hbm>>) dst(%dma_wait3A_867 : memref<32x128xf32, #tpu.memory_space<vmem>>)
    %dma_wait3A_871 = arith.constant 0 : i32
    %dma_wait3A_872 = arith.constant 0 : i32
    %dma_wait3A_873 = arith.constant 0 : i32
    %dma_wait3A_874 = tpu.memref_slice %arg10[%dma_wait3A_871, %dma_wait3A_872, %dma_wait3A_873] : memref<8x32x128xf32, #tpu.memory_space<vmem>> -> memref<1x32x128xf32, #tpu.memory_space<vmem>>
    %dma_wait3A_875 = tpu.memref_squeeze %dma_wait3A_874 : memref<1x32x128xf32, #tpu.memory_space<vmem>> -> memref<32x128xf32, #tpu.memory_space<vmem>>
    %dma_wait3A_876 = arith.constant 0 : i32
    %dma_wait3A_877 = arith.constant 0 : i32
    %dma_wait3A_878 = tpu.memref_slice %arg5[%dma_wait3A_876, %dma_wait3A_877] : memref<32x1000000xf32, #tpu.memory_space<hbm>> -> memref<32x128xf32, #tpu.memory_space<hbm>>
    %dma_wait3A_879 = arith.constant 0 : i32
    %dma_wait3A_880 = arith.constant 0 : i32
    %dma_wait3A_881 = tpu.memref_slice %arg10[%dma_wait3A_871, %dma_wait3A_879, %dma_wait3A_880] : memref<8x32x128xf32, #tpu.memory_space<vmem>> -> memref<1x32x128xf32, #tpu.memory_space<vmem>>
    %dma_wait3A_882 = tpu.memref_squeeze %dma_wait3A_881 : memref<1x32x128xf32, #tpu.memory_space<vmem>> -> memref<32x128xf32, #tpu.memory_space<vmem>>
    %dma_wait3A_883 = arith.constant 0 : i32
    %dma_wait3A_884 = arith.constant 0 : i32
    %dma_wait3A_885 = tpu.memref_slice %arg5[%dma_wait3A_883, %dma_wait3A_884] : memref<32x1000000xf32, #tpu.memory_space<hbm>> -> memref<32x128xf32, #tpu.memory_space<hbm>>
    tpu.wait_dma2 semaphore(%arg20 : memref<!tpu.dma_semaphore, #tpu.memory_space<semaphore_mem>>) src(%dma_wait3A_885 : memref<32x128xf32, #tpu.memory_space<hbm>>) dst(%dma_wait3A_882 : memref<32x128xf32, #tpu.memory_space<vmem>>)
    %dma_wait3A_886 = arith.constant 1 : i32
    %dma_wait3A_887 = arith.constant 0 : i32
    %dma_wait3A_888 = arith.constant 0 : i32
    %dma_wait3A_889 = tpu.memref_slice %arg9[%dma_wait3A_886, %dma_wait3A_887, %dma_wait3A_888] : memref<8x32x128xf32, #tpu.memory_space<vmem>> -> memref<1x32x128xf32, #tpu.memory_space<vmem>>
    %dma_wait3A_890 = tpu.memref_squeeze %dma_wait3A_889 : memref<1x32x128xf32, #tpu.memory_space<vmem>> -> memref<32x128xf32, #tpu.memory_space<vmem>>
    %dma_wait3A_891 = arith.constant 0 : i32
    %dma_wait3A_892 = arith.constant 0 : i32
    %dma_wait3A_893 = tpu.memref_slice %arg4[%dma_wait3A_891, %dma_wait3A_892] : memref<32x1000000xf32, #tpu.memory_space<hbm>> -> memref<32x128xf32, #tpu.memory_space<hbm>>
    %dma_wait3A_894 = arith.constant 0 : i32
    %dma_wait3A_895 = arith.constant 0 : i32
    %dma_wait3A_896 = tpu.memref_slice %arg9[%dma_wait3A_886, %dma_wait3A_894, %dma_wait3A_895] : memref<8x32x128xf32, #tpu.memory_space<vmem>> -> memref<1x32x128xf32, #tpu.memory_space<vmem>>
    %dma_wait3A_897 = tpu.memref_squeeze %dma_wait3A_896 : memref<1x32x128xf32, #tpu.memory_space<vmem>> -> memref<32x128xf32, #tpu.memory_space<vmem>>
    %dma_wait3A_898 = arith.constant 0 : i32
    %dma_wait3A_899 = arith.constant 0 : i32
    %dma_wait3A_900 = tpu.memref_slice %arg4[%dma_wait3A_898, %dma_wait3A_899] : memref<32x1000000xf32, #tpu.memory_space<hbm>> -> memref<32x128xf32, #tpu.memory_space<hbm>>
    tpu.wait_dma2 semaphore(%arg13 : memref<!tpu.dma_semaphore, #tpu.memory_space<semaphore_mem>>) src(%dma_wait3A_900 : memref<32x128xf32, #tpu.memory_space<hbm>>) dst(%dma_wait3A_897 : memref<32x128xf32, #tpu.memory_space<vmem>>)
    %dma_wait3A_901 = arith.constant 1 : i32
    %dma_wait3A_902 = arith.constant 0 : i32
    %dma_wait3A_903 = arith.constant 0 : i32
    %dma_wait3A_904 = tpu.memref_slice %arg10[%dma_wait3A_901, %dma_wait3A_902, %dma_wait3A_903] : memref<8x32x128xf32, #tpu.memory_space<vmem>> -> memref<1x32x128xf32, #tpu.memory_space<vmem>>
    %dma_wait3A_905 = tpu.memref_squeeze %dma_wait3A_904 : memref<1x32x128xf32, #tpu.memory_space<vmem>> -> memref<32x128xf32, #tpu.memory_space<vmem>>
    %dma_wait3A_906 = arith.constant 0 : i32
    %dma_wait3A_907 = arith.constant 0 : i32
    %dma_wait3A_908 = tpu.memref_slice %arg5[%dma_wait3A_906, %dma_wait3A_907] : memref<32x1000000xf32, #tpu.memory_space<hbm>> -> memref<32x128xf32, #tpu.memory_space<hbm>>
    %dma_wait3A_909 = arith.constant 0 : i32
    %dma_wait3A_910 = arith.constant 0 : i32
    %dma_wait3A_911 = tpu.memref_slice %arg10[%dma_wait3A_901, %dma_wait3A_909, %dma_wait3A_910] : memref<8x32x128xf32, #tpu.memory_space<vmem>> -> memref<1x32x128xf32, #tpu.memory_space<vmem>>
    %dma_wait3A_912 = tpu.memref_squeeze %dma_wait3A_911 : memref<1x32x128xf32, #tpu.memory_space<vmem>> -> memref<32x128xf32, #tpu.memory_space<vmem>>
    %dma_wait3A_913 = arith.constant 0 : i32
    %dma_wait3A_914 = arith.constant 0 : i32
    %dma_wait3A_915 = tpu.memref_slice %arg5[%dma_wait3A_913, %dma_wait3A_914] : memref<32x1000000xf32, #tpu.memory_space<hbm>> -> memref<32x128xf32, #tpu.memory_space<hbm>>
    tpu.wait_dma2 semaphore(%arg21 : memref<!tpu.dma_semaphore, #tpu.memory_space<semaphore_mem>>) src(%dma_wait3A_915 : memref<32x128xf32, #tpu.memory_space<hbm>>) dst(%dma_wait3A_912 : memref<32x128xf32, #tpu.memory_space<vmem>>)
    %dma_wait3A_916 = arith.constant 2 : i32
    %dma_wait3A_917 = arith.constant 0 : i32
    %dma_wait3A_918 = arith.constant 0 : i32
    %dma_wait3A_919 = tpu.memref_slice %arg9[%dma_wait3A_916, %dma_wait3A_917, %dma_wait3A_918] : memref<8x32x128xf32, #tpu.memory_space<vmem>> -> memref<1x32x128xf32, #tpu.memory_space<vmem>>
    %dma_wait3A_920 = tpu.memref_squeeze %dma_wait3A_919 : memref<1x32x128xf32, #tpu.memory_space<vmem>> -> memref<32x128xf32, #tpu.memory_space<vmem>>
    %dma_wait3A_921 = arith.constant 0 : i32
    %dma_wait3A_922 = arith.constant 0 : i32
    %dma_wait3A_923 = tpu.memref_slice %arg4[%dma_wait3A_921, %dma_wait3A_922] : memref<32x1000000xf32, #tpu.memory_space<hbm>> -> memref<32x128xf32, #tpu.memory_space<hbm>>
    %dma_wait3A_924 = arith.constant 0 : i32
    %dma_wait3A_925 = arith.constant 0 : i32
    %dma_wait3A_926 = tpu.memref_slice %arg9[%dma_wait3A_916, %dma_wait3A_924, %dma_wait3A_925] : memref<8x32x128xf32, #tpu.memory_space<vmem>> -> memref<1x32x128xf32, #tpu.memory_space<vmem>>
    %dma_wait3A_927 = tpu.memref_squeeze %dma_wait3A_926 : memref<1x32x128xf32, #tpu.memory_space<vmem>> -> memref<32x128xf32, #tpu.memory_space<vmem>>
    %dma_wait3A_928 = arith.constant 0 : i32
    %dma_wait3A_929 = arith.constant 0 : i32
    %dma_wait3A_930 = tpu.memref_slice %arg4[%dma_wait3A_928, %dma_wait3A_929] : memref<32x1000000xf32, #tpu.memory_space<hbm>> -> memref<32x128xf32, #tpu.memory_space<hbm>>
    tpu.wait_dma2 semaphore(%arg14 : memref<!tpu.dma_semaphore, #tpu.memory_space<semaphore_mem>>) src(%dma_wait3A_930 : memref<32x128xf32, #tpu.memory_space<hbm>>) dst(%dma_wait3A_927 : memref<32x128xf32, #tpu.memory_space<vmem>>)
    %dma_wait3A_931 = arith.constant 2 : i32
    %dma_wait3A_932 = arith.constant 0 : i32
    %dma_wait3A_933 = arith.constant 0 : i32
    %dma_wait3A_934 = tpu.memref_slice %arg10[%dma_wait3A_931, %dma_wait3A_932, %dma_wait3A_933] : memref<8x32x128xf32, #tpu.memory_space<vmem>> -> memref<1x32x128xf32, #tpu.memory_space<vmem>>
    %dma_wait3A_935 = tpu.memref_squeeze %dma_wait3A_934 : memref<1x32x128xf32, #tpu.memory_space<vmem>> -> memref<32x128xf32, #tpu.memory_space<vmem>>
    %dma_wait3A_936 = arith.constant 0 : i32
    %dma_wait3A_937 = arith.constant 0 : i32
    %dma_wait3A_938 = tpu.memref_slice %arg5[%dma_wait3A_936, %dma_wait3A_937] : memref<32x1000000xf32, #tpu.memory_space<hbm>> -> memref<32x128xf32, #tpu.memory_space<hbm>>
    %dma_wait3A_939 = arith.constant 0 : i32
    %dma_wait3A_940 = arith.constant 0 : i32
    %dma_wait3A_941 = tpu.memref_slice %arg10[%dma_wait3A_931, %dma_wait3A_939, %dma_wait3A_940] : memref<8x32x128xf32, #tpu.memory_space<vmem>> -> memref<1x32x128xf32, #tpu.memory_space<vmem>>
    %dma_wait3A_942 = tpu.memref_squeeze %dma_wait3A_941 : memref<1x32x128xf32, #tpu.memory_space<vmem>> -> memref<32x128xf32, #tpu.memory_space<vmem>>
    %dma_wait3A_943 = arith.constant 0 : i32
    %dma_wait3A_944 = arith.constant 0 : i32
    %dma_wait3A_945 = tpu.memref_slice %arg5[%dma_wait3A_943, %dma_wait3A_944] : memref<32x1000000xf32, #tpu.memory_space<hbm>> -> memref<32x128xf32, #tpu.memory_space<hbm>>
    tpu.wait_dma2 semaphore(%arg22 : memref<!tpu.dma_semaphore, #tpu.memory_space<semaphore_mem>>) src(%dma_wait3A_945 : memref<32x128xf32, #tpu.memory_space<hbm>>) dst(%dma_wait3A_942 : memref<32x128xf32, #tpu.memory_space<vmem>>)
    %dma_wait3A_946 = arith.constant 3 : i32
    %dma_wait3A_947 = arith.constant 0 : i32
    %dma_wait3A_948 = arith.constant 0 : i32
    %dma_wait3A_949 = tpu.memref_slice %arg9[%dma_wait3A_946, %dma_wait3A_947, %dma_wait3A_948] : memref<8x32x128xf32, #tpu.memory_space<vmem>> -> memref<1x32x128xf32, #tpu.memory_space<vmem>>
    %dma_wait3A_950 = tpu.memref_squeeze %dma_wait3A_949 : memref<1x32x128xf32, #tpu.memory_space<vmem>> -> memref<32x128xf32, #tpu.memory_space<vmem>>
    %dma_wait3A_951 = arith.constant 0 : i32
    %dma_wait3A_952 = arith.constant 0 : i32
    %dma_wait3A_953 = tpu.memref_slice %arg4[%dma_wait3A_951, %dma_wait3A_952] : memref<32x1000000xf32, #tpu.memory_space<hbm>> -> memref<32x128xf32, #tpu.memory_space<hbm>>
    %dma_wait3A_954 = arith.constant 0 : i32
    %dma_wait3A_955 = arith.constant 0 : i32
    %dma_wait3A_956 = tpu.memref_slice %arg9[%dma_wait3A_946, %dma_wait3A_954, %dma_wait3A_955] : memref<8x32x128xf32, #tpu.memory_space<vmem>> -> memref<1x32x128xf32, #tpu.memory_space<vmem>>
    %dma_wait3A_957 = tpu.memref_squeeze %dma_wait3A_956 : memref<1x32x128xf32, #tpu.memory_space<vmem>> -> memref<32x128xf32, #tpu.memory_space<vmem>>
    %dma_wait3A_958 = arith.constant 0 : i32
    %dma_wait3A_959 = arith.constant 0 : i32
    %dma_wait3A_960 = tpu.memref_slice %arg4[%dma_wait3A_958, %dma_wait3A_959] : memref<32x1000000xf32, #tpu.memory_space<hbm>> -> memref<32x128xf32, #tpu.memory_space<hbm>>
    tpu.wait_dma2 semaphore(%arg15 : memref<!tpu.dma_semaphore, #tpu.memory_space<semaphore_mem>>) src(%dma_wait3A_960 : memref<32x128xf32, #tpu.memory_space<hbm>>) dst(%dma_wait3A_957 : memref<32x128xf32, #tpu.memory_space<vmem>>)
    %dma_wait3A_961 = arith.constant 3 : i32
    %dma_wait3A_962 = arith.constant 0 : i32
    %dma_wait3A_963 = arith.constant 0 : i32
    %dma_wait3A_964 = tpu.memref_slice %arg10[%dma_wait3A_961, %dma_wait3A_962, %dma_wait3A_963] : memref<8x32x128xf32, #tpu.memory_space<vmem>> -> memref<1x32x128xf32, #tpu.memory_space<vmem>>
    %dma_wait3A_965 = tpu.memref_squeeze %dma_wait3A_964 : memref<1x32x128xf32, #tpu.memory_space<vmem>> -> memref<32x128xf32, #tpu.memory_space<vmem>>
    %dma_wait3A_966 = arith.constant 0 : i32
    %dma_wait3A_967 = arith.constant 0 : i32
    %dma_wait3A_968 = tpu.memref_slice %arg5[%dma_wait3A_966, %dma_wait3A_967] : memref<32x1000000xf32, #tpu.memory_space<hbm>> -> memref<32x128xf32, #tpu.memory_space<hbm>>
    %dma_wait3A_969 = arith.constant 0 : i32
    %dma_wait3A_970 = arith.constant 0 : i32
    %dma_wait3A_971 = tpu.memref_slice %arg10[%dma_wait3A_961, %dma_wait3A_969, %dma_wait3A_970] : memref<8x32x128xf32, #tpu.memory_space<vmem>> -> memref<1x32x128xf32, #tpu.memory_space<vmem>>
    %dma_wait3A_972 = tpu.memref_squeeze %dma_wait3A_971 : memref<1x32x128xf32, #tpu.memory_space<vmem>> -> memref<32x128xf32, #tpu.memory_space<vmem>>
    %dma_wait3A_973 = arith.constant 0 : i32
    %dma_wait3A_974 = arith.constant 0 : i32
    %dma_wait3A_975 = tpu.memref_slice %arg5[%dma_wait3A_973, %dma_wait3A_974] : memref<32x1000000xf32, #tpu.memory_space<hbm>> -> memref<32x128xf32, #tpu.memory_space<hbm>>
    tpu.wait_dma2 semaphore(%arg23 : memref<!tpu.dma_semaphore, #tpu.memory_space<semaphore_mem>>) src(%dma_wait3A_975 : memref<32x128xf32, #tpu.memory_space<hbm>>) dst(%dma_wait3A_972 : memref<32x128xf32, #tpu.memory_space<vmem>>)
    %dma_wait3A_976 = arith.constant 4 : i32
    %dma_wait3A_977 = arith.constant 0 : i32
    %dma_wait3A_978 = arith.constant 0 : i32
    %dma_wait3A_979 = tpu.memref_slice %arg9[%dma_wait3A_976, %dma_wait3A_977, %dma_wait3A_978] : memref<8x32x128xf32, #tpu.memory_space<vmem>> -> memref<1x32x128xf32, #tpu.memory_space<vmem>>
    %dma_wait3A_980 = tpu.memref_squeeze %dma_wait3A_979 : memref<1x32x128xf32, #tpu.memory_space<vmem>> -> memref<32x128xf32, #tpu.memory_space<vmem>>
    %dma_wait3A_981 = arith.constant 0 : i32
    %dma_wait3A_982 = arith.constant 0 : i32
    %dma_wait3A_983 = tpu.memref_slice %arg4[%dma_wait3A_981, %dma_wait3A_982] : memref<32x1000000xf32, #tpu.memory_space<hbm>> -> memref<32x128xf32, #tpu.memory_space<hbm>>
    %dma_wait3A_984 = arith.constant 0 : i32
    %dma_wait3A_985 = arith.constant 0 : i32
    %dma_wait3A_986 = tpu.memref_slice %arg9[%dma_wait3A_976, %dma_wait3A_984, %dma_wait3A_985] : memref<8x32x128xf32, #tpu.memory_space<vmem>> -> memref<1x32x128xf32, #tpu.memory_space<vmem>>
    %dma_wait3A_987 = tpu.memref_squeeze %dma_wait3A_986 : memref<1x32x128xf32, #tpu.memory_space<vmem>> -> memref<32x128xf32, #tpu.memory_space<vmem>>
    %dma_wait3A_988 = arith.constant 0 : i32
    %dma_wait3A_989 = arith.constant 0 : i32
    %dma_wait3A_990 = tpu.memref_slice %arg4[%dma_wait3A_988, %dma_wait3A_989] : memref<32x1000000xf32, #tpu.memory_space<hbm>> -> memref<32x128xf32, #tpu.memory_space<hbm>>
    tpu.wait_dma2 semaphore(%arg16 : memref<!tpu.dma_semaphore, #tpu.memory_space<semaphore_mem>>) src(%dma_wait3A_990 : memref<32x128xf32, #tpu.memory_space<hbm>>) dst(%dma_wait3A_987 : memref<32x128xf32, #tpu.memory_space<vmem>>)
    %dma_wait3A_991 = arith.constant 4 : i32
    %dma_wait3A_992 = arith.constant 0 : i32
    %dma_wait3A_993 = arith.constant 0 : i32
    %dma_wait3A_994 = tpu.memref_slice %arg10[%dma_wait3A_991, %dma_wait3A_992, %dma_wait3A_993] : memref<8x32x128xf32, #tpu.memory_space<vmem>> -> memref<1x32x128xf32, #tpu.memory_space<vmem>>
    %dma_wait3A_995 = tpu.memref_squeeze %dma_wait3A_994 : memref<1x32x128xf32, #tpu.memory_space<vmem>> -> memref<32x128xf32, #tpu.memory_space<vmem>>
    %dma_wait3A_996 = arith.constant 0 : i32
    %dma_wait3A_997 = arith.constant 0 : i32
    %dma_wait3A_998 = tpu.memref_slice %arg5[%dma_wait3A_996, %dma_wait3A_997] : memref<32x1000000xf32, #tpu.memory_space<hbm>> -> memref<32x128xf32, #tpu.memory_space<hbm>>
    %dma_wait3A_999 = arith.constant 0 : i32
    %dma_wait3A_1000 = arith.constant 0 : i32
    %dma_wait3A_1001 = tpu.memref_slice %arg10[%dma_wait3A_991, %dma_wait3A_999, %dma_wait3A_1000] : memref<8x32x128xf32, #tpu.memory_space<vmem>> -> memref<1x32x128xf32, #tpu.memory_space<vmem>>
    %dma_wait3A_1002 = tpu.memref_squeeze %dma_wait3A_1001 : memref<1x32x128xf32, #tpu.memory_space<vmem>> -> memref<32x128xf32, #tpu.memory_space<vmem>>
    %dma_wait3A_1003 = arith.constant 0 : i32
    %dma_wait3A_1004 = arith.constant 0 : i32
    %dma_wait3A_1005 = tpu.memref_slice %arg5[%dma_wait3A_1003, %dma_wait3A_1004] : memref<32x1000000xf32, #tpu.memory_space<hbm>> -> memref<32x128xf32, #tpu.memory_space<hbm>>
    tpu.wait_dma2 semaphore(%arg24 : memref<!tpu.dma_semaphore, #tpu.memory_space<semaphore_mem>>) src(%dma_wait3A_1005 : memref<32x128xf32, #tpu.memory_space<hbm>>) dst(%dma_wait3A_1002 : memref<32x128xf32, #tpu.memory_space<vmem>>)
    %dma_wait3A_1006 = arith.constant 5 : i32
    %dma_wait3A_1007 = arith.constant 0 : i32
    %dma_wait3A_1008 = arith.constant 0 : i32
    %dma_wait3A_1009 = tpu.memref_slice %arg9[%dma_wait3A_1006, %dma_wait3A_1007, %dma_wait3A_1008] : memref<8x32x128xf32, #tpu.memory_space<vmem>> -> memref<1x32x128xf32, #tpu.memory_space<vmem>>
    %dma_wait3A_1010 = tpu.memref_squeeze %dma_wait3A_1009 : memref<1x32x128xf32, #tpu.memory_space<vmem>> -> memref<32x128xf32, #tpu.memory_space<vmem>>
    %dma_wait3A_1011 = arith.constant 0 : i32
    %dma_wait3A_1012 = arith.constant 0 : i32
    %dma_wait3A_1013 = tpu.memref_slice %arg4[%dma_wait3A_1011, %dma_wait3A_1012] : memref<32x1000000xf32, #tpu.memory_space<hbm>> -> memref<32x128xf32, #tpu.memory_space<hbm>>
    %dma_wait3A_1014 = arith.constant 0 : i32
    %dma_wait3A_1015 = arith.constant 0 : i32
    %dma_wait3A_1016 = tpu.memref_slice %arg9[%dma_wait3A_1006, %dma_wait3A_1014, %dma_wait3A_1015] : memref<8x32x128xf32, #tpu.memory_space<vmem>> -> memref<1x32x128xf32, #tpu.memory_space<vmem>>
    %dma_wait3A_1017 = tpu.memref_squeeze %dma_wait3A_1016 : memref<1x32x128xf32, #tpu.memory_space<vmem>> -> memref<32x128xf32, #tpu.memory_space<vmem>>
    %dma_wait3A_1018 = arith.constant 0 : i32
    %dma_wait3A_1019 = arith.constant 0 : i32
    %dma_wait3A_1020 = tpu.memref_slice %arg4[%dma_wait3A_1018, %dma_wait3A_1019] : memref<32x1000000xf32, #tpu.memory_space<hbm>> -> memref<32x128xf32, #tpu.memory_space<hbm>>
    tpu.wait_dma2 semaphore(%arg17 : memref<!tpu.dma_semaphore, #tpu.memory_space<semaphore_mem>>) src(%dma_wait3A_1020 : memref<32x128xf32, #tpu.memory_space<hbm>>) dst(%dma_wait3A_1017 : memref<32x128xf32, #tpu.memory_space<vmem>>)
    %dma_wait3A_1021 = arith.constant 5 : i32
    %dma_wait3A_1022 = arith.constant 0 : i32
    %dma_wait3A_1023 = arith.constant 0 : i32
    %dma_wait3A_1024 = tpu.memref_slice %arg10[%dma_wait3A_1021, %dma_wait3A_1022, %dma_wait3A_1023] : memref<8x32x128xf32, #tpu.memory_space<vmem>> -> memref<1x32x128xf32, #tpu.memory_space<vmem>>
    %dma_wait3A_1025 = tpu.memref_squeeze %dma_wait3A_1024 : memref<1x32x128xf32, #tpu.memory_space<vmem>> -> memref<32x128xf32, #tpu.memory_space<vmem>>
    %dma_wait3A_1026 = arith.constant 0 : i32
    %dma_wait3A_1027 = arith.constant 0 : i32
    %dma_wait3A_1028 = tpu.memref_slice %arg5[%dma_wait3A_1026, %dma_wait3A_1027] : memref<32x1000000xf32, #tpu.memory_space<hbm>> -> memref<32x128xf32, #tpu.memory_space<hbm>>
    %dma_wait3A_1029 = arith.constant 0 : i32
    %dma_wait3A_1030 = arith.constant 0 : i32
    %dma_wait3A_1031 = tpu.memref_slice %arg10[%dma_wait3A_1021, %dma_wait3A_1029, %dma_wait3A_1030] : memref<8x32x128xf32, #tpu.memory_space<vmem>> -> memref<1x32x128xf32, #tpu.memory_space<vmem>>
    %dma_wait3A_1032 = tpu.memref_squeeze %dma_wait3A_1031 : memref<1x32x128xf32, #tpu.memory_space<vmem>> -> memref<32x128xf32, #tpu.memory_space<vmem>>
    %dma_wait3A_1033 = arith.constant 0 : i32
    %dma_wait3A_1034 = arith.constant 0 : i32
    %dma_wait3A_1035 = tpu.memref_slice %arg5[%dma_wait3A_1033, %dma_wait3A_1034] : memref<32x1000000xf32, #tpu.memory_space<hbm>> -> memref<32x128xf32, #tpu.memory_space<hbm>>
    tpu.wait_dma2 semaphore(%arg25 : memref<!tpu.dma_semaphore, #tpu.memory_space<semaphore_mem>>) src(%dma_wait3A_1035 : memref<32x128xf32, #tpu.memory_space<hbm>>) dst(%dma_wait3A_1032 : memref<32x128xf32, #tpu.memory_space<vmem>>)
    %dma_wait3A_1036 = arith.constant 6 : i32
    %dma_wait3A_1037 = arith.constant 0 : i32
    %dma_wait3A_1038 = arith.constant 0 : i32
    %dma_wait3A_1039 = tpu.memref_slice %arg9[%dma_wait3A_1036, %dma_wait3A_1037, %dma_wait3A_1038] : memref<8x32x128xf32, #tpu.memory_space<vmem>> -> memref<1x32x128xf32, #tpu.memory_space<vmem>>
    %dma_wait3A_1040 = tpu.memref_squeeze %dma_wait3A_1039 : memref<1x32x128xf32, #tpu.memory_space<vmem>> -> memref<32x128xf32, #tpu.memory_space<vmem>>
    %dma_wait3A_1041 = arith.constant 0 : i32
    %dma_wait3A_1042 = arith.constant 0 : i32
    %dma_wait3A_1043 = tpu.memref_slice %arg4[%dma_wait3A_1041, %dma_wait3A_1042] : memref<32x1000000xf32, #tpu.memory_space<hbm>> -> memref<32x128xf32, #tpu.memory_space<hbm>>
    %dma_wait3A_1044 = arith.constant 0 : i32
    %dma_wait3A_1045 = arith.constant 0 : i32
    %dma_wait3A_1046 = tpu.memref_slice %arg9[%dma_wait3A_1036, %dma_wait3A_1044, %dma_wait3A_1045] : memref<8x32x128xf32, #tpu.memory_space<vmem>> -> memref<1x32x128xf32, #tpu.memory_space<vmem>>
    %dma_wait3A_1047 = tpu.memref_squeeze %dma_wait3A_1046 : memref<1x32x128xf32, #tpu.memory_space<vmem>> -> memref<32x128xf32, #tpu.memory_space<vmem>>
    %dma_wait3A_1048 = arith.constant 0 : i32
    %dma_wait3A_1049 = arith.constant 0 : i32
    %dma_wait3A_1050 = tpu.memref_slice %arg4[%dma_wait3A_1048, %dma_wait3A_1049] : memref<32x1000000xf32, #tpu.memory_space<hbm>> -> memref<32x128xf32, #tpu.memory_space<hbm>>
    tpu.wait_dma2 semaphore(%arg18 : memref<!tpu.dma_semaphore, #tpu.memory_space<semaphore_mem>>) src(%dma_wait3A_1050 : memref<32x128xf32, #tpu.memory_space<hbm>>) dst(%dma_wait3A_1047 : memref<32x128xf32, #tpu.memory_space<vmem>>)
    %dma_wait3A_1051 = arith.constant 6 : i32
    %dma_wait3A_1052 = arith.constant 0 : i32
    %dma_wait3A_1053 = arith.constant 0 : i32
    %dma_wait3A_1054 = tpu.memref_slice %arg10[%dma_wait3A_1051, %dma_wait3A_1052, %dma_wait3A_1053] : memref<8x32x128xf32, #tpu.memory_space<vmem>> -> memref<1x32x128xf32, #tpu.memory_space<vmem>>
    %dma_wait3A_1055 = tpu.memref_squeeze %dma_wait3A_1054 : memref<1x32x128xf32, #tpu.memory_space<vmem>> -> memref<32x128xf32, #tpu.memory_space<vmem>>
    %dma_wait3A_1056 = arith.constant 0 : i32
    %dma_wait3A_1057 = arith.constant 0 : i32
    %dma_wait3A_1058 = tpu.memref_slice %arg5[%dma_wait3A_1056, %dma_wait3A_1057] : memref<32x1000000xf32, #tpu.memory_space<hbm>> -> memref<32x128xf32, #tpu.memory_space<hbm>>
    %dma_wait3A_1059 = arith.constant 0 : i32
    %dma_wait3A_1060 = arith.constant 0 : i32
    %dma_wait3A_1061 = tpu.memref_slice %arg10[%dma_wait3A_1051, %dma_wait3A_1059, %dma_wait3A_1060] : memref<8x32x128xf32, #tpu.memory_space<vmem>> -> memref<1x32x128xf32, #tpu.memory_space<vmem>>
    %dma_wait3A_1062 = tpu.memref_squeeze %dma_wait3A_1061 : memref<1x32x128xf32, #tpu.memory_space<vmem>> -> memref<32x128xf32, #tpu.memory_space<vmem>>
    %dma_wait3A_1063 = arith.constant 0 : i32
    %dma_wait3A_1064 = arith.constant 0 : i32
    %dma_wait3A_1065 = tpu.memref_slice %arg5[%dma_wait3A_1063, %dma_wait3A_1064] : memref<32x1000000xf32, #tpu.memory_space<hbm>> -> memref<32x128xf32, #tpu.memory_space<hbm>>
    tpu.wait_dma2 semaphore(%arg26 : memref<!tpu.dma_semaphore, #tpu.memory_space<semaphore_mem>>) src(%dma_wait3A_1065 : memref<32x128xf32, #tpu.memory_space<hbm>>) dst(%dma_wait3A_1062 : memref<32x128xf32, #tpu.memory_space<vmem>>)
    %dma_wait3A_1066 = arith.constant 7 : i32
    %dma_wait3A_1067 = arith.constant 0 : i32
    %dma_wait3A_1068 = arith.constant 0 : i32
    %dma_wait3A_1069 = tpu.memref_slice %arg9[%dma_wait3A_1066, %dma_wait3A_1067, %dma_wait3A_1068] : memref<8x32x128xf32, #tpu.memory_space<vmem>> -> memref<1x32x128xf32, #tpu.memory_space<vmem>>
    %dma_wait3A_1070 = tpu.memref_squeeze %dma_wait3A_1069 : memref<1x32x128xf32, #tpu.memory_space<vmem>> -> memref<32x128xf32, #tpu.memory_space<vmem>>
    %dma_wait3A_1071 = arith.constant 0 : i32
    %dma_wait3A_1072 = arith.constant 0 : i32
    %dma_wait3A_1073 = tpu.memref_slice %arg4[%dma_wait3A_1071, %dma_wait3A_1072] : memref<32x1000000xf32, #tpu.memory_space<hbm>> -> memref<32x128xf32, #tpu.memory_space<hbm>>
    %dma_wait3A_1074 = arith.constant 0 : i32
    %dma_wait3A_1075 = arith.constant 0 : i32
    %dma_wait3A_1076 = tpu.memref_slice %arg9[%dma_wait3A_1066, %dma_wait3A_1074, %dma_wait3A_1075] : memref<8x32x128xf32, #tpu.memory_space<vmem>> -> memref<1x32x128xf32, #tpu.memory_space<vmem>>
    %dma_wait3A_1077 = tpu.memref_squeeze %dma_wait3A_1076 : memref<1x32x128xf32, #tpu.memory_space<vmem>> -> memref<32x128xf32, #tpu.memory_space<vmem>>
    %dma_wait3A_1078 = arith.constant 0 : i32
    %dma_wait3A_1079 = arith.constant 0 : i32
    %dma_wait3A_1080 = tpu.memref_slice %arg4[%dma_wait3A_1078, %dma_wait3A_1079] : memref<32x1000000xf32, #tpu.memory_space<hbm>> -> memref<32x128xf32, #tpu.memory_space<hbm>>
    tpu.wait_dma2 semaphore(%arg19 : memref<!tpu.dma_semaphore, #tpu.memory_space<semaphore_mem>>) src(%dma_wait3A_1080 : memref<32x128xf32, #tpu.memory_space<hbm>>) dst(%dma_wait3A_1077 : memref<32x128xf32, #tpu.memory_space<vmem>>)
    %dma_wait3A_1081 = arith.constant 7 : i32
    %dma_wait3A_1082 = arith.constant 0 : i32
    %dma_wait3A_1083 = arith.constant 0 : i32
    %dma_wait3A_1084 = tpu.memref_slice %arg10[%dma_wait3A_1081, %dma_wait3A_1082, %dma_wait3A_1083] : memref<8x32x128xf32, #tpu.memory_space<vmem>> -> memref<1x32x128xf32, #tpu.memory_space<vmem>>
    %dma_wait3A_1085 = tpu.memref_squeeze %dma_wait3A_1084 : memref<1x32x128xf32, #tpu.memory_space<vmem>> -> memref<32x128xf32, #tpu.memory_space<vmem>>
    %dma_wait3A_1086 = arith.constant 0 : i32
    %dma_wait3A_1087 = arith.constant 0 : i32
    %dma_wait3A_1088 = tpu.memref_slice %arg5[%dma_wait3A_1086, %dma_wait3A_1087] : memref<32x1000000xf32, #tpu.memory_space<hbm>> -> memref<32x128xf32, #tpu.memory_space<hbm>>
    %dma_wait3A_1089 = arith.constant 0 : i32
    %dma_wait3A_1090 = arith.constant 0 : i32
    %dma_wait3A_1091 = tpu.memref_slice %arg10[%dma_wait3A_1081, %dma_wait3A_1089, %dma_wait3A_1090] : memref<8x32x128xf32, #tpu.memory_space<vmem>> -> memref<1x32x128xf32, #tpu.memory_space<vmem>>
    %dma_wait3A_1092 = tpu.memref_squeeze %dma_wait3A_1091 : memref<1x32x128xf32, #tpu.memory_space<vmem>> -> memref<32x128xf32, #tpu.memory_space<vmem>>
    %dma_wait3A_1093 = arith.constant 0 : i32
    %dma_wait3A_1094 = arith.constant 0 : i32
    %dma_wait3A_1095 = tpu.memref_slice %arg5[%dma_wait3A_1093, %dma_wait3A_1094] : memref<32x1000000xf32, #tpu.memory_space<hbm>> -> memref<32x128xf32, #tpu.memory_space<hbm>>
    tpu.wait_dma2 semaphore(%arg27 : memref<!tpu.dma_semaphore, #tpu.memory_space<semaphore_mem>>) src(%dma_wait3A_1095 : memref<32x128xf32, #tpu.memory_space<hbm>>) dst(%dma_wait3A_1092 : memref<32x128xf32, #tpu.memory_space<vmem>>)
    "tpu.region"() ({
      %run_scoped3A = tpu.sem_alloc : memref<!tpu.dma_semaphore, #tpu.memory_space<semaphore_mem>>
      %dma_start3A_1096 = tpu.memref_slice %arg6[%mul3A_2] : memref<16384xf32, #tpu.memory_space<hbm>> -> memref<512xf32, #tpu.memory_space<hbm>>
      %dma_start3A_1097 = tpu.memref_slice %arg6[%mul3A_2] : memref<16384xf32, #tpu.memory_space<hbm>> -> memref<512xf32, #tpu.memory_space<hbm>>
      tpu.enqueue_dma source(%arg11 : memref<512xf32, #tpu.memory_space<vmem>>) target(%dma_start3A_1097 : memref<512xf32, #tpu.memory_space<hbm>>) target_semaphore(%run_scoped3A : memref<!tpu.dma_semaphore, #tpu.memory_space<semaphore_mem>>)
      %dma_wait3A_1098 = tpu.memref_slice %arg6[%mul3A_2] : memref<16384xf32, #tpu.memory_space<hbm>> -> memref<512xf32, #tpu.memory_space<hbm>>
      %dma_wait3A_1099 = tpu.memref_slice %arg6[%mul3A_2] : memref<16384xf32, #tpu.memory_space<hbm>> -> memref<512xf32, #tpu.memory_space<hbm>>
      tpu.wait_dma2 semaphore(%run_scoped3A : memref<!tpu.dma_semaphore, #tpu.memory_space<semaphore_mem>>) src(%arg11 : memref<512xf32, #tpu.memory_space<vmem>>) dst(%dma_wait3A_1099 : memref<512xf32, #tpu.memory_space<hbm>>)
      tpu.yield
    }) : () -> ()
    return
  }
}

</mosaic_0001>

<sc_bundles>
// kernel: _cml_scores.3.cloned.1.call-start
scs
__scs_entry_jumppad:
0x0: {  	(pc) =	sbr.rel $0x88, $3  }
0x1: {  	(tag) =	ssettag $0x0;
	lr =	simm.s32 $0x1  }
0x2: {  	[smem:$0x3F9D] =	sst lr;
	_ =	strace $0xD0000000  }
0x3: {  	_ = 	snop  }
0x4: {  	_ = 	snop  }
0x5: {  	_ = 	snop  }
0x6: {  	_ = 	snop  }
0x7: {  	_ = 	snop  }
__scs_overlays_trampoline_lowered:
0x8: {  	[smem:$0x3FAC] =	sst s0  }
0x9: {  	[smem:$0x3FAD] =	sst s1  }
0xa: {  	[smem:$0x3FAE] =	sst s2  }
0xb: {  	[smem:$0x3FAF] =	sst s3  }
0xc: {  	[smem:$0x3FB0] =	sst s4  }
0xd: {  	[smem:$0x3FB1] =	sst s5  }
0xe: {  	[smem:$0x3FB2] =	sst s6  }
0xf: {  	[smem:$0x3FB3] =	sst s7  }
0x10: {  	[smem:$0x3FB4] =	sst s8  }
0x11: {  	[smem:$0x3FB5] =	sst s9;
	s0 =	simm.s32 @!p0 $0x0  }
0x12: {  	s1 =	sld [smem:$0x3F9B];
	s0 =	simm.s32 @p0 $0x1  }
0x13: {  	[smem:$0x3FB6] =	sst s0;
	s0 =	simm.s32 @!p1 $0x0  }
0x14: {  	s2 =	sld [smem:$0x3F9A];
	s0 =	simm.s32 @p1 $0x1  }
0x15: {  	[smem:$0x3FB7] =	sst s0;
	s0 =	simm.s32 @!p2 $0x0  }
0x16: {  	s3 =	sld [smem:$0x3FDB];
	s0 =	simm.s32 @p2 $0x1  }
0x17: {  	s4 =	simm.s32 $0x1BF5;
	[smem:$0x3FB9] =	sst s0  }
0x18: {  	s0 =	sld [smem:$0x3F9C];
	_ =	swait.ge [sflag:s4], $0x0  }
0x19: {  	s7 =	sld [smem:$0x3F9D]  }
0x1a: {  	s8 =	sadd.s32 $0xFFFFE003, lr  }
0x1b: {  	s9 =	sadd.s32 $0xFFFFFEF7, lr;
	s5 =	simm.s32 $0xFFFFFFFF;
	p2 =	slt.u32 s8, $0xFFFFF086  }
0x1c: {  	p1 =	slt.u32 s9, $0xF7A;
	s5 =	simm.s32 @!p2 $0x0  }
0x1d: {  	s5 =	simm.s32 @p1 $0x1;
	p0 =	seq.s32 s7, s2  }
0x1e: {  	s7 =	smul.u32 @!p0 $0xF7A, s2;
	p2 =	seq.s32 @!p0 s5, $0x0  }
0x1f: {  	s9 =	smul.u32 $0xF7A, s1;
	s8 =	simm.s32 @!p0 $0x1BF5;
	p2 =	por !p2, p0  }
0x20: {  	[sflag:s8] =	ssyncset.s32 @!p0 $0xFFFFF086;
	s6 =	sadd.s32 @!p0 s3, s7;
	s7 =	simm.s32 @!p0 $0x108  }
0x21: {  	s3 =	sadd.s32 s3, s9;
	s6 =	sadd.s32 @!p0 $0x88, s6;
	s7 =	simm.s32 @p2 $0x1082  }
0x22: {  	[simem:s7], [sflag:s8] =	dma.local @!p0 [hbm:s6], $0xF7A  }
0x23: {  	s9 =	sor.u32 $0xD0000000, s2;
	s6 =	simm.s32 $0x108;
	_ =	swait.ge @!p0 [sflag:s8], $0x0  }
0x24: {  	s3 =	sadd.s32 $0x88, s3;
	s6 =	simm.s32 @!p1 $0x1082;
	[sflag:s4] =	ssyncset.s32 $0xFFFFF086  }
0x25: {  	[simem:s6], [sflag:s4] =	dma.local [hbm:s3], $0xF7A  }
0x26: {  	[smem:$0x3F9D] =	sst s1;
	(tag) =	ssettag s2;
	_ =	strace s9  }
0x27: {  	s1 =	sld [smem:$0x3FAD]  }
0x28: {  	s2 =	sld [smem:$0x3FAE]  }
0x29: {  	s4 =	sld [smem:$0x3FB0]  }
0x2a: {  	p0 =	seq.s32 s5, $0x0;
	s5 =	sld [smem:$0x3FB1]  }
0x2b: {  	s6 =	sld [smem:$0x3FB2]  }
0x2c: {  	s7 =	sld [smem:$0x3FB3]  }
0x2d: {  	s3 =	simm.s32 $0x108;
	s8 =	sld [smem:$0x3FB4]  }
0x2e: {  	s3 =	simm.s32 @!p0 $0x1082;
	s9 =	sld [smem:$0x3FB5]  }
0x2f: {  	lr =	sadd.s32 s0, s3;
	s0 =	sld [smem:$0x3FAC]  }
0x30: {  	s3 =	sld [smem:$0x3FAF]  }
0x31: {  	[smem:$0x3FB8] =	sst s10  }
0x32: {  	s10 =	sld [smem:$0x3FB6];
	_ =	sdelay $0x3  }
0x33: {  	p0 =	seq.s32 s10, $0x1;
	s10 =	sld [smem:$0x3FB8];
	_ =	sdelay $0x3  }
0x34: {  	[smem:$0x3FB8] =	sst s10  }
0x35: {  	s10 =	sld [smem:$0x3FB7];
	_ =	sdelay $0x3  }
0x36: {  	p1 =	seq.s32 s10, $0x1;
	s10 =	sld [smem:$0x3FB8];
	_ =	sdelay $0x3  }
0x37: {  	[smem:$0x3FB8] =	sst s10  }
0x38: {  	s10 =	sld [smem:$0x3FB9]  }
0x39: {  	_ = 	snop;
	(pc) =	sbr.ind lr, $3  }
0x3a: {  	_ = 	snop  }
0x3b: {  	_ = 	snop  }
0x3c: {  	p2 =	seq.s32 s10, $0x1;
	s10 =	sld [smem:$0x3FB8]  }
0x3d: {  	_ =	shalt  }
0x3e: {  	_ =	shalt  }
0x3f: {  	_ =	shalt  }
0x40: {  	_ =	shalt  }
0x41: {  	_ =	shalt  }
0x42: {  	_ =	shalt  }
0x43: {  	_ =	shalt  }
0x44: {  	_ =	shalt  }
0x45: {  	_ =	shalt  }
0x46: {  	_ =	shalt  }
0x47: {  	_ =	shalt  }
0x48: {  	_ =	shalt  }
0x49: {  	_ =	shalt  }
0x4a: {  	_ =	shalt  }
0x4b: {  	_ =	shalt  }
0x4c: {  	_ =	shalt  }
0x4d: {  	_ =	shalt  }
0x4e: {  	_ =	shalt  }
0x4f: {  	_ =	shalt  }
0x50: {  	_ =	shalt  }
0x51: {  	_ =	shalt  }
0x52: {  	_ =	shalt  }
0x53: {  	_ =	shalt  }
0x54: {  	_ =	shalt  }
0x55: {  	_ =	shalt  }
0x56: {  	_ =	shalt  }
0x57: {  	_ =	shalt  }
0x58: {  	_ =	shalt  }
0x59: {  	_ =	shalt  }
0x5a: {  	_ =	shalt  }
0x5b: {  	_ =	shalt  }
0x5c: {  	_ =	shalt  }
0x5d: {  	_ =	shalt  }
0x5e: {  	_ =	shalt  }
0x5f: {  	_ =	shalt  }
0x60: {  	_ =	shalt  }
0x61: {  	_ =	shalt  }
0x62: {  	_ =	shalt  }
0x63: {  	_ =	shalt  }
0x64: {  	_ =	shalt  }
0x65: {  	_ =	shalt  }
0x66: {  	_ =	shalt  }
0x67: {  	_ =	shalt  }
0x68: {  	_ =	shalt  }
0x69: {  	_ =	shalt  }
0x6a: {  	_ =	shalt  }
0x6b: {  	_ =	shalt  }
0x6c: {  	_ =	shalt  }
0x6d: {  	_ =	shalt  }
0x6e: {  	_ =	shalt  }
0x6f: {  	_ =	shalt  }
0x70: {  	_ =	shalt  }
0x71: {  	_ =	shalt  }
0x72: {  	_ =	shalt  }
0x73: {  	_ =	shalt  }
0x74: {  	_ =	shalt  }
0x75: {  	_ =	shalt  }
0x76: {  	_ =	shalt  }
0x77: {  	_ =	shalt  }
0x78: {  	_ =	shalt  }
0x79: {  	_ =	shalt  }
0x7a: {  	_ =	shalt  }
0x7b: {  	_ =	shalt  }
0x7c: {  	_ =	shalt  }
0x7d: {  	_ =	shalt  }
0x7e: {  	_ =	shalt  }
0x7f: {  	_ =	shalt  }
0x80: {  	_ =	shalt  }
0x81: {  	_ =	shalt  }
0x82: {  	_ =	shalt  }
0x83: {  	_ =	shalt  }
0x84: {  	_ =	shalt  }
0x85: {  	_ =	shalt  }
0x86: {  	_ =	shalt  }
0x87: {  	_ =	shalt  }
.Lfunc_end0:
.L_simem_size_0:
called_computation_lowered:
.L_overlay_start_0:
0x88: {  	s2 =	sld [smem:$0x3FD9]  }
0x89: {  	s3 =	sld [smem:$0x3FFE];
	_ =	sdelay $0x1  }
0x8a: {  	s1 =	srdreg.scid  }
0x8b: {  	s0 =	sand.u32 $0x1, s1  }
0x8c: {  	s18 =	sshll.u32 s0, $0xA;
	s2 =	sadd.s32 s3, s2  }
0x8d: {  	s2 =	sadd.s32 s2, s18  }
0x8e: {  	[smem:$0x3FC4] =	sst s2  }
0x8f: {  	_ = 	snop  }
0x90: {  	s2 =	sld [smem:$0x3FC9]  }
0x91: {  	s19 =	sld [smem:$0x3FC8]  }
0x92: {  	s4 =	sld [smem:$0x3FC7]  }
0x93: {  	s5 =	sld [smem:$0x3FC6]  }
0x94: {  	s6 =	sld [smem:$0x3FD0];
	(tm) =	ssettm $0x1  }
0x95: {  	s7 =	sld [smem:$0x3FFB];
	_ =	sdelay $0x3  }
0x96: {  	_ =	strace s7  }
0x97: {  	s7 =	sld [smem:$0x3FFC];
	_ =	sdelay $0x3  }
0x98: {  	_ =	strace s7  }
0x99: {  	s7 =	sld [smem:$0x3FFD];
	_ =	sdelay $0x3  }
0x9a: {  	_ =	strace s7  }
0x9b: {  	_ =	strace $0x8FFFFFFF  }
0x9c: {  	s20 =	sld [smem:$0x3FDB];
	_ =	sdelay $0x1  }
0x9d: {  	s8 =	simm.s32 $_scs_section_size  }
0x9e: {  	s9 =	simm.s32 $_size__tile_overlayer_lowered;
	s10 =	simm.s32 $_tile_overlayer_lowered  }
0x9f: {  	s23 =	simm.s32 $0x1BFF;
	s22 =	sshll.u32 s10, $0x1;
	s7 =	sadd.s32 s8, s20  }
0xa0: {  	s11 =	simm.s32 $0x0;
	s21 =	sshll.u32 s9, $0x1;
	s9 =	sadd.s32 s22, s7  }
0xa1: {  	[timem:s11], [sflag:s23] =	dma.local [hbm:s9], s21  }
0xa2: {  	_ =	swait.ge [sflag:s23], s21  }
0xa3: {  	s8 =	ssub.s32 $0x0, s21;
	[sflag:s23] =	ssyncset.done $0x0  }
0xa4: {  	[sflag:s23] =	ssyncadd.s32 s8;
	_ =	sdelay $0x1  }
0xa5: {  	s24 =	simm.s32 $0x1B8B  }
0xa6: {  	_ =	swait.ge [sflag:s24], $0x1  }
0xa7: {  	[sflag:s24] =	ssyncset.done $0x0  }
0xa8: {  	s25 =	simm.s32 $0x1B8E;
	[sflag:s24] =	ssyncadd.s32 $0xFFFFFFFF  }
0xa9: {  	s26 =	simm.s32 $execute0_lowered;
	[smem:$0x3FD2] =	sst s25  }
0xaa: {  	s8 =	sshll.u32 s26, $0x1;
	_ =	strace $0x80000046;
	[dreg:$0x1] =	wrdreg $0xFFFFFFFF  }
0xab: {  	s28 =	simm.s32 $_size_execute0_lowered;
	s7 =	sadd.s32 s7, s8;
	[dreg:$0x0] =	wrdreg $0x0  }
0xac: {  	s8 =	sshll.u32 s28, $0x1;
	[dreg:$0x2] =	wrdreg s7  }
0xad: {  	[dreg:$0x3] =	wrdreg s8  }
0xae: {  	[dreg:$0x4] =	wrdreg $0xC0  }
0xaf: {  	_ =	task [dreg:s11], $0x5FFFF  }
0xb0: {  	[dreg:$0x1] =	wrdreg $0xFFFFFFFF  }
0xb1: {  	[dreg:$0x0] =	wrdreg $0x60  }
0xb2: {  	[dreg:$0x2] =	wrdreg s2  }
0xb3: {  	[dreg:$0x3] =	wrdreg s19  }
0xb4: {  	[dreg:$0x4] =	wrdreg s4  }
0xb5: {  	[dreg:$0x5] =	wrdreg s5  }
0xb6: {  	[dreg:$0x6] =	wrdreg s6  }
0xb7: {  	[dreg:$0x7] =	wrdreg $0x9  }
0xb8: {  	_ =	task.clear_ibuf [dreg:s11], $0x8FFFF;
	_ =	strace $0x90000046  }
0xb9: {  	s29 =	simm.s32 $0x9;
	_ =	strace $0x80000048  }
0xba: {  	_ =	swait.ge [sflag:s29], $0x1  }
0xbb: {  	[sflag:s29] =	ssyncadd.s32 $0xFFFFFFFF  }
0xbc: {  	_ =	strace $0x90000048  }
0xbd: {  	_ =	sfence  }
0xbe: {  	s30 =	sld [smem:$0x0];
	_ =	sdelay $0x2  }
0xbf: {  	s31 =	sshll.u32 s1, $0xD;
	s1 =	sshrl.u32 s1, $0x2  }
0xc0: {  	s3 =	sand.u32 $0x4000, s31;
	s1 =	sadd.s32 s1, s30  }
0xc1: {  	s0 =	sor.u32 s3, s0;
	s1 =	sshll.u32 s1, $0x11  }
0xc2: {  	s0 =	sor.u32 s1, s0  }
0xc3: {  	s0 =	sadd.s32 $0x8F2B, s0  }
0xc4: {  	[sflag:s0] =	ssyncadd.remote.s32 $0x1  }
0xc5: {  	_ =	sfence.sel $0xFFFF  }
0xc6: {  	[dreg:$0x0] =	wrdreg $0xFFFFFFFF;
	(pc) =	sbr.abs _section_cstart, $3  }
0xc7: {  	[dreg:$0x1] =	wrdreg $0xFFFFFFFF  }
0xc8: {  	_ =	task.clear_ibuf [dreg:s11], $0x2FFFF;
	_ =	strace $0x9FFFFFFF  }
0xc9: {  	(tm) =	ssettm $0x7FFFFFFF  }
tec
execute0_lowered:
.L_overlay_start_1:
0x0: {  	(tag) =	ssettag $0x1  }
0x1: {  	s0 =	rddreg [dreg:$0x0]  }
0x2: {  	s3 =	rddreg [dreg:$0x1]  }
0x3: {  	s1 =	rddreg [dreg:$0x2]  }
0x4: {  	s2 =	rddreg [dreg:$0x3]  }
0x5: {  	s4 =	rddreg [dreg:$0x4];
	s18 =	simm.s32 $0x0;
	s5 =	srdreg.scid  }
0x6: {  	s7 =	stileid.u32;
	s20 =	simm.s32 $0x11;
	s11 =	simm.s32 $0x7A1400  }
0x7: {  	s12 =	simm.s32 $0x400;
	s13 =	simm.s32 $0x8400;
	s22 =	simm.s32 $0x1400  }
0x8: {  	s23 =	simm.s32 $0x9400;
	s28 =	simm.s32 $0xB400;
	s29 =	simm.s32 $0x1  }
0x9: {  	s30 =	simm.s32 $0x9;
	s31 =	simm.s32 $0x2;
	s10 =	simm.s32 $0xB  }
0xa: {  	s9 =	simm.s32 $0xE;
	s14 =	simm.s32 $0x7;
	s15 =	simm.s32 $0xF  }
0xb: {  	s16 =	simm.s32 $0x8;
	s17 =	simm.s32 $0x10;
	s21 =	simm.s32 $0x0  }
0xc: {  	vm0 =	vmmov $0x1;
	[smem:$0x7FF] =	sst s18;
	s5 =	sand.u32 $0x1, s5;
	s7 =	sshll.u32 s7, $0x7  }
0xd: {  	vm2 =	vcmask $0x70C;
	vm3 =	vcmask $0xB10;
	v0 =	vlaneseq.u32;
	s6 =	ssub.s32 $0x2, s5;
	s5 =	sshll.u32 s5, $0x6;
	_ =	strace $0x80000047  }
0xe: {  	vm4 =	vcmask $0xF14;
	vm5 =	vcmask $0x1318;
	v1 =	vmul.u32 $0x80, v0;
	s8 =	sshrl.u32 s6, $0x1;
	s5 =	sor.u32 s5, s7;
	s7 =	simm.s32 $0x5  }
0xf: {  	vm6 =	vcmask $0x171C;
	vm7 =	vcmask $0x1B20;
	v2 =	vimm.f32 $0.0e+00;
	s6 =	ssub.s32 s6, s8;
	s0 =	sadd.s32 s0, s5;
	s24 =	sadd.s32 s3, s5  }
0x10: {  	v3 =	vor.u32 $0x800, v1;
	v4 =	vor.u32 $0x1000, v1;
	v5 =	vor.u32 $0x1800, v1;
	s25 =	sadd.s32 s4, s5;
	s3 =	simm.s32 $0x3;
	[dreg:$0x6] =	wrdreg s0  }
0x11: {  	v6 =	vor.u32 $0x2000, v1;
	v7 =	vor.u32 $0x2800, v1;
	v8 =	vor.u32 $0x3000, v1;
	s5 =	simm.s32 $0x4;
	s8 =	simm.s32 $0xD;
	[dreg:$0x7] =	wrdreg s24  }
0x12: {  	v9 =	vor.u32 $0x3800, v1;
	v10 =	vor.u32 $0x4000, v1;
	v11 =	vor.u32 $0x4800, v1;
	s4 =	simm.s32 $0x6;
	[dreg:$0x8] =	wrdreg s25;
	s26 =	smax.u32 s6, $0x1  }
0x13: {  	v12 =	vor.u32 $0x5000, v1;
	v13 =	vor.u32 $0x5800, v1;
	v14 =	vor.u32 $0x6000, v1;
	s24 =	simm.s32 $0x2400;
	s25 =	simm.s32 $0xA400;
	s0 =	simm.s32 $0xA  }
0x14: {  	v15 =	vor.u32 $0x6800, v1;
	v16 =	vor.u32 $0x7000, v1;
	v17 =	vor.u32 $0x7800, v1;
	s6 =	simm.s32 $0xC;
	[dreg:$0x9] =	wrdreg s26;
	s26 =	simm.s32 $0x3400  }
.LBB2_1:
0x15: {  	[dreg:$0xa] =	wrdreg s21  }
0x16: {  	s19 =	rddreg [dreg:$0x6]  }
0x17: {  	[tilespmem:s18], [sflag:$0x11] =	stream.linear.gather [hbm4b:s19+s18], $0x200, $0x38;
	[tilespmem:$0x10600] =	vst v63  }
0x18: {  	_ =	swait.ge [sflag:s20], $0x200  }
0x19: {  	[sflag:s20] =	ssyncset.done $0x0  }
0x1a: {  	s21 =	simm.s32 $0x200;
	s19 =	rddreg [dreg:$0x7];
	[sflag:s20] =	ssyncadd.s32 $0xFFFFFE00  }
0x1b: {  	[tilespmem:s21], [sflag:$0x11] =	stream.linear.gather [hbm4b:s19+s18], $0x200, $0x38;
	[tilespmem:$0x10600] =	vst v63  }
0x1c: {  	_ =	swait.ge [sflag:s20], $0x200  }
0x1d: {  	[sflag:s20] =	ssyncset.done $0x0  }
0x1e: {  	[sflag:s20] =	ssyncadd.s32 $0xFFFFFE00  }
0x1f: {  	v18 =	vld [tilespmem:$0x0];
	_ =	sdelay $0x1  }
0x20: {  	v19 =	vld [tilespmem:$0x200];
	_ =	sdelay $0x2  }
0x21: {  	v18 =	vnsel vm0, $0x0, v18  }
0x22: {  	(xrf0) =	vadd.scan.msk.s32 $0xffff, v18  }
0x23: {  	v18 =	vnsel vm0, $0x0, v19  }
0x24: {  	(xrf0) =	vadd.scan.msk.s32 $0xffff, v18;
	_ =	sdelay $0x3  }
0x25: {  	v18, _, _ =	vpop (xrf0)  }
0x26: {  	(v2sf) =	vpush v18, $0xF  }
0x27: {  	v18, _, _ =	vpop (xrf0)  }
0x28: {  	(v2sf) =	vpush v18, $0xF;
	_ =	sdelay $0xc  }
0x29: {  	s19 =	spop (v2sf)  }
0x2a: {  	s18 =	sand.u32 $0xFFFFF80, s19  }
0x2b: {  	s20 =	spop (v2sf);
	s18 =	sadd.s32 s1, s18  }
0x2c: {  	[tilespmem:s12], [sflag:$0x1] =	stream.strided.gather [hbm4b:s18+s12], $0x1000, s11, s12, $0x38;
	[tilespmem:$0x10600] =	vst v63  }
0x2d: {  	s18 =	sand.u32 $0xFFFFF80, s20  }
0x2e: {  	s18 =	sadd.s32 s2, s18  }
0x2f: {  	[tilespmem:s13], [sflag:$0x9] =	stream.strided.gather [hbm4b:s18+s12], $0x1000, s11, s12, $0x38;
	[tilespmem:$0x10600] =	vst v63  }
0x30: {  	v18 =	vld [tilespmem:$0x0];
	_ =	sdelay $0x3  }
0x31: {  	vm1 =	vcmask $0x308;
	v19 =	vld [tilespmem:$0x200]  }
0x32: {  	v18 =	vsel vm1, $0x0, v18  }
0x33: {  	(xrf0) =	vadd.scan.msk.s32 $0xffff, v18;
	_ =	sdelay $0x2  }
0x34: {  	v18 =	vsel vm1, $0x0, v19  }
0x35: {  	(xrf0) =	vadd.scan.msk.s32 $0xffff, v18;
	_ =	sdelay $0x1  }
0x36: {  	v18, _, _ =	vpop (xrf0)  }
0x37: {  	(v2sf) =	vpush v18, $0xF;
	_ =	sdelay $0x2  }
0x38: {  	v18, _, _ =	vpop (xrf0)  }
0x39: {  	(v2sf) =	vpush v18, $0xF;
	_ =	sdelay $0xa  }
0x3a: {  	s21 =	spop (v2sf)  }
0x3b: {  	s18 =	sand.u32 $0xFFFFF80, s21  }
0x3c: {  	s18 =	sadd.s32 s1, s18  }
0x3d: {  	[tilespmem:s22], [sflag:$0x2] =	stream.strided.gather [hbm4b:s18+s12], $0x1000, s11, s12, $0x38;
	[tilespmem:$0x10600] =	vst v63  }
0x3e: {  	s22 =	spop (v2sf)  }
0x3f: {  	s18 =	sand.u32 $0xFFFFF80, s22  }
0x40: {  	s18 =	sadd.s32 s2, s18  }
0x41: {  	[tilespmem:s23], [sflag:$0xA] =	stream.strided.gather [hbm4b:s18+s12], $0x1000, s11, s12, $0x38;
	[tilespmem:$0x10600] =	vst v63  }
0x42: {  	v18 =	vld [tilespmem:$0x0];
	_ =	sdelay $0x3  }
0x43: {  	v19 =	vld [tilespmem:$0x200]  }
0x44: {  	v18 =	vsel vm2, $0x0, v18  }
0x45: {  	(xrf0) =	vadd.scan.msk.s32 $0xffff, v18;
	_ =	sdelay $0x2  }
0x46: {  	v18 =	vsel vm2, $0x0, v19  }
0x47: {  	(xrf0) =	vadd.scan.msk.s32 $0xffff, v18;
	_ =	sdelay $0x1  }
0x48: {  	v18, _, _ =	vpop (xrf0)  }
0x49: {  	(v2sf) =	vpush v18, $0xF;
	_ =	sdelay $0x2  }
0x4a: {  	v18, _, _ =	vpop (xrf0)  }
0x4b: {  	(v2sf) =	vpush v18, $0xF;
	_ =	sdelay $0xa  }
0x4c: {  	s23 =	spop (v2sf)  }
0x4d: {  	s18 =	sand.u32 $0xFFFFF80, s23  }
0x4e: {  	s18 =	sadd.s32 s1, s18  }
0x4f: {  	[tilespmem:s24], [sflag:$0x3] =	stream.strided.gather [hbm4b:s18+s12], $0x1000, s11, s12, $0x38;
	[tilespmem:$0x10600] =	vst v63  }
0x50: {  	s24 =	spop (v2sf)  }
0x51: {  	s18 =	sand.u32 $0xFFFFF80, s24  }
0x52: {  	s18 =	sadd.s32 s2, s18  }
0x53: {  	[tilespmem:s25], [sflag:$0xB] =	stream.strided.gather [hbm4b:s18+s12], $0x1000, s11, s12, $0x38;
	[tilespmem:$0x10600] =	vst v63  }
0x54: {  	v18 =	vld [tilespmem:$0x0];
	_ =	sdelay $0x3  }
0x55: {  	v19 =	vld [tilespmem:$0x200]  }
0x56: {  	v18 =	vsel vm3, $0x0, v18  }
0x57: {  	(xrf0) =	vadd.scan.msk.s32 $0xffff, v18;
	_ =	sdelay $0x2  }
0x58: {  	v18 =	vsel vm3, $0x0, v19  }
0x59: {  	(xrf0) =	vadd.scan.msk.s32 $0xffff, v18;
	_ =	sdelay $0x1  }
0x5a: {  	v18, _, _ =	vpop (xrf0)  }
0x5b: {  	(v2sf) =	vpush v18, $0xF;
	_ =	sdelay $0x2  }
0x5c: {  	v18, _, _ =	vpop (xrf0)  }
0x5d: {  	(v2sf) =	vpush v18, $0xF;
	_ =	sdelay $0xa  }
0x5e: {  	s25 =	spop (v2sf)  }
0x5f: {  	s18 =	sand.u32 $0xFFFFF80, s25  }
0x60: {  	s18 =	sadd.s32 s1, s18  }
0x61: {  	[tilespmem:s26], [sflag:$0x4] =	stream.strided.gather [hbm4b:s18+s12], $0x1000, s11, s12, $0x38;
	[tilespmem:$0x10600] =	vst v63  }
0x62: {  	s26 =	spop (v2sf)  }
0x63: {  	s18 =	sand.u32 $0xFFFFF80, s26  }
0x64: {  	s18 =	sadd.s32 s2, s18  }
0x65: {  	[tilespmem:s28], [sflag:$0xC] =	stream.strided.gather [hbm4b:s18+s12], $0x1000, s11, s12, $0x38;
	[tilespmem:$0x10600] =	vst v63  }
0x66: {  	v18 =	vld [tilespmem:$0x0];
	_ =	sdelay $0x1  }
0x67: {  	v19 =	vld [tilespmem:$0x200];
	_ =	sdelay $0x2  }
0x68: {  	v18 =	vsel vm4, $0x0, v18  }
0x69: {  	(xrf0) =	vadd.scan.msk.s32 $0xffff, v18  }
0x6a: {  	v18 =	vsel vm4, $0x0, v19  }
0x6b: {  	(xrf0) =	vadd.scan.msk.s32 $0xffff, v18;
	_ =	sdelay $0x3  }
0x6c: {  	v18, _, _ =	vpop (xrf0)  }
0x6d: {  	(v2sf) =	vpush v18, $0xF  }
0x6e: {  	v18, _, _ =	vpop (xrf0)  }
0x6f: {  	(v2sf) =	vpush v18, $0xF;
	_ =	sdelay $0xc  }
0x70: {  	s19 =	spop (v2sf)  }
0x71: {  	s18 =	sand.u32 $0xFFFFF80, s19  }
0x72: {  	s20 =	simm.s32 $0x4400;
	s21 =	spop (v2sf);
	s18 =	sadd.s32 s1, s18  }
0x73: {  	[tilespmem:s20], [sflag:$0x5] =	stream.strided.gather [hbm4b:s18+s12], $0x1000, s11, s12, $0x38;
	[tilespmem:$0x10600] =	vst v63  }
0x74: {  	s18 =	sand.u32 $0xFFFFF80, s21  }
0x75: {  	s22 =	simm.s32 $0xC400;
	s18 =	sadd.s32 s2, s18  }
0x76: {  	[tilespmem:s22], [sflag:$0xD] =	stream.strided.gather [hbm4b:s18+s12], $0x1000, s11, s12, $0x38;
	[tilespmem:$0x10600] =	vst v63  }
0x77: {  	v18 =	vld [tilespmem:$0x0];
	_ =	sdelay $0x1  }
0x78: {  	v19 =	vld [tilespmem:$0x200];
	_ =	sdelay $0x2  }
0x79: {  	v18 =	vsel vm5, $0x0, v18  }
0x7a: {  	(xrf0) =	vadd.scan.msk.s32 $0xffff, v18  }
0x7b: {  	v18 =	vsel vm5, $0x0, v19  }
0x7c: {  	(xrf0) =	vadd.scan.msk.s32 $0xffff, v18;
	_ =	sdelay $0x3  }
0x7d: {  	v18, _, _ =	vpop (xrf0)  }
0x7e: {  	(v2sf) =	vpush v18, $0xF  }
0x7f: {  	v18, _, _ =	vpop (xrf0)  }
0x80: {  	(v2sf) =	vpush v18, $0xF;
	_ =	sdelay $0xc  }
0x81: {  	s23 =	spop (v2sf)  }
0x82: {  	s18 =	sand.u32 $0xFFFFF80, s23  }
0x83: {  	s24 =	simm.s32 $0x5400;
	s25 =	spop (v2sf);
	s18 =	sadd.s32 s1, s18  }
0x84: {  	[tilespmem:s24], [sflag:$0x6] =	stream.strided.gather [hbm4b:s18+s12], $0x1000, s11, s12, $0x38;
	[tilespmem:$0x10600] =	vst v63  }
0x85: {  	s18 =	sand.u32 $0xFFFFF80, s25  }
0x86: {  	s26 =	simm.s32 $0xD400;
	s18 =	sadd.s32 s2, s18  }
0x87: {  	[tilespmem:s26], [sflag:$0xE] =	stream.strided.gather [hbm4b:s18+s12], $0x1000, s11, s12, $0x38;
	[tilespmem:$0x10600] =	vst v63  }
0x88: {  	v18 =	vld [tilespmem:$0x0];
	_ =	sdelay $0x1  }
0x89: {  	v19 =	vld [tilespmem:$0x200];
	_ =	sdelay $0x2  }
0x8a: {  	v18 =	vsel vm6, $0x0, v18  }
0x8b: {  	(xrf0) =	vadd.scan.msk.s32 $0xffff, v18  }
0x8c: {  	v18 =	vsel vm6, $0x0, v19  }
0x8d: {  	(xrf0) =	vadd.scan.msk.s32 $0xffff, v18;
	_ =	sdelay $0x3  }
0x8e: {  	v18, _, _ =	vpop (xrf0)  }
0x8f: {  	(v2sf) =	vpush v18, $0xF  }
0x90: {  	v18, _, _ =	vpop (xrf0)  }
0x91: {  	(v2sf) =	vpush v18, $0xF;
	_ =	sdelay $0xc  }
0x92: {  	s19 =	spop (v2sf)  }
0x93: {  	s18 =	sand.u32 $0xFFFFF80, s19  }
0x94: {  	s20 =	simm.s32 $0x6400;
	s21 =	spop (v2sf);
	s18 =	sadd.s32 s1, s18  }
0x95: {  	[tilespmem:s20], [sflag:$0x7] =	stream.strided.gather [hbm4b:s18+s12], $0x1000, s11, s12, $0x38;
	[tilespmem:$0x10600] =	vst v63  }
0x96: {  	s18 =	sand.u32 $0xFFFFF80, s21  }
0x97: {  	s22 =	simm.s32 $0xE400;
	s18 =	sadd.s32 s2, s18  }
0x98: {  	[tilespmem:s22], [sflag:$0xF] =	stream.strided.gather [hbm4b:s18+s12], $0x1000, s11, s12, $0x38;
	[tilespmem:$0x10600] =	vst v63  }
0x99: {  	v18 =	vld [tilespmem:$0x0];
	_ =	sdelay $0x1  }
0x9a: {  	v19 =	vld [tilespmem:$0x200];
	_ =	sdelay $0x2  }
0x9b: {  	v18 =	vsel vm7, $0x0, v18  }
0x9c: {  	(xrf0) =	vadd.scan.msk.s32 $0xffff, v18  }
0x9d: {  	v18 =	vsel vm7, $0x0, v19  }
0x9e: {  	(xrf0) =	vadd.scan.msk.s32 $0xffff, v18;
	_ =	sdelay $0x3  }
0x9f: {  	v18, _, _ =	vpop (xrf0)  }
0xa0: {  	(v2sf) =	vpush v18, $0xF  }
0xa1: {  	v18, _, _ =	vpop (xrf0)  }
0xa2: {  	(v2sf) =	vpush v18, $0xF;
	_ =	sdelay $0xc  }
0xa3: {  	s23 =	spop (v2sf)  }
0xa4: {  	s18 =	sand.u32 $0xFFFFF80, s23  }
0xa5: {  	s24 =	simm.s32 $0x7400;
	s25 =	spop (v2sf);
	s18 =	sadd.s32 s1, s18  }
0xa6: {  	[tilespmem:s24], [sflag:$0x8] =	stream.strided.gather [hbm4b:s18+s12], $0x1000, s11, s12, $0x38;
	[tilespmem:$0x10600] =	vst v63  }
0xa7: {  	s18 =	sand.u32 $0xFFFFF80, s25  }
0xa8: {  	s26 =	simm.s32 $0xF400;
	s18 =	sadd.s32 s2, s18  }
0xa9: {  	[tilespmem:s26], [sflag:$0x10] =	stream.strided.gather [hbm4b:s18+s12], $0x1000, s11, s12, $0x38;
	[tilespmem:$0x10600] =	vst v63  }
0xaa: {  	[tilespmem:$0x10400] =	vst v2  }
0xab: {  	[tilespmem:$0x10410] =	vst v2  }
0xac: {  	[tilespmem:$0x10420] =	vst v2  }
0xad: {  	[tilespmem:$0x10430] =	vst v2  }
0xae: {  	[tilespmem:$0x10440] =	vst v2  }
0xaf: {  	[tilespmem:$0x10450] =	vst v2  }
0xb0: {  	[tilespmem:$0x10460] =	vst v2  }
0xb1: {  	[tilespmem:$0x10470] =	vst v2  }
0xb2: {  	[tilespmem:$0x10480] =	vst v2  }
0xb3: {  	[tilespmem:$0x10490] =	vst v2  }
0xb4: {  	[tilespmem:$0x104A0] =	vst v2  }
0xb5: {  	[tilespmem:$0x104B0] =	vst v2  }
0xb6: {  	[tilespmem:$0x104C0] =	vst v2  }
0xb7: {  	[tilespmem:$0x104D0] =	vst v2  }
0xb8: {  	[tilespmem:$0x104E0] =	vst v2  }
0xb9: {  	[tilespmem:$0x104F0] =	vst v2  }
0xba: {  	[tilespmem:$0x10500] =	vst v2  }
0xbb: {  	[tilespmem:$0x10510] =	vst v2  }
0xbc: {  	[tilespmem:$0x10520] =	vst v2  }
0xbd: {  	[tilespmem:$0x10530] =	vst v2  }
0xbe: {  	[tilespmem:$0x10540] =	vst v2  }
0xbf: {  	[tilespmem:$0x10550] =	vst v2  }
0xc0: {  	[tilespmem:$0x10560] =	vst v2  }
0xc1: {  	[tilespmem:$0x10570] =	vst v2  }
0xc2: {  	[tilespmem:$0x10580] =	vst v2  }
0xc3: {  	[tilespmem:$0x10590] =	vst v2  }
0xc4: {  	[tilespmem:$0x105A0] =	vst v2  }
0xc5: {  	[tilespmem:$0x105B0] =	vst v2  }
0xc6: {  	[tilespmem:$0x105C0] =	vst v2  }
0xc7: {  	[tilespmem:$0x105D0] =	vst v2  }
0xc8: {  	[tilespmem:$0x105E0] =	vst v2  }
0xc9: {  	s28 =	simm.s32 $0x3400;
	s19 =	simm.s32 $0x1;
	s18 =	simm.s32 $0x0;
	[tilespmem:$0x105F0] =	vst v2  }
.LBB2_2:
0xca: {  	s20 =	sand.u32 $0x1F0, s18  }
0xcb: {  	v18 =	vld [tilespmem:s20+$0x0]  }
0xcc: {  	v19 =	vld [tilespmem:s20+$0x200]  }
0xcd: {  	s23 =	sand.u32 $0x8, s18  }
0xce: {  	v20 =	vmov s23  }
0xcf: {  	vm8 =	veq.s32 v20, v0  }
0xd0: {  	v18 =	vnsel vm8, $0x0, v18  }
0xd1: {  	(xrf0) =	vadd.scan.msk.s32 $0xffff, v18;
	v18 =	vnsel vm8, $0x0, v19  }
0xd2: {  	(xrf0) =	vadd.scan.msk.s32 $0xffff, v18;
	_ =	sdelay $0x4  }
0xd3: {  	v18, _, _ =	vpop (xrf0)  }
0xd4: {  	(v2sf) =	vpush v18, $0xF;
	v18, _, _ =	vpop (xrf0)  }
0xd5: {  	(v2sf) =	vpush v18, $0xF;
	_ =	sdelay $0xd  }
0xd6: {  	s24 =	spop (v2sf)  }
0xd7: {  	s25 =	spop (v2sf)  }
0xd8: {  	_ =	swait.ge [sflag:s29], $0x1000  }
0xd9: {  	[sflag:s29] =	ssyncset.done $0x0  }
0xda: {  	[sflag:s29] =	ssyncadd.s32 $0xFFFFF000  }
0xdb: {  	s21 =	smin.u32 s19, $0x3F;
	_ =	swait.ge [sflag:s30], $0x1000  }
0xdc: {  	s22 =	sshll.u32 s21, $0x3;
	[sflag:s30] =	ssyncset.done $0x0  }
0xdd: {  	s21 =	sand.u32 $0x1F0, s22;
	[sflag:s30] =	ssyncadd.s32 $0xFFFFF000  }
0xde: {  	s22 =	sand.u32 $0x8, s22;
	v18 =	vld [tilespmem:s21+$0x0]  }
0xdf: {  	v19 =	vmov s22  }
0xe0: {  	vm9 =	veq.s32 v19, v0;
	v19 =	vld [tilespmem:s21+$0x200];
	_ =	sdelay $0x2  }
0xe1: {  	v18 =	vnsel vm9, $0x0, v18  }
0xe2: {  	(xrf0) =	vadd.scan.msk.s32 $0xffff, v18  }
0xe3: {  	v18 =	vnsel vm9, $0x0, v19  }
0xe4: {  	(xrf0) =	vadd.scan.msk.s32 $0xffff, v18;
	_ =	sdelay $0x3  }
0xe5: {  	v18, _, _ =	vpop (xrf0)  }
0xe6: {  	(v2sf) =	vpush v18, $0xF  }
0xe7: {  	v18, _, _ =	vpop (xrf0)  }
0xe8: {  	(v2sf) =	vpush v18, $0xF;
	_ =	sdelay $0x6  }
0xe9: {  	s25 =	sand.u32 $0x7F, s25  }
0xea: {  	v33 =	vor.u32 s25, v1  }
0xeb: {  	s24 =	sand.u32 $0x7F, s24;
	v21 =	vor.u32 s25, v3  }
0xec: {  	v19 =	vor.u32 s24, v3  }
0xed: {  	v18 =	vor.u32 s24, v1;
	_ =	sdelay $0x1  }
0xee: {  	v20 =	vld.idx.msk [tilespmem:v33+s13+$0x0], $0xffff;
	s26 =	spop (v2sf)  }
0xef: {  	v21 =	vld.idx.msk [tilespmem:v21+s13+$0x0], $0xffff;
	s24 =	sand.u32 $0xFFFFF80, s26  }
0xf0: {  	v19 =	vld.idx.msk [tilespmem:v19+s12+$0x0], $0xffff;
	s25 =	spop (v2sf);
	s24 =	sadd.s32 s1, s24  }
0xf1: {  	v18 =	vld.idx.msk [tilespmem:v18+s12+$0x0], $0xffff;
	[tilespmem:s12], [sflag:$0x1] =	stream.strided.gather [hbm4b:s24+s12], $0x1000, s11, s12, $0x38  }
0xf2: {  	s24 =	sand.u32 $0xFFFFF80, s25  }
0xf3: {  	s24 =	sadd.s32 s2, s24  }
0xf4: {  	[tilespmem:s13], [sflag:$0x9] =	stream.strided.gather [hbm4b:s24+s12], $0x1000, s11, s12, $0x38;
	[tilespmem:$0x10600] =	vst v63  }
0xf5: {  	v22 =	vld [tilespmem:s20+$0x0]  }
0xf6: {  	v23 =	vld [tilespmem:s20+$0x200]  }
0xf7: {  	s26 =	sor.u32 $0x1, s23  }
0xf8: {  	v24 =	vmov s26  }
0xf9: {  	vm9 =	veq.s32 v24, v0  }
0xfa: {  	v22 =	vnsel vm9, $0x0, v22  }
0xfb: {  	v34 =	vnsel vm9, $0x0, v23;
	(xrf0) =	vadd.scan.msk.s32 $0xffff, v22  }
0xfc: {  	(xrf0) =	vadd.scan.msk.s32 $0xffff, v34;
	_ =	sdelay $0x4  }
0xfd: {  	v35, _, _ =	vpop (xrf0)  }
0xfe: {  	(v2sf) =	vpush v35, $0xF;
	v36, _, _ =	vpop (xrf0)  }
0xff: {  	(v2sf) =	vpush v36, $0xF  }
0x100: {  	v19 =	vmul.f32 v21, v19;
	v18 =	vmul.f32 v20, v18;
	_ =	sdelay $0x1  }
0x101: {  	v18 =	vadd.f32 v19, v18;
	_ =	sdelay $0x1  }
0x102: {  	(xrf2) =	vadd.scan.msk.f32 $0xffff, v18;
	_ =	sdelay $0x8  }
0x103: {  	s24 =	spop (v2sf)  }
0x104: {  	v18, _, _ =	vpop (xrf2);
	s25 =	spop (v2sf)  }
0x105: {  	_ =	swait.ge [sflag:s31], $0x1000  }
0x106: {  	[sflag:s31] =	ssyncset.done $0x0  }
0x107: {  	[sflag:s31] =	ssyncadd.s32 $0xFFFFF000  }
0x108: {  	_ =	swait.ge [sflag:s0], $0x1000  }
0x109: {  	[sflag:s0] =	ssyncset.done $0x0  }
0x10a: {  	[sflag:s0] =	ssyncadd.s32 $0xFFFFF000  }
0x10b: {  	v19 =	vld [tilespmem:s21+$0x0];
	_ =	sdelay $0x1  }
0x10c: {  	s26 =	sor.u32 $0x1, s22;
	v38 =	vld [tilespmem:s21+$0x200]  }
0x10d: {  	v37 =	vmov s26  }
0x10e: {  	vm10 =	veq.s32 v37, v0  }
0x10f: {  	v19 =	vnsel vm10, $0x0, v19  }
0x110: {  	(xrf0) =	vadd.scan.msk.s32 $0xffff, v19  }
0x111: {  	v19 =	vnsel vm10, $0x0, v38  }
0x112: {  	(xrf0) =	vadd.scan.msk.s32 $0xffff, v19;
	_ =	sdelay $0x3  }
0x113: {  	v19, _, _ =	vpop (xrf0)  }
0x114: {  	(v2sf) =	vpush v19, $0xF  }
0x115: {  	v19, _, _ =	vpop (xrf0)  }
0x116: {  	(v2sf) =	vpush v19, $0xF;
	_ =	sdelay $0x6  }
0x117: {  	s24 =	sand.u32 $0x7F, s24  }
0x118: {  	s25 =	sand.u32 $0x7F, s25;
	v39 =	vor.u32 s24, v5  }
0x119: {  	v40 =	vor.u32 s25, v4  }
0x11a: {  	v41 =	vor.u32 s25, v5  }
0x11b: {  	v19 =	vor.u32 s24, v4;
	_ =	sdelay $0x1  }
0x11c: {  	v20 =	vld.idx.msk [tilespmem:v39+s12+$0x0], $0xffff;
	s25 =	spop (v2sf)  }
0x11d: {  	v21 =	vld.idx.msk [tilespmem:v40+s13+$0x0], $0xffff;
	s24 =	sand.u32 $0xFFFFF80, s25  }
0x11e: {  	s26 =	simm.s32 $0x1400;
	v22 =	vld.idx.msk [tilespmem:v41+s13+$0x0], $0xffff;
	s25 =	spop (v2sf);
	s24 =	sadd.s32 s1, s24  }
0x11f: {  	v19 =	vld.idx.msk [tilespmem:v19+s12+$0x0], $0xffff;
	[tilespmem:s26], [sflag:$0x2] =	stream.strided.gather [hbm4b:s24+s12], $0x1000, s11, s12, $0x38  }
0x120: {  	s24 =	sand.u32 $0xFFFFF80, s25  }
0x121: {  	s26 =	simm.s32 $0x9400;
	s24 =	sadd.s32 s2, s24  }
0x122: {  	[tilespmem:s26], [sflag:$0xA] =	stream.strided.gather [hbm4b:s24+s12], $0x1000, s11, s12, $0x38;
	[tilespmem:$0x10600] =	vst v63  }
0x123: {  	v42 =	vld [tilespmem:s20+$0x0]  }
0x124: {  	v43 =	vld [tilespmem:s20+$0x200]  }
0x125: {  	s26 =	sor.u32 $0x2, s23  }
0x126: {  	v25 =	vmov s26  }
0x127: {  	vm10 =	veq.s32 v25, v0  }
0x128: {  	v23 =	vnsel vm10, $0x0, v42  }
0x129: {  	v44 =	vnsel vm10, $0x0, v43;
	(xrf0) =	vadd.scan.msk.s32 $0xffff, v23  }
0x12a: {  	(xrf0) =	vadd.scan.msk.s32 $0xffff, v44;
	_ =	sdelay $0x4  }
0x12b: {  	v45, _, _ =	vpop (xrf0)  }
0x12c: {  	(v2sf) =	vpush v45, $0xF;
	v46, _, _ =	vpop (xrf0)  }
0x12d: {  	(v2sf) =	vpush v46, $0xF  }
0x12e: {  	v20 =	vmul.f32 v22, v20;
	v19 =	vmul.f32 v21, v19;
	_ =	sdelay $0x1  }
0x12f: {  	v19 =	vadd.f32 v20, v19;
	_ =	sdelay $0x1  }
0x130: {  	(xrf2) =	vadd.scan.msk.f32 $0xffff, v19;
	_ =	sdelay $0x8  }
0x131: {  	s24 =	spop (v2sf)  }
0x132: {  	v19, _, _ =	vpop (xrf2);
	s25 =	spop (v2sf)  }
0x133: {  	_ =	swait.ge [sflag:s3], $0x1000  }
0x134: {  	[sflag:s3] =	ssyncset.done $0x0  }
0x135: {  	[sflag:s3] =	ssyncadd.s32 $0xFFFFF000  }
0x136: {  	_ =	swait.ge [sflag:s10], $0x1000  }
0x137: {  	[sflag:s10] =	ssyncset.done $0x0  }
0x138: {  	[sflag:s10] =	ssyncadd.s32 $0xFFFFF000  }
0x139: {  	v47 =	vld [tilespmem:s21+$0x0];
	_ =	sdelay $0x1  }
0x13a: {  	s26 =	sor.u32 $0x2, s22;
	v49 =	vld [tilespmem:s21+$0x200]  }
0x13b: {  	v48 =	vmov s26  }
0x13c: {  	vm11 =	veq.s32 v48, v0  }
0x13d: {  	v20 =	vnsel vm11, $0x0, v47  }
0x13e: {  	(xrf0) =	vadd.scan.msk.s32 $0xffff, v20  }
0x13f: {  	v50 =	vnsel vm11, $0x0, v49  }
0x140: {  	(xrf0) =	vadd.scan.msk.s32 $0xffff, v50;
	_ =	sdelay $0x3  }
0x141: {  	v51, _, _ =	vpop (xrf0)  }
0x142: {  	(v2sf) =	vpush v51, $0xF  }
0x143: {  	v52, _, _ =	vpop (xrf0)  }
0x144: {  	(v2sf) =	vpush v52, $0xF;
	_ =	sdelay $0x6  }
0x145: {  	s24 =	sand.u32 $0x7F, s24  }
0x146: {  	s25 =	sand.u32 $0x7F, s25;
	v54 =	vor.u32 s24, v7  }
0x147: {  	v55 =	vor.u32 s25, v6  }
0x148: {  	v56 =	vor.u32 s25, v7  }
0x149: {  	v53 =	vor.u32 s24, v6;
	_ =	sdelay $0x1  }
0x14a: {  	v21 =	vld.idx.msk [tilespmem:v54+s12+$0x0], $0xffff;
	s25 =	spop (v2sf)  }
0x14b: {  	v22 =	vld.idx.msk [tilespmem:v55+s13+$0x0], $0xffff;
	s24 =	sand.u32 $0xFFFFF80, s25  }
0x14c: {  	s26 =	simm.s32 $0x2400;
	v23 =	vld.idx.msk [tilespmem:v56+s13+$0x0], $0xffff;
	s25 =	spop (v2sf);
	s24 =	sadd.s32 s1, s24  }
0x14d: {  	v20 =	vld.idx.msk [tilespmem:v53+s12+$0x0], $0xffff;
	[tilespmem:s26], [sflag:$0x3] =	stream.strided.gather [hbm4b:s24+s12], $0x1000, s11, s12, $0x38  }
0x14e: {  	s24 =	sand.u32 $0xFFFFF80, s25  }
0x14f: {  	s26 =	simm.s32 $0xA400;
	s24 =	sadd.s32 s2, s24  }
0x150: {  	[tilespmem:s26], [sflag:$0xB] =	stream.strided.gather [hbm4b:s24+s12], $0x1000, s11, s12, $0x38;
	[tilespmem:$0x10600] =	vst v63  }
0x151: {  	v57 =	vld [tilespmem:s20+$0x0]  }
0x152: {  	v58 =	vld [tilespmem:s20+$0x200]  }
0x153: {  	s25 =	sor.u32 $0x3, s23  }
0x154: {  	v26 =	vmov s25  }
0x155: {  	vm11 =	veq.s32 v26, v0  }
0x156: {  	v24 =	vnsel vm11, $0x0, v57  }
0x157: {  	v59 =	vnsel vm11, $0x0, v58;
	(xrf0) =	vadd.scan.msk.s32 $0xffff, v24  }
0x158: {  	(xrf0) =	vadd.scan.msk.s32 $0xffff, v59;
	_ =	sdelay $0x4  }
0x159: {  	v60, _, _ =	vpop (xrf0)  }
0x15a: {  	(v2sf) =	vpush v60, $0xF;
	v61, _, _ =	vpop (xrf0)  }
0x15b: {  	(v2sf) =	vpush v61, $0xF  }
0x15c: {  	v21 =	vmul.f32 v23, v21;
	v20 =	vmul.f32 v22, v20;
	_ =	sdelay $0x1  }
0x15d: {  	v20 =	vadd.f32 v21, v20;
	_ =	sdelay $0x1  }
0x15e: {  	(xrf2) =	vadd.scan.msk.f32 $0xffff, v20;
	_ =	sdelay $0x8  }
0x15f: {  	s24 =	spop (v2sf)  }
0x160: {  	v20, _, _ =	vpop (xrf2);
	s25 =	spop (v2sf)  }
0x161: {  	_ =	swait.ge [sflag:s5], $0x1000  }
0x162: {  	[sflag:s5] =	ssyncset.done $0x0  }
0x163: {  	[sflag:s5] =	ssyncadd.s32 $0xFFFFF000  }
0x164: {  	_ =	swait.ge [sflag:s6], $0x1000  }
0x165: {  	[sflag:s6] =	ssyncset.done $0x0  }
0x166: {  	[sflag:s6] =	ssyncadd.s32 $0xFFFFF000  }
0x167: {  	v62 =	vld [tilespmem:s21+$0x0];
	_ =	sdelay $0x1  }
0x168: {  	s26 =	sor.u32 $0x3, s22;
	v24 =	vld [tilespmem:s21+$0x200]  }
0x169: {  	v63 =	vmov s26  }
0x16a: {  	vm12 =	veq.s32 v63, v0  }
0x16b: {  	v21 =	vnsel vm12, $0x0, v62  }
0x16c: {  	(xrf0) =	vadd.scan.msk.s32 $0xffff, v21  }
0x16d: {  	v25 =	vnsel vm12, $0x0, v24  }
0x16e: {  	(xrf0) =	vadd.scan.msk.s32 $0xffff, v25;
	_ =	sdelay $0x3  }
0x16f: {  	v26, _, _ =	vpop (xrf0)  }
0x170: {  	(v2sf) =	vpush v26, $0xF  }
0x171: {  	v27, _, _ =	vpop (xrf0)  }
0x172: {  	(v2sf) =	vpush v27, $0xF;
	_ =	sdelay $0x6  }
0x173: {  	s24 =	sand.u32 $0x7F, s24  }
0x174: {  	s25 =	sand.u32 $0x7F, s25;
	v29 =	vor.u32 s24, v9  }
0x175: {  	v30 =	vor.u32 s25, v8  }
0x176: {  	v31 =	vor.u32 s25, v9  }
0x177: {  	v28 =	vor.u32 s24, v8;
	_ =	sdelay $0x1  }
0x178: {  	v22 =	vld.idx.msk [tilespmem:v29+s12+$0x0], $0xffff;
	s26 =	spop (v2sf)  }
0x179: {  	v23 =	vld.idx.msk [tilespmem:v30+s13+$0x0], $0xffff;
	s24 =	sand.u32 $0xFFFFF80, s26  }
0x17a: {  	v24 =	vld.idx.msk [tilespmem:v31+s13+$0x0], $0xffff;
	s25 =	spop (v2sf);
	s24 =	sadd.s32 s1, s24  }
0x17b: {  	v21 =	vld.idx.msk [tilespmem:v28+s12+$0x0], $0xffff;
	[tilespmem:s28], [sflag:$0x4] =	stream.strided.gather [hbm4b:s24+s12], $0x1000, s11, s12, $0x38  }
0x17c: {  	s24 =	sand.u32 $0xFFFFF80, s25  }
0x17d: {  	s26 =	simm.s32 $0xB400;
	s24 =	sadd.s32 s2, s24  }
0x17e: {  	[tilespmem:s26], [sflag:$0xC] =	stream.strided.gather [hbm4b:s24+s12], $0x1000, s11, s12, $0x38;
	[tilespmem:$0x10600] =	vst v63  }
0x17f: {  	v32 =	vld [tilespmem:s20+$0x0]  }
0x180: {  	v33 =	vld [tilespmem:s20+$0x200]  }
0x181: {  	s26 =	sor.u32 $0x4, s23  }
0x182: {  	v27 =	vmov s26  }
0x183: {  	vm12 =	veq.s32 v27, v0  }
0x184: {  	v25 =	vnsel vm12, $0x0, v32  }
0x185: {  	v34 =	vnsel vm12, $0x0, v33;
	(xrf0) =	vadd.scan.msk.s32 $0xffff, v25  }
0x186: {  	(xrf0) =	vadd.scan.msk.s32 $0xffff, v34;
	_ =	sdelay $0x4  }
0x187: {  	v35, _, _ =	vpop (xrf0)  }
0x188: {  	(v2sf) =	vpush v35, $0xF;
	v36, _, _ =	vpop (xrf0)  }
0x189: {  	(v2sf) =	vpush v36, $0xF  }
0x18a: {  	v22 =	vmul.f32 v24, v22;
	v21 =	vmul.f32 v23, v21;
	_ =	sdelay $0x1  }
0x18b: {  	v21 =	vadd.f32 v22, v21;
	_ =	sdelay $0x1  }
0x18c: {  	(xrf2) =	vadd.scan.msk.f32 $0xffff, v21;
	_ =	sdelay $0x8  }
0x18d: {  	s24 =	spop (v2sf)  }
0x18e: {  	v21, _, _ =	vpop (xrf2);
	s25 =	spop (v2sf)  }
0x18f: {  	_ =	swait.ge [sflag:s7], $0x1000  }
0x190: {  	[sflag:s7] =	ssyncset.done $0x0  }
0x191: {  	[sflag:s7] =	ssyncadd.s32 $0xFFFFF000  }
0x192: {  	_ =	swait.ge [sflag:s8], $0x1000  }
0x193: {  	[sflag:s8] =	ssyncset.done $0x0  }
0x194: {  	[sflag:s8] =	ssyncadd.s32 $0xFFFFF000  }
0x195: {  	v37 =	vld [tilespmem:s21+$0x0];
	_ =	sdelay $0x1  }
0x196: {  	s26 =	sor.u32 $0x4, s22;
	v39 =	vld [tilespmem:s21+$0x200]  }
0x197: {  	v38 =	vmov s26  }
0x198: {  	vm13 =	veq.s32 v38, v0  }
0x199: {  	v22 =	vnsel vm13, $0x0, v37  }
0x19a: {  	(xrf0) =	vadd.scan.msk.s32 $0xffff, v22  }
0x19b: {  	v40 =	vnsel vm13, $0x0, v39  }
0x19c: {  	(xrf0) =	vadd.scan.msk.s32 $0xffff, v40;
	_ =	sdelay $0x3  }
0x19d: {  	v41, _, _ =	vpop (xrf0)  }
0x19e: {  	(v2sf) =	vpush v41, $0xF  }
0x19f: {  	v42, _, _ =	vpop (xrf0)  }
0x1a0: {  	(v2sf) =	vpush v42, $0xF;
	_ =	sdelay $0x6  }
0x1a1: {  	s24 =	sand.u32 $0x7F, s24  }
0x1a2: {  	s25 =	sand.u32 $0x7F, s25;
	v44 =	vor.u32 s24, v11  }
0x1a3: {  	v45 =	vor.u32 s25, v10  }
0x1a4: {  	v46 =	vor.u32 s25, v11  }
0x1a5: {  	v43 =	vor.u32 s24, v10;
	_ =	sdelay $0x1  }
0x1a6: {  	v23 =	vld.idx.msk [tilespmem:v44+s12+$0x0], $0xffff;
	s25 =	spop (v2sf)  }
0x1a7: {  	v24 =	vld.idx.msk [tilespmem:v45+s13+$0x0], $0xffff;
	s24 =	sand.u32 $0xFFFFF80, s25  }
0x1a8: {  	s26 =	simm.s32 $0x4400;
	v25 =	vld.idx.msk [tilespmem:v46+s13+$0x0], $0xffff;
	s25 =	spop (v2sf);
	s24 =	sadd.s32 s1, s24  }
0x1a9: {  	v22 =	vld.idx.msk [tilespmem:v43+s12+$0x0], $0xffff;
	[tilespmem:s26], [sflag:$0x5] =	stream.strided.gather [hbm4b:s24+s12], $0x1000, s11, s12, $0x38  }
0x1aa: {  	s24 =	sand.u32 $0xFFFFF80, s25  }
0x1ab: {  	s26 =	simm.s32 $0xC400;
	s24 =	sadd.s32 s2, s24  }
0x1ac: {  	[tilespmem:s26], [sflag:$0xD] =	stream.strided.gather [hbm4b:s24+s12], $0x1000, s11, s12, $0x38;
	[tilespmem:$0x10600] =	vst v63  }
0x1ad: {  	v47 =	vld [tilespmem:s20+$0x0]  }
0x1ae: {  	v48 =	vld [tilespmem:s20+$0x200]  }
0x1af: {  	s26 =	sor.u32 $0x5, s23  }
0x1b0: {  	v28 =	vmov s26  }
0x1b1: {  	vm13 =	veq.s32 v28, v0  }
0x1b2: {  	v26 =	vnsel vm13, $0x0, v47  }
0x1b3: {  	v49 =	vnsel vm13, $0x0, v48;
	(xrf0) =	vadd.scan.msk.s32 $0xffff, v26  }
0x1b4: {  	(xrf0) =	vadd.scan.msk.s32 $0xffff, v49;
	_ =	sdelay $0x4  }
0x1b5: {  	v50, _, _ =	vpop (xrf0)  }
0x1b6: {  	(v2sf) =	vpush v50, $0xF;
	v51, _, _ =	vpop (xrf0)  }
0x1b7: {  	(v2sf) =	vpush v51, $0xF  }
0x1b8: {  	v23 =	vmul.f32 v25, v23;
	v22 =	vmul.f32 v24, v22;
	_ =	sdelay $0x1  }
0x1b9: {  	v22 =	vadd.f32 v23, v22;
	_ =	sdelay $0x1  }
0x1ba: {  	(xrf2) =	vadd.scan.msk.f32 $0xffff, v22;
	_ =	sdelay $0x8  }
0x1bb: {  	s24 =	spop (v2sf)  }
0x1bc: {  	v22, _, _ =	vpop (xrf2);
	s25 =	spop (v2sf)  }
0x1bd: {  	_ =	swait.ge [sflag:s4], $0x1000  }
0x1be: {  	[sflag:s4] =	ssyncset.done $0x0  }
0x1bf: {  	[sflag:s4] =	ssyncadd.s32 $0xFFFFF000  }
0x1c0: {  	_ =	swait.ge [sflag:s9], $0x1000  }
0x1c1: {  	[sflag:s9] =	ssyncset.done $0x0  }
0x1c2: {  	[sflag:s9] =	ssyncadd.s32 $0xFFFFF000  }
0x1c3: {  	v52 =	vld [tilespmem:s21+$0x0];
	_ =	sdelay $0x1  }
0x1c4: {  	s26 =	sor.u32 $0x5, s22;
	v54 =	vld [tilespmem:s21+$0x200]  }
0x1c5: {  	v53 =	vmov s26  }
0x1c6: {  	vm14 =	veq.s32 v53, v0  }
0x1c7: {  	v23 =	vnsel vm14, $0x0, v52  }
0x1c8: {  	(xrf0) =	vadd.scan.msk.s32 $0xffff, v23  }
0x1c9: {  	v55 =	vnsel vm14, $0x0, v54  }
0x1ca: {  	(xrf0) =	vadd.scan.msk.s32 $0xffff, v55;
	_ =	sdelay $0x3  }
0x1cb: {  	v56, _, _ =	vpop (xrf0)  }
0x1cc: {  	(v2sf) =	vpush v56, $0xF  }
0x1cd: {  	v57, _, _ =	vpop (xrf0)  }
0x1ce: {  	(v2sf) =	vpush v57, $0xF;
	_ =	sdelay $0x6  }
0x1cf: {  	s24 =	sand.u32 $0x7F, s24  }
0x1d0: {  	s25 =	sand.u32 $0x7F, s25;
	v59 =	vor.u32 s24, v13  }
0x1d1: {  	v60 =	vor.u32 s25, v12  }
0x1d2: {  	v61 =	vor.u32 s25, v13  }
0x1d3: {  	v58 =	vor.u32 s24, v12;
	_ =	sdelay $0x1  }
0x1d4: {  	v24 =	vld.idx.msk [tilespmem:v59+s12+$0x0], $0xffff;
	s25 =	spop (v2sf)  }
0x1d5: {  	v25 =	vld.idx.msk [tilespmem:v60+s13+$0x0], $0xffff;
	s24 =	sand.u32 $0xFFFFF80, s25  }
0x1d6: {  	s26 =	simm.s32 $0x5400;
	v26 =	vld.idx.msk [tilespmem:v61+s13+$0x0], $0xffff;
	s25 =	spop (v2sf);
	s24 =	sadd.s32 s1, s24  }
0x1d7: {  	v23 =	vld.idx.msk [tilespmem:v58+s12+$0x0], $0xffff;
	[tilespmem:s26], [sflag:$0x6] =	stream.strided.gather [hbm4b:s24+s12], $0x1000, s11, s12, $0x38  }
0x1d8: {  	s24 =	sand.u32 $0xFFFFF80, s25  }
0x1d9: {  	s26 =	simm.s32 $0xD400;
	s24 =	sadd.s32 s2, s24  }
0x1da: {  	[tilespmem:s26], [sflag:$0xE] =	stream.strided.gather [hbm4b:s24+s12], $0x1000, s11, s12, $0x38;
	[tilespmem:$0x10600] =	vst v63  }
0x1db: {  	v62 =	vld [tilespmem:s20+$0x0]  }
0x1dc: {  	v63 =	vld [tilespmem:s20+$0x200]  }
0x1dd: {  	s25 =	sor.u32 $0x6, s23  }
0x1de: {  	v29 =	vmov s25  }
0x1df: {  	vm14 =	veq.s32 v29, v0  }
0x1e0: {  	v27 =	vnsel vm14, $0x0, v62  }
0x1e1: {  	v32 =	vnsel vm14, $0x0, v63;
	(xrf0) =	vadd.scan.msk.s32 $0xffff, v27  }
0x1e2: {  	(xrf0) =	vadd.scan.msk.s32 $0xffff, v32;
	_ =	sdelay $0x4  }
0x1e3: {  	v33, _, _ =	vpop (xrf0)  }
0x1e4: {  	(v2sf) =	vpush v33, $0xF;
	v34, _, _ =	vpop (xrf0)  }
0x1e5: {  	(v2sf) =	vpush v34, $0xF  }
0x1e6: {  	v24 =	vmul.f32 v26, v24;
	v23 =	vmul.f32 v25, v23;
	_ =	sdelay $0x1  }
0x1e7: {  	v23 =	vadd.f32 v24, v23;
	_ =	sdelay $0x1  }
0x1e8: {  	(xrf2) =	vadd.scan.msk.f32 $0xffff, v23;
	_ =	sdelay $0x8  }
0x1e9: {  	s24 =	spop (v2sf)  }
0x1ea: {  	v23, _, _ =	vpop (xrf2);
	s25 =	spop (v2sf)  }
0x1eb: {  	_ =	swait.ge [sflag:s14], $0x1000  }
0x1ec: {  	[sflag:s14] =	ssyncset.done $0x0  }
0x1ed: {  	[sflag:s14] =	ssyncadd.s32 $0xFFFFF000  }
0x1ee: {  	_ =	swait.ge [sflag:s15], $0x1000  }
0x1ef: {  	[sflag:s15] =	ssyncset.done $0x0  }
0x1f0: {  	[sflag:s15] =	ssyncadd.s32 $0xFFFFF000  }
0x1f1: {  	v35 =	vld [tilespmem:s21+$0x0];
	_ =	sdelay $0x1  }
0x1f2: {  	s26 =	sor.u32 $0x6, s22;
	v37 =	vld [tilespmem:s21+$0x200]  }
0x1f3: {  	v36 =	vmov s26  }
0x1f4: {  	vm15 =	veq.s32 v36, v0  }
0x1f5: {  	v24 =	vnsel vm15, $0x0, v35  }
0x1f6: {  	(xrf0) =	vadd.scan.msk.s32 $0xffff, v24  }
0x1f7: {  	v38 =	vnsel vm15, $0x0, v37  }
0x1f8: {  	(xrf0) =	vadd.scan.msk.s32 $0xffff, v38;
	_ =	sdelay $0x3  }
0x1f9: {  	v39, _, _ =	vpop (xrf0)  }
0x1fa: {  	(v2sf) =	vpush v39, $0xF  }
0x1fb: {  	v40, _, _ =	vpop (xrf0)  }
0x1fc: {  	(v2sf) =	vpush v40, $0xF;
	_ =	sdelay $0x6  }
0x1fd: {  	s24 =	sand.u32 $0x7F, s24  }
0x1fe: {  	v42 =	vor.u32 s24, v15;
	s26 =	sand.u32 $0x7F, s25  }
0x1ff: {  	v43 =	vor.u32 s26, v14  }
0x200: {  	v44 =	vor.u32 s26, v15  }
0x201: {  	v41 =	vor.u32 s24, v14;
	_ =	sdelay $0x1  }
0x202: {  	v25 =	vld.idx.msk [tilespmem:v42+s12+$0x0], $0xffff;
	s25 =	spop (v2sf)  }
0x203: {  	v26 =	vld.idx.msk [tilespmem:v43+s13+$0x0], $0xffff;
	s24 =	sand.u32 $0xFFFFF80, s25  }
0x204: {  	s26 =	simm.s32 $0x6400;
	v27 =	vld.idx.msk [tilespmem:v44+s13+$0x0], $0xffff;
	s25 =	spop (v2sf);
	s24 =	sadd.s32 s1, s24  }
0x205: {  	v24 =	vld.idx.msk [tilespmem:v41+s12+$0x0], $0xffff;
	[tilespmem:s26], [sflag:$0x7] =	stream.strided.gather [hbm4b:s24+s12], $0x1000, s11, s12, $0x38  }
0x206: {  	s24 =	sand.u32 $0xFFFFF80, s25  }
0x207: {  	s26 =	simm.s32 $0xE400;
	s24 =	sadd.s32 s2, s24  }
0x208: {  	[tilespmem:s26], [sflag:$0xF] =	stream.strided.gather [hbm4b:s24+s12], $0x1000, s11, s12, $0x38;
	[tilespmem:$0x10600] =	vst v63  }
0x209: {  	v45 =	vld [tilespmem:s20+$0x0]  }
0x20a: {  	v46 =	vld [tilespmem:s20+$0x200]  }
0x20b: {  	s23 =	sor.u32 $0x7, s23  }
0x20c: {  	v30 =	vmov s23  }
0x20d: {  	vm15 =	veq.s32 v30, v0  }
0x20e: {  	v28 =	vnsel vm15, $0x0, v45  }
0x20f: {  	v47 =	vnsel vm15, $0x0, v46;
	(xrf0) =	vadd.scan.msk.s32 $0xffff, v28  }
0x210: {  	(xrf0) =	vadd.scan.msk.s32 $0xffff, v47;
	_ =	sdelay $0x4  }
0x211: {  	v48, _, _ =	vpop (xrf0)  }
0x212: {  	(v2sf) =	vpush v48, $0xF;
	v49, _, _ =	vpop (xrf0)  }
0x213: {  	(v2sf) =	vpush v49, $0xF  }
0x214: {  	v25 =	vmul.f32 v27, v25;
	v24 =	vmul.f32 v26, v24;
	_ =	sdelay $0x1  }
0x215: {  	v24 =	vadd.f32 v25, v24;
	_ =	sdelay $0x1  }
0x216: {  	(xrf2) =	vadd.scan.msk.f32 $0xffff, v24;
	_ =	sdelay $0x8  }
0x217: {  	s24 =	spop (v2sf)  }
0x218: {  	v24, _, _ =	vpop (xrf2);
	s25 =	spop (v2sf)  }
0x219: {  	_ =	swait.ge [sflag:s16], $0x1000  }
0x21a: {  	[sflag:s16] =	ssyncset.done $0x0  }
0x21b: {  	[sflag:s16] =	ssyncadd.s32 $0xFFFFF000  }
0x21c: {  	_ =	swait.ge [sflag:s17], $0x1000  }
0x21d: {  	[sflag:s17] =	ssyncset.done $0x0  }
0x21e: {  	[sflag:s17] =	ssyncadd.s32 $0xFFFFF000  }
0x21f: {  	v50 =	vld [tilespmem:s21+$0x0];
	_ =	sdelay $0x1  }
0x220: {  	s22 =	sor.u32 $0x7, s22;
	v52 =	vld [tilespmem:s21+$0x200]  }
0x221: {  	v51 =	vmov s22  }
0x222: {  	vm1 =	veq.s32 v51, v0  }
0x223: {  	v25 =	vnsel vm1, $0x0, v50  }
0x224: {  	s26 =	sand.u32 $0x7F, s24;
	(xrf0) =	vadd.scan.msk.s32 $0xffff, v25  }
0x225: {  	v54 =	vor.u32 s26, v17;
	s22 =	sand.u32 $0x7F, s25;
	v27 =	vnsel vm1, $0x0, v52  }
0x226: {  	v55 =	vor.u32 s22, v16;
	(xrf0) =	vadd.scan.msk.s32 $0xffff, v27  }
0x227: {  	v53 =	vor.u32 s26, v16  }
0x228: {  	v56 =	vor.u32 s22, v17;
	_ =	sdelay $0x1  }
0x229: {  	v26 =	vld.idx.msk [tilespmem:v54+s12+$0x0], $0xffff;
	v57, _, _ =	vpop (xrf0)  }
0x22a: {  	v28 =	vld.idx.msk [tilespmem:v55+s13+$0x0], $0xffff;
	(v2sf) =	vpush v57, $0xF  }
0x22b: {  	v25 =	vld.idx.msk [tilespmem:v53+s12+$0x0], $0xffff;
	v58, _, _ =	vpop (xrf0)  }
0x22c: {  	v27 =	vld.idx.msk [tilespmem:v56+s13+$0x0], $0xffff;
	(v2sf) =	vpush v58, $0xF;
	_ =	sdelay $0x4  }
0x22d: {  	v18 =	vadd.f32 $0.0e+00, v18;
	v25 =	vmul.f32 v28, v25;
	v26 =	vmul.f32 v27, v26;
	_ =	sdelay $0x1  }
0x22e: {  	v18 =	vbroadcast v18, $0xF;
	v19 =	vbroadcast v19, $0xF;
	v25 =	vadd.f32 v26, v25;
	_ =	sdelay $0x1  }
0x22f: {  	v18 =	vnsel vm8, $0x0, v18;
	v19 =	vnsel vm9, $0x0, v19;
	v20 =	vbroadcast v20, $0xF;
	(xrf2) =	vadd.scan.msk.f32 $0xffff, v25  }
0x230: {  	v18 =	vadd.f32 v19, v18  }
0x231: {  	v19 =	vnsel vm10, $0x0, v20;
	v59 =	vbroadcast v21, $0xF  }
0x232: {  	v18 =	vadd.f32 v19, v18  }
0x233: {  	v60 =	vbroadcast v22, $0xF;
	v19 =	vnsel vm11, $0x0, v59;
	s23 =	spop (v2sf)  }
0x234: {  	v18 =	vadd.f32 v19, v18;
	v61 =	vbroadcast v23, $0xF;
	s21 =	sand.u32 $0xFFFFF80, s23  }
0x235: {  	v19 =	vnsel vm12, $0x0, v60;
	s24 =	simm.s32 $0x7400;
	s25 =	spop (v2sf);
	s21 =	sadd.s32 s1, s21  }
0x236: {  	v18 =	vadd.f32 v19, v18;
	v19 =	vnsel vm13, $0x0, v61;
	[tilespmem:s24], [sflag:$0x8] =	stream.strided.gather [hbm4b:s21+s12], $0x1000, s11, s12, $0x38;
	[tilespmem:$0x10600] =	vst v63  }
0x237: {  	s21 =	sand.u32 $0xFFFFF80, s25  }
0x238: {  	v62 =	vbroadcast v24, $0xF;
	s26 =	simm.s32 $0xF400;
	s21 =	sadd.s32 s2, s21  }
0x239: {  	v18 =	vadd.f32 v19, v18;
	v19, _, _ =	vpop (xrf2);
	[tilespmem:s26], [sflag:$0x10] =	stream.strided.gather [hbm4b:s21+s12], $0x1000, s11, s12, $0x38;
	[tilespmem:$0x10600] =	vst v63  }
0x23a: {  	v20 =	vnsel vm14, $0x0, v62;
	v19 =	vbroadcast v19, $0xF;
	v63 =	vld [tilespmem:s20+$0x10400]  }
0x23b: {  	v18 =	vadd.f32 v20, v18  }
0x23c: {  	p0 =	sne.s32 s19, $0x40;
	v19 =	vnsel vm15, $0x0, v19  }
.Ltmp0:
0x23d: {  	v18 =	vadd.f32 v19, v18;
	(pc) =	sbr.rel @p0 .LBB2_2-.Ltmp0, $3  }
0x23e: {  	_ = 	snop  }
0x23f: {  	v18 =	vadd.f32 v63, v18;
	_ =	sdelay $0x1  }
0x240: {  	s18 =	sadd.s32 $0x8, s18;
	s19 =	sadd.s32 $0x1, s19;
	[tilespmem:s20+$0x10400] =	vst v18  }
0x241: {  	_ =	swait.ge [sflag:s29], $0x1000  }
0x242: {  	[sflag:s29] =	ssyncset.done $0x0  }
0x243: {  	[sflag:s29] =	ssyncadd.s32 $0xFFFFF000  }
0x244: {  	_ =	swait.ge [sflag:s30], $0x1000  }
0x245: {  	[sflag:s30] =	ssyncset.done $0x0  }
0x246: {  	[sflag:s30] =	ssyncadd.s32 $0xFFFFF000  }
0x247: {  	_ =	swait.ge [sflag:s31], $0x1000  }
0x248: {  	[sflag:s31] =	ssyncset.done $0x0  }
0x249: {  	[sflag:s31] =	ssyncadd.s32 $0xFFFFF000  }
0x24a: {  	_ =	swait.ge [sflag:s0], $0x1000  }
0x24b: {  	[sflag:s0] =	ssyncset.done $0x0  }
0x24c: {  	[sflag:s0] =	ssyncadd.s32 $0xFFFFF000  }
0x24d: {  	_ =	swait.ge [sflag:s3], $0x1000  }
0x24e: {  	[sflag:s3] =	ssyncset.done $0x0  }
0x24f: {  	[sflag:s3] =	ssyncadd.s32 $0xFFFFF000  }
0x250: {  	_ =	swait.ge [sflag:s10], $0x1000  }
0x251: {  	[sflag:s10] =	ssyncset.done $0x0  }
0x252: {  	[sflag:s10] =	ssyncadd.s32 $0xFFFFF000  }
0x253: {  	_ =	swait.ge [sflag:s5], $0x1000  }
0x254: {  	[sflag:s5] =	ssyncset.done $0x0  }
0x255: {  	[sflag:s5] =	ssyncadd.s32 $0xFFFFF000  }
0x256: {  	_ =	swait.ge [sflag:s6], $0x1000  }
0x257: {  	[sflag:s6] =	ssyncset.done $0x0  }
0x258: {  	[sflag:s6] =	ssyncadd.s32 $0xFFFFF000  }
0x259: {  	_ =	swait.ge [sflag:s7], $0x1000  }
0x25a: {  	[sflag:s7] =	ssyncset.done $0x0  }
0x25b: {  	[sflag:s7] =	ssyncadd.s32 $0xFFFFF000  }
0x25c: {  	_ =	swait.ge [sflag:s8], $0x1000  }
0x25d: {  	[sflag:s8] =	ssyncset.done $0x0  }
0x25e: {  	[sflag:s8] =	ssyncadd.s32 $0xFFFFF000  }
0x25f: {  	_ =	swait.ge [sflag:s4], $0x1000  }
0x260: {  	[sflag:s4] =	ssyncset.done $0x0  }
0x261: {  	[sflag:s4] =	ssyncadd.s32 $0xFFFFF000  }
0x262: {  	_ =	swait.ge [sflag:s9], $0x1000  }
0x263: {  	[sflag:s9] =	ssyncset.done $0x0  }
0x264: {  	[sflag:s9] =	ssyncadd.s32 $0xFFFFF000  }
0x265: {  	_ =	swait.ge [sflag:s14], $0x1000  }
0x266: {  	[sflag:s14] =	ssyncset.done $0x0  }
0x267: {  	[sflag:s14] =	ssyncadd.s32 $0xFFFFF000  }
0x268: {  	_ =	swait.ge [sflag:s15], $0x1000  }
0x269: {  	[sflag:s15] =	ssyncset.done $0x0  }
0x26a: {  	[sflag:s15] =	ssyncadd.s32 $0xFFFFF000  }
0x26b: {  	_ =	swait.ge [sflag:s16], $0x1000  }
0x26c: {  	[sflag:s16] =	ssyncset.done $0x0  }
0x26d: {  	[sflag:s16] =	ssyncadd.s32 $0xFFFFF000  }
0x26e: {  	_ =	swait.ge [sflag:s17], $0x1000  }
0x26f: {  	s18 =	simm.s32 $0x0;
	[sflag:s17] =	ssyncset.done $0x0  }
0x270: {  	s20 =	simm.s32 $0x10400;
	s19 =	rddreg [dreg:$0x8];
	[sflag:s17] =	ssyncadd.s32 $0xFFFFF000  }
0x271: {  	[hbm4b:s19+s18] =	stream.linear.scatter [tilespmem:s20], [sflag:$0x11], $0x200, $0x38;
	[tilespmem:$0x10600] =	vst v63  }
0x272: {  	s20 =	simm.s32 $0x11  }
0x273: {  	_ =	swait.ge [sflag:s20], $0x200  }
0x274: {  	s21 =	rddreg [dreg:$0xa]  }
0x275: {  	s26 =	rddreg [dreg:$0x9];
	s21 =	sadd.s32 $0x1, s21  }
0x276: {  	p0 =	sne.s32 s21, s26  }
.Ltmp1:
0x277: {  	_ = 	snop;
	(pc) =	sbr.rel @p0 .LBB2_1-.Ltmp1, $4  }
0x278: {  	_ = 	snop  }
0x279: {  	s22 =	simm.s32 $0x1400;
	s23 =	simm.s32 $0x9400  }
0x27a: {  	s24 =	simm.s32 $0x2400;
	s25 =	simm.s32 $0xA400;
	[sflag:s20] =	ssyncset.done $0x0  }
0x27b: {  	s28 =	simm.s32 $0xB400;
	[sflag:s20] =	ssyncadd.s32 $0xFFFFFE00;
	s26 =	simm.s32 $0x3400  }
0x27c: {  	_ =	sfence.sel $0x180000  }
0x27d: {  	[bflag:$0x0] =	sbarrier.arrive $0xFFFF  }
0x27e: {  	_ =	strace $0x90000047  }
0x27f: {  	s0 =	stileid.u32;
	[bflag:$0x2] =	sbarrier.arrive $0xFFFF  }
0x280: {  	p0 =	sne.s32 s0, $0x0;
	s0 =	rddreg [dreg:$0x5]  }
0x281: {  	s0 =	sadd.s32 @!p0 $0x100000, s0  }
0x282: {  	[sflag:s0] =	ssyncadd.tile.s32 @!p0 $0x1;
	_ =	shalt  }
.Lfunc_end2:
_tile_overlayer_lowered:
.L_overlay_start_2:
0x283: {  	(tag) =	ssettag $0x2  }
0x284: {  	s0 =	rddreg [dreg:$0x0];
	s2 =	stileid.u32  }
0x285: {  	s1 =	rddreg [dreg:$0x1];
	p0 =	sne.s32 s2, $0x0  }
0x286: {  	s3 =	rddreg [dreg:$0x2];
	[bflag:$0x3] =	sbarrier.arrive $0xFFFF;
	s2 =	simm.s32 @!p0 $0x1C11  }
0x287: {  	[timem:s3], [sflag:s2] =	dma.local @!p0 [hbm:s0], s1  }
0x288: {  	s0 =	simm.s32 @!p0 $0x11  }
0x289: {  	_ =	swait.ge @!p0 [sflag:s0], s1  }
0x28a: {  	s1 =	ssub.s32 @!p0 $0x0, s1;
	[sflag:s0] =	ssyncset.done @!p0 $0x0  }
0x28b: {  	[sflag:s0] =	ssyncadd.s32 @!p0 s1  }
0x28c: {  	[bflag:$0x3] =	sbarrier.arrive $0xFFFF  }
0x28d: {  	_ =	shalt  }

</sc_bundles>
